<compile_context>
chip_gen: v7x
topology: tpu7x:2x2x1
jax: 0.10.2.dev20260603
libtpu: 0.0.44.dev20260713+nightly
codegen_flags: <defaults>
</compile_context>

<pallas_src>
import functools

import jax
import jax.numpy as jnp
from jax import lax
from jax.experimental import pallas as pl
from jax.experimental.pallas import tpu as pltpu
from jax.experimental.pallas import tpu_sc as plsc

H = W = 512
HW = H * W
D = 128
CELL = 16
BORDER = 16
NC = 30
N = NC * NC
NP = 1024
POS_R = 2

_OFFS = [(i, j) for i in range(-POS_R, POS_R + 1)
         for j in range(-POS_R, POS_R + 1) if i * i + j * j <= POS_R ** 2]
K = len(_OFFS)

NTILES = 32
SPT = NP // NTILES


def _sc_mesh():
    return plsc.VectorSubcoreMesh(core_axis_name="c", subcore_axis_name="s",
                                  num_cores=2, num_subcores=16)


def _colmax_kernel(d1_ref, d2_ref, out_ref):
    io = lax.broadcasted_iota(jnp.int32, (NC, CELL, NC * CELL), 1)
    res = []
    for dref in (d1_ref, d2_ref):
        x = dref[...].reshape(NC, CELL, NC * CELL)
        m = jnp.max(x, axis=1)
        r = jnp.min(jnp.where(x >= m[:, None, :], io, CELL), axis=1)
        res += [m, lax.bitcast_convert_type(r, jnp.float32)]
    out_ref[...] = jnp.stack(res, axis=0)


def _run_colmax(d1c, d2c):
    return pl.pallas_call(
        _colmax_kernel,
        out_shape=jax.ShapeDtypeStruct((4, NC, NC * CELL), jnp.float32),
    )(d1c, d2c)


def _argmax_kernel(m1_ref, r1_ref, m2_ref, r2_ref,
                   p1_ref, pd_ref, drow_ref, dcol_ref, tg1_ref):
    lane = lax.broadcasted_iota(jnp.int32, (1, NP), 1)
    ci = lane // NC
    cj = lane % NC
    rjio = lax.broadcasted_iota(jnp.int32, (CELL, NP), 0)

    def cell_argmax(m_ref, r_ref):
        m = m_ref[...]
        vmax = jnp.max(m, axis=0, keepdims=True)
        chan = r_ref[...] * CELL + rjio
        return jnp.min(jnp.where(m >= vmax, chan, 512), axis=0, keepdims=True)

    i1 = cell_argmax(m1_ref, r1_ref)
    i2 = cell_argmax(m2_ref, r2_ref)

    def coords(i):
        ri = i // CELL
        rj = i % CELL
        sx = jnp.clip(BORDER + cj * CELL + rj, 0, W - 1)
        sy = jnp.clip(BORDER + ci * CELL + ri, 0, H - 1)
        return sx, sy

    sx1, sy1 = coords(i1)
    sx2, sy2 = coords(i2)
    p1_ref[...] = sx1 * W + sy1
    pd_ref[...] = sx2 * W + sy2
    drow_ref[...] = sy2
    dcol_ref[...] = sx2
    tg1_ref[...] = ((sx1 - BORDER) % CELL) * W + sy1


def _run_argmax(m1r, r1r, m2r, r2r):
    return pl.pallas_call(
        _argmax_kernel,
        out_shape=[jax.ShapeDtypeStruct((1, NP), jnp.int32)] * 5,
    )(m1r, r1r, m2r, r2r)


def _gather1_kernel(des1_ref, tgt_ref, out_ref):
    slab = des1_ref[...].reshape(D, CELL * W)
    t = tgt_ref[...].reshape(32, 1)
    onehot = (lax.broadcasted_iota(jnp.int32, (32, CELL * W), 1) == t
              ).astype(jnp.bfloat16)

    hi_mask = jnp.int32(jnp.uint32(0xFFFF0000))
    h1 = lax.bitcast_convert_type(
        lax.bitcast_convert_type(slab, jnp.int32) & hi_mask, jnp.float32)
    r1 = slab - h1
    h2 = lax.bitcast_convert_type(
        lax.bitcast_convert_type(r1, jnp.int32) & hi_mask, jnp.float32)
    h3 = r1 - h2

    def dg(m):
        return lax.dot_general(onehot, m.astype(jnp.bfloat16),
                               (((1,), (1,)), ((), ())),
                               preferred_element_type=jnp.float32)

    out_ref[...] = ((dg(h1) + dg(h2)) + dg(h3))[None]


def _run_gather1(des1_3d, tgt3):
    return pl.pallas_call(
        _gather1_kernel,
        grid=(NC,),
        in_specs=[
            pl.BlockSpec((D, CELL, W), lambda i: (0, i + 1, 0)),
            pl.BlockSpec((1, 1, 32), lambda i: (i, 0, 0)),
        ],
        out_specs=pl.BlockSpec((1, 32, D), lambda i: (i, 0, 0)),
        out_shape=jax.ShapeDtypeStruct((NC, 32, D), jnp.float32),
    )(des1_3d, tgt3)


def _sc_gather_body(p1_hbm, pd_hbm, des2t, aflowf, qlt1f, qlt2f,
                    distr_o, neigh_o, qc_o, q1_o, xx_o, yy_o, mk_o,
                    p1v, pdv, axv, ayv, q1v, xy2xv, xy2yv, maskv, qcv,
                    dsv, ngv, sem, semd):
    wid = lax.axis_index("s") * 2 + lax.axis_index("c")
    base = wid * SPT

    pltpu.sync_copy(p1_hbm.at[pl.ds(base, SPT)], p1v)
    pltpu.sync_copy(pd_hbm.at[pl.ds(base, SPT)], pdv)

    dcps = []
    cps = []
    for c in range(SPT // 16):
        sl = pl.ds(16 * c, 16)
        pch = p1v[sl]
        dcps.append(pltpu.async_copy(des2t.at[pdv[sl]], dsv.at[sl], semd))
        cps.append(pltpu.async_copy(aflowf.at[pch], axv.at[sl], sem))
        cps.append(pltpu.async_copy(aflowf.at[pch + HW], ayv.at[sl], sem))
        cps.append(pltpu.async_copy(qlt1f.at[pch], q1v.at[sl], sem))
    for cp in cps:
        cp.wait()

    qcps = []
    for c in range(SPT // 16):
        sl = pl.ds(16 * c, 16)
        xx = (axv[sl] + 0.5).astype(jnp.int32)
        yy = (ayv[sl] + 0.5).astype(jnp.int32)
        inb = (xx >= 0) & (xx < W) & (yy >= 0) & (yy < H)
        xy2xv[sl] = xx
        xy2yv[sl] = yy
        maskv[sl] = jnp.where(inb, 1, 0)
        for k, (oi, oj) in enumerate(_OFFS):
            nx = jnp.clip(xx + oi, 0, W - 1)
            ny = jnp.clip(yy + oj, 0, H - 1)
            pn = ny * W + nx
            qcps.append(pltpu.async_copy(qlt2f.at[pn], qcv.at[k, sl], sem))
            dcps.append(pltpu.async_copy(des2t.at[pn], ngv.at[k, sl], semd))
    for cp in qcps:
        cp.wait()

    pltpu.sync_copy(q1v, q1_o.at[pl.ds(base, SPT)])
    pltpu.sync_copy(xy2xv, xx_o.at[pl.ds(base, SPT)])
    pltpu.sync_copy(xy2yv, yy_o.at[pl.ds(base, SPT)])
    pltpu.sync_copy(maskv, mk_o.at[pl.ds(base, SPT)])
    pltpu.sync_copy(qcv, qc_o.at[wid])

    for cp in dcps:
        cp.wait()
    pltpu.sync_copy(dsv, distr_o.at[pl.ds(base, SPT)])
    pltpu.sync_copy(ngv, neigh_o.at[:, pl.ds(base, SPT)])


@functools.cache
def _build_sc_gather():
    return pl.kernel(
        _sc_gather_body,
        out_type=[
            jax.ShapeDtypeStruct((NP, D), jnp.float32),
            jax.ShapeDtypeStruct((K, NP, D), jnp.float32),
            jax.ShapeDtypeStruct((NTILES, 16, SPT), jnp.float32),
            jax.ShapeDtypeStruct((NP,), jnp.float32),
            jax.ShapeDtypeStruct((NP,), jnp.int32),
            jax.ShapeDtypeStruct((NP,), jnp.int32),
            jax.ShapeDtypeStruct((NP,), jnp.int32),
        ],
        mesh=_sc_mesh(),
        scratch_types=[
            pltpu.VMEM((SPT,), jnp.int32),
            pltpu.VMEM((SPT,), jnp.int32),
            pltpu.VMEM((SPT,), jnp.float32),
            pltpu.VMEM((SPT,), jnp.float32),
            pltpu.VMEM((SPT,), jnp.float32),
            pltpu.VMEM((SPT,), jnp.int32),
            pltpu.VMEM((SPT,), jnp.int32),
            pltpu.VMEM((SPT,), jnp.int32),
            pltpu.VMEM((16, SPT), jnp.float32),
            pltpu.VMEM((SPT, D), jnp.float32),
            pltpu.VMEM((K, SPT, D), jnp.float32),
            pltpu.SemaphoreType.DMA,
            pltpu.SemaphoreType.DMA,
        ],
    )


def _score_kernel(sdes_ref, neigh_ref, distr_ref, qc_ref, q1r_ref,
                  xxr_ref, yyr_ref, drow_ref, dcol_ref,
                  sc_ref, qlt_ref):
    sdes = sdes_ref[...]
    qc = jnp.transpose(qc_ref[...], (0, 2, 1)).reshape(NP, 16)
    xxc = jnp.transpose(xxr_ref[...], (1, 0))
    yyc = jnp.transpose(yyr_ref[...], (1, 0))
    q1c = jnp.transpose(q1r_ref[...], (1, 0))
    mx = jnp.full((NP, 1), -jnp.inf, jnp.float32)
    qsel = jnp.zeros((NP, 1), jnp.float32)
    for k in range(K):
        s = jnp.sum(sdes * neigh_ref[k], axis=-1, keepdims=True)
        better = s > mx
        mx = jnp.where(better, s, mx)
        qsel = jnp.where(better, qc[:, k:k + 1], qsel)
    qlt_ref[...] = ((q1c + qsel) * 0.5)[:N]

    mm = lax.dot_general(sdes, distr_ref[...],
                         (((1,), (1,)), ((), ())),
                         preferred_element_type=jnp.float32)
    dx = drow_ref[...] - xxc
    dy = dcol_ref[...] - yyc
    dis2 = dx * dx + dy * dy
    mm = jnp.where(dis2 < POS_R ** 2, 0.0, mm)
    sc_ref[:, 0:1] = mx[:N]
    sc_ref[:, 1:N + 1] = mm[:N, :N]


def _run_score(sdes, neigh, distr, qc, q1c, xxc, yyc, drowr, dcolr):
    return pl.pallas_call(
        _score_kernel,
        out_shape=[
            jax.ShapeDtypeStruct((N, N + 1), jnp.float32),
            jax.ShapeDtypeStruct((N, 1), jnp.float32),
        ],
    )(sdes, neigh, distr, qc, q1c, xxc, yyc, drowr, dcolr)


def _regroup(cm):
    t = cm.reshape(4, NC, NC, CELL).transpose(0, 3, 1, 2).reshape(4, CELL, N)
    m1 = jnp.pad(t[0], ((0, 0), (0, NP - N)), constant_values=-1.0)
    m2 = jnp.pad(t[2], ((0, 0), (0, NP - N)), constant_values=-1.0)
    r1 = jnp.pad(lax.bitcast_convert_type(t[1], jnp.int32),
                 ((0, 0), (0, NP - N)))
    r2 = jnp.pad(lax.bitcast_convert_type(t[3], jnp.int32),
                 ((0, 0), (0, NP - N)))
    return m1, r1, m2, r2


def kernel(des1, det1, qlt1, des2, det2, qlt2, aflow):
    des2t = des2.reshape(D, HW).T

    d1c = det1[0, 0, BORDER:H - BORDER, BORDER:W - BORDER]
    d2c = det2[0, 0, BORDER:H - BORDER, BORDER:W - BORDER]
    cm = _run_colmax(d1c, d2c)
    m1r, r1r, m2r, r2r = _regroup(cm)
    p1, pd, drow, dcol, tg1 = _run_argmax(m1r, r1r, m2r, r2r)

    tgt3 = jnp.pad(tg1[0, :N].reshape(NC, NC).T, ((0, 0), (0, 2)),
                   constant_values=-1).reshape(NC, 1, 32)
    sg = _run_gather1(des1.reshape(D, H, W), tgt3)
    sdes = jnp.pad(sg[:, :NC, :].transpose(1, 0, 2).reshape(N, D),
                   ((0, NP - N), (0, 0)))

    des2t, sdes = lax.optimization_barrier((des2t, sdes))

    distr, neigh, qc, q1, xx, yy, mk = _build_sc_gather()(
        p1.reshape(NP), pd.reshape(NP), des2t,
        aflow.reshape(-1), qlt1.reshape(-1), qlt2.reshape(-1))

    scores, qlt = _run_score(
        sdes, neigh, distr, qc, q1.reshape(1, NP),
        xx.reshape(1, NP), yy.reshape(1, NP), drow, dcol)

    labels = lax.broadcasted_iota(jnp.int32, (N, N + 1), 1) == 0
    mask = (mk[:N] != 0).reshape(1, N)
    return scores, labels, mask, qlt

# --- scband reference (transcript-rebuilt; emitter-appended) ---
"""Pipeline reference for scband-detection-sampler-84628035601038 (READ-ONLY COPY).

The authoritative reference and input builder live on the scoring server;
editing this copy changes nothing except your own understanding.
"""

import jax, jax.numpy as jnp
import numpy as np

POS_R = 2
CELL_D = 16
BORDER = 16
MAX_NEG_B = None


def _offsets():
    offs = [(i, j) for i in range(-POS_R, POS_R + 1) for j in range(-POS_R, POS_R + 1) if i * i + j * j <= POS_R ** 2]
    return jnp.array(offs, dtype=jnp.int32).reshape(-1, 2).T  # [2, K]


def _unit_aflow(W, H):
    gx, gy = jnp.meshgrid(jnp.arange(W, dtype=jnp.int32), jnp.arange(H, dtype=jnp.int32))
    return jnp.stack([gx, gy], axis=0)  # [2, H, W], channel 0 = x, channel 1 = y


def _pixel_unshuffle(x, r):
    lead = x.shape[:-3]
    C, H, W = x.shape[-3:]
    x = x.reshape(lead + (C, H // r, r, W // r, r))
    nd = x.ndim
    perm = tuple(range(nd - 5)) + (nd - 5, nd - 3, nd - 1, nd - 4, nd - 2)
    x = jnp.transpose(x, perm)
    return x.reshape(lead + (C * r * r, H // r, W // r))


def _sample(det, max_b=None):
    B, _, H, W = det.shape
    if max_b is not None:
        B = min(max_b, B)
    l = r_ = t = b_ = BORDER
    ua = _unit_aflow(W, H)
    d_det = _pixel_unshuffle(det[:B, :, t:-b_, l:-r_], CELL_D)  # [B, r*r, h, w]
    idxs = jnp.argmax(d_det, axis=1)[:, None]  # [B, 1, h, w]
    Hc = H - t - b_
    Wc = W - l - r_
    ua_c = jnp.broadcast_to(ua[None, :, None, t:-b_, l:-r_], (B, 2, 1, Hc, Wc))
    d_xy = _pixel_unshuffle(ua_c, CELL_D)  # [B, 2, r*r, h, w]
    dI = jnp.broadcast_to(idxs[:, None, :, :, :], (B, 2, 1) + idxs.shape[-2:])
    s_xy = jnp.take_along_axis(d_xy, dI, axis=2)[:, :, 0, :, :]  # [B, 2, h, w]
    x = s_xy[:, 0].reshape(-1)
    y = s_xy[:, 1].reshape(-1)
    n = x.shape[0]
    b = jnp.broadcast_to(jnp.arange(B)[:, None], (B, n)).reshape(-1)
    return b, x, y, n


def _forward(des1, det1, qlt1, des2, det2, qlt2, aflow):
    B, _, H, W = aflow.shape
    offsets = _offsets()
    b, y1, x1, n = _sample(det1)  # note: forward unpacks (b, x, y, n) as (b, y1, x1, n), faithful to torch code
    s_des1 = des1[b, :, y1, x1]  # [n, D]
    xy2 = (aflow[b, :, y1, x1] + 0.5).astype(jnp.int32).T  # [2, n], truncation matches .long()
    mask = ((0 <= xy2[0]) & (0 <= xy2[1]) & (xy2[0] < W) & (xy2[1] < H)).reshape(B, n)

    def clamp(xy):
        return jnp.stack([jnp.clip(xy[0], 0, W - 1), jnp.clip(xy[1], 0, H - 1)], axis=0)

    xy2p = clamp(xy2[:, None, :] + offsets[:, :, None])  # [2, K, n]
    pscores = (s_des1[None, :, :] * des2[b, :, xy2p[1], xy2p[0]]).sum(axis=-1).T  # [n, K]
    pos = jnp.argmax(pscores, axis=1)  # [n]
    pscores = jnp.max(pscores, axis=1, keepdims=True)  # [n, 1]
    sel_xy2 = clamp(xy2 + offsets[:, pos])  # [2, n]
    qlt = (qlt1[b, :, y1, x1] + qlt2[b, :, sel_xy2[1], sel_xy2[0]]) / 2  # [n, 1]
    bd, yd, xd, _ = _sample(det2, max_b=MAX_NEG_B)
    distr = des2[bd, :, yd, xd]  # [nd, D]
    dscores = s_des1 @ distr.T  # [n, nd]
    dis2 = (xd[None, :] - xy2[0][:, None]) ** 2 + (yd[None, :] - xy2[1][:, None]) ** 2
    dis2 = dis2 + (bd[None, :] != b[:, None]).astype(dis2.dtype) * (POS_R ** 2)
    dscores = jnp.where(dis2 < POS_R ** 2, jnp.float32(0.0), dscores)
    scores = jnp.concatenate([pscores, dscores], axis=1)
    labels = jnp.zeros(scores.shape, dtype=bool).at[:, :1].set(True)
    return scores, labels, mask, qlt


def setup_inputs(seed: int = 0) -> dict:
    key = jax.random.key(seed)
    ks = jax.random.split(key, 7)
    B, D, H, W = 1, 128, 512, 512
    return {
        "des1": jax.random.normal(ks[0], (B, D, H, W), jnp.float32),
        "det1": jax.random.uniform(ks[1], (B, 1, H, W), jnp.float32),
        "qlt1": jax.random.uniform(ks[2], (B, 1, H, W), jnp.float32),
        "des2": jax.random.normal(ks[3], (B, D, H, W), jnp.float32),
        "det2": jax.random.uniform(ks[4], (B, 1, H, W), jnp.float32),
        "qlt2": jax.random.uniform(ks[5], (B, 1, H, W), jnp.float32),
        "aflow": jax.random.uniform(ks[6], (B, 2, H, W), jnp.float32) * W,
    }


def reference(des1, det1, qlt1, des2, det2, qlt2, aflow):
    return _forward(des1, det1, qlt1, des2, det2, qlt2, aflow)

if __name__ == "__main__":
    import jax
    _d = setup_inputs()
    print(jax.jit(kernel)(*tuple(_d.values())))

</pallas_src>

<mosaic_0001>
#map = affine_map<(d0, d1) -> (0)>
#map1 = affine_map<(d0, d1) -> (0, 0)>
#map2 = affine_map<(d0, d1) -> (0, 0, 0)>
module attributes {stable_mosaic.version = 14 : i64} {
  func.func @_sc_gather_body(%arg0: i32, %arg1: i32, %arg2: memref<1024xi32, #tpu.memory_space<hbm>>, %arg3: memref<1024xi32, #tpu.memory_space<hbm>>, %arg4: memref<262144x128xf32, #tpu.memory_space<hbm>>, %arg5: memref<524288xf32, #tpu.memory_space<hbm>>, %arg6: memref<262144xf32, #tpu.memory_space<hbm>>, %arg7: memref<262144xf32, #tpu.memory_space<hbm>>, %arg8: memref<1024x128xf32, #tpu.memory_space<hbm>>, %arg9: memref<13x1024x128xf32, #tpu.memory_space<hbm>>, %arg10: memref<32x16x32xf32, #tpu.memory_space<hbm>>, %arg11: memref<1024xf32, #tpu.memory_space<hbm>>, %arg12: memref<1024xi32, #tpu.memory_space<hbm>>, %arg13: memref<1024xi32, #tpu.memory_space<hbm>>, %arg14: memref<1024xi32, #tpu.memory_space<hbm>>, %arg15: memref<32xi32, #tpu.memory_space<vmem>>, %arg16: memref<32xi32, #tpu.memory_space<vmem>>, %arg17: memref<32xf32, #tpu.memory_space<vmem>>, %arg18: memref<32xf32, #tpu.memory_space<vmem>>, %arg19: memref<32xf32, #tpu.memory_space<vmem>>, %arg20: memref<32xi32, #tpu.memory_space<vmem>>, %arg21: memref<32xi32, #tpu.memory_space<vmem>>, %arg22: memref<32xi32, #tpu.memory_space<vmem>>, %arg23: memref<16x32xf32, #tpu.memory_space<vmem>>, %arg24: memref<32x128xf32, #tpu.memory_space<vmem>>, %arg25: memref<13x32x128xf32, #tpu.memory_space<vmem>>, %arg26: memref<!tpu.dma_semaphore, #tpu.memory_space<semaphore_mem>>, %arg27: memref<!tpu.dma_semaphore, #tpu.memory_space<semaphore_mem>>) attributes {dimension_semantics = [#tpu.dimension_semantics<core_parallel>, #tpu.dimension_semantics<subcore_parallel>], iteration_bounds = array<i64: 2, 16>, scalar_prefetch = 0 : i64, scratch_operands = 13 : i64, tpu.core_type = #tpu.core_type<sc_vector_subcore>, window_params = [{transform_indices = #map}, {transform_indices = #map}, {transform_indices = #map1}, {transform_indices = #map}, {transform_indices = #map}, {transform_indices = #map}, {transform_indices = #map1}, {transform_indices = #map2}, {transform_indices = #map2}, {transform_indices = #map}, {transform_indices = #map}, {transform_indices = #map}, {transform_indices = #map}]} {
    %mul3A = arith.constant 2 : i32
    %mul3A_0 = arith.muli %arg1, %mul3A : i32
    %add3A = arith.addi %mul3A_0, %arg0 : i32
    %mul3A_1 = arith.constant 32 : i32
    %mul3A_2 = arith.muli %add3A, %mul3A_1 : i32
    "tpu.region"() ({
      %run_scoped3A = tpu.sem_alloc : memref<!tpu.dma_semaphore, #tpu.memory_space<semaphore_mem>>
      %dma_start3A_1472 = tpu.memref_slice %arg2[%mul3A_2] : memref<1024xi32, #tpu.memory_space<hbm>> -> memref<32xi32, #tpu.memory_space<hbm>>
      %dma_start3A_1473 = tpu.memref_slice %arg2[%mul3A_2] : memref<1024xi32, #tpu.memory_space<hbm>> -> memref<32xi32, #tpu.memory_space<hbm>>
      tpu.enqueue_dma source(%dma_start3A_1473 : memref<32xi32, #tpu.memory_space<hbm>>) target(%arg15 : memref<32xi32, #tpu.memory_space<vmem>>) target_semaphore(%run_scoped3A : memref<!tpu.dma_semaphore, #tpu.memory_space<semaphore_mem>>)
      %dma_wait3A_1474 = tpu.memref_slice %arg2[%mul3A_2] : memref<1024xi32, #tpu.memory_space<hbm>> -> memref<32xi32, #tpu.memory_space<hbm>>
      %dma_wait3A_1475 = tpu.memref_slice %arg2[%mul3A_2] : memref<1024xi32, #tpu.memory_space<hbm>> -> memref<32xi32, #tpu.memory_space<hbm>>
      tpu.wait_dma2 semaphore(%run_scoped3A : memref<!tpu.dma_semaphore, #tpu.memory_space<semaphore_mem>>) src(%dma_wait3A_1475 : memref<32xi32, #tpu.memory_space<hbm>>) dst(%arg15 : memref<32xi32, #tpu.memory_space<vmem>>)
      tpu.yield
    }) : () -> ()
    "tpu.region"() ({
      %run_scoped3A = tpu.sem_alloc : memref<!tpu.dma_semaphore, #tpu.memory_space<semaphore_mem>>
      %dma_start3A_1472 = tpu.memref_slice %arg3[%mul3A_2] : memref<1024xi32, #tpu.memory_space<hbm>> -> memref<32xi32, #tpu.memory_space<hbm>>
      %dma_start3A_1473 = tpu.memref_slice %arg3[%mul3A_2] : memref<1024xi32, #tpu.memory_space<hbm>> -> memref<32xi32, #tpu.memory_space<hbm>>
      tpu.enqueue_dma source(%dma_start3A_1473 : memref<32xi32, #tpu.memory_space<hbm>>) target(%arg16 : memref<32xi32, #tpu.memory_space<vmem>>) target_semaphore(%run_scoped3A : memref<!tpu.dma_semaphore, #tpu.memory_space<semaphore_mem>>)
      %dma_wait3A_1474 = tpu.memref_slice %arg3[%mul3A_2] : memref<1024xi32, #tpu.memory_space<hbm>> -> memref<32xi32, #tpu.memory_space<hbm>>
      %dma_wait3A_1475 = tpu.memref_slice %arg3[%mul3A_2] : memref<1024xi32, #tpu.memory_space<hbm>> -> memref<32xi32, #tpu.memory_space<hbm>>
      tpu.wait_dma2 semaphore(%run_scoped3A : memref<!tpu.dma_semaphore, #tpu.memory_space<semaphore_mem>>) src(%dma_wait3A_1475 : memref<32xi32, #tpu.memory_space<hbm>>) dst(%arg16 : memref<32xi32, #tpu.memory_space<vmem>>)
      tpu.yield
    }) : () -> ()
    %get3A = arith.constant 0 : index
    %get3A_3 = tpu.vector_load %arg15[%get3A] {strides = array<i32>} : memref<32xi32, #tpu.memory_space<vmem>>, vector<16xi32>,
    %get3A_4 = vector.shape_cast %get3A_3 : vector<16xi32> to vector<16xi32>
    %get3A_5 = arith.constant 0 : index
    %get3A_6 = tpu.vector_load %arg16[%get3A_5] {strides = array<i32>} : memref<32xi32, #tpu.memory_space<vmem>>, vector<16xi32>,
    %get3A_7 = vector.shape_cast %get3A_6 : vector<16xi32> to vector<16xi32>
    %dma_start3A = arith.constant 0 : i32
    %dma_start3A_8 = arith.constant 0 : i32
    %dma_start3A_9 = tpu.memref_slice %arg24[%dma_start3A, %dma_start3A_8] : memref<32x128xf32, #tpu.memory_space<vmem>> -> memref<16x128xf32, #tpu.memory_space<vmem>>
    %dma_start3A_10 = arith.constant 0 : i32
    %dma_start3A_11 = arith.constant 0 : i32
    %dma_start3A_12 = tpu.memref_slice %arg4[%dma_start3A_10, %dma_start3A_11] : memref<262144x128xf32, #tpu.memory_space<hbm>> -> memref<262144x128xf32, #tpu.memory_space<hbm>>
    tpu.enqueue_indirect_dma source(%dma_start3A_12 : memref<262144x128xf32, #tpu.memory_space<hbm>>) target(%dma_start3A_9 : memref<16x128xf32, #tpu.memory_space<vmem>>) offsets(%get3A_7 : vector<16xi32>) semaphore(%arg27 : memref<!tpu.dma_semaphore, #tpu.memory_space<semaphore_mem>>)
    %dma_start3A_13 = arith.constant 0 : i32
    %dma_start3A_14 = tpu.memref_slice %arg17[%dma_start3A_13] : memref<32xf32, #tpu.memory_space<vmem>> -> memref<16xf32, #tpu.memory_space<vmem>>
    %dma_start3A_15 = arith.constant 0 : i32
    %dma_start3A_16 = tpu.memref_slice %arg5[%dma_start3A_15] : memref<524288xf32, #tpu.memory_space<hbm>> -> memref<524288xf32, #tpu.memory_space<hbm>>
    tpu.enqueue_indirect_dma source(%dma_start3A_16 : memref<524288xf32, #tpu.memory_space<hbm>>) target(%dma_start3A_14 : memref<16xf32, #tpu.memory_space<vmem>>) offsets(%get3A_4 : vector<16xi32>) semaphore(%arg26 : memref<!tpu.dma_semaphore, #tpu.memory_space<semaphore_mem>>)
    %add3A_17 = arith.constant 262144 : i32
    %add3A_18 = vector.broadcast %add3A_17 : i32 to vector<16xi32>
    %add3A_19 = arith.addi %get3A_4, %add3A_18 : vector<16xi32>
    %dma_start3A_20 = arith.constant 0 : i32
    %dma_start3A_21 = tpu.memref_slice %arg18[%dma_start3A_20] : memref<32xf32, #tpu.memory_space<vmem>> -> memref<16xf32, #tpu.memory_space<vmem>>
    %dma_start3A_22 = arith.constant 0 : i32
    %dma_start3A_23 = tpu.memref_slice %arg5[%dma_start3A_22] : memref<524288xf32, #tpu.memory_space<hbm>> -> memref<524288xf32, #tpu.memory_space<hbm>>
    tpu.enqueue_indirect_dma source(%dma_start3A_23 : memref<524288xf32, #tpu.memory_space<hbm>>) target(%dma_start3A_21 : memref<16xf32, #tpu.memory_space<vmem>>) offsets(%add3A_19 : vector<16xi32>) semaphore(%arg26 : memref<!tpu.dma_semaphore, #tpu.memory_space<semaphore_mem>>)
    %dma_start3A_24 = arith.constant 0 : i32
    %dma_start3A_25 = tpu.memref_slice %arg19[%dma_start3A_24] : memref<32xf32, #tpu.memory_space<vmem>> -> memref<16xf32, #tpu.memory_space<vmem>>
    %dma_start3A_26 = arith.constant 0 : i32
    %dma_start3A_27 = tpu.memref_slice %arg6[%dma_start3A_26] : memref<262144xf32, #tpu.memory_space<hbm>> -> memref<262144xf32, #tpu.memory_space<hbm>>
    tpu.enqueue_indirect_dma source(%dma_start3A_27 : memref<262144xf32, #tpu.memory_space<hbm>>) target(%dma_start3A_25 : memref<16xf32, #tpu.memory_space<vmem>>) offsets(%get3A_4 : vector<16xi32>) semaphore(%arg26 : memref<!tpu.dma_semaphore, #tpu.memory_space<semaphore_mem>>)
    %get3A_28 = arith.constant 16 : index
    %get3A_29 = tpu.vector_load %arg15[%get3A_28] {strides = array<i32>} : memref<32xi32, #tpu.memory_space<vmem>>, vector<16xi32>,
    %get3A_30 = vector.shape_cast %get3A_29 : vector<16xi32> to vector<16xi32>
    %get3A_31 = arith.constant 16 : index
    %get3A_32 = tpu.vector_load %arg16[%get3A_31] {strides = array<i32>} : memref<32xi32, #tpu.memory_space<vmem>>, vector<16xi32>,
    %get3A_33 = vector.shape_cast %get3A_32 : vector<16xi32> to vector<16xi32>
    %dma_start3A_34 = arith.constant 16 : i32
    %dma_start3A_35 = arith.constant 0 : i32
    %dma_start3A_36 = tpu.memref_slice %arg24[%dma_start3A_34, %dma_start3A_35] : memref<32x128xf32, #tpu.memory_space<vmem>> -> memref<16x128xf32, #tpu.memory_space<vmem>>
    %dma_start3A_37 = arith.constant 0 : i32
    %dma_start3A_38 = arith.constant 0 : i32
    %dma_start3A_39 = tpu.memref_slice %arg4[%dma_start3A_37, %dma_start3A_38] : memref<262144x128xf32, #tpu.memory_space<hbm>> -> memref<262144x128xf32, #tpu.memory_space<hbm>>
    tpu.enqueue_indirect_dma source(%dma_start3A_39 : memref<262144x128xf32, #tpu.memory_space<hbm>>) target(%dma_start3A_36 : memref<16x128xf32, #tpu.memory_space<vmem>>) offsets(%get3A_33 : vector<16xi32>) semaphore(%arg27 : memref<!tpu.dma_semaphore, #tpu.memory_space<semaphore_mem>>)
    %dma_start3A_40 = arith.constant 16 : i32
    %dma_start3A_41 = tpu.memref_slice %arg17[%dma_start3A_40] : memref<32xf32, #tpu.memory_space<vmem>> -> memref<16xf32, #tpu.memory_space<vmem>>
    %dma_start3A_42 = arith.constant 0 : i32
    %dma_start3A_43 = tpu.memref_slice %arg5[%dma_start3A_42] : memref<524288xf32, #tpu.memory_space<hbm>> -> memref<524288xf32, #tpu.memory_space<hbm>>
    tpu.enqueue_indirect_dma source(%dma_start3A_43 : memref<524288xf32, #tpu.memory_space<hbm>>) target(%dma_start3A_41 : memref<16xf32, #tpu.memory_space<vmem>>) offsets(%get3A_30 : vector<16xi32>) semaphore(%arg26 : memref<!tpu.dma_semaphore, #tpu.memory_space<semaphore_mem>>)
    %add3A_44 = arith.constant 262144 : i32
    %add3A_45 = vector.broadcast %add3A_44 : i32 to vector<16xi32>
    %add3A_46 = arith.addi %get3A_30, %add3A_45 : vector<16xi32>
    %dma_start3A_47 = arith.constant 16 : i32
    %dma_start3A_48 = tpu.memref_slice %arg18[%dma_start3A_47] : memref<32xf32, #tpu.memory_space<vmem>> -> memref<16xf32, #tpu.memory_space<vmem>>
    %dma_start3A_49 = arith.constant 0 : i32
    %dma_start3A_50 = tpu.memref_slice %arg5[%dma_start3A_49] : memref<524288xf32, #tpu.memory_space<hbm>> -> memref<524288xf32, #tpu.memory_space<hbm>>
    tpu.enqueue_indirect_dma source(%dma_start3A_50 : memref<524288xf32, #tpu.memory_space<hbm>>) target(%dma_start3A_48 : memref<16xf32, #tpu.memory_space<vmem>>) offsets(%add3A_46 : vector<16xi32>) semaphore(%arg26 : memref<!tpu.dma_semaphore, #tpu.memory_space<semaphore_mem>>)
    %dma_start3A_51 = arith.constant 16 : i32
    %dma_start3A_52 = tpu.memref_slice %arg19[%dma_start3A_51] : memref<32xf32, #tpu.memory_space<vmem>> -> memref<16xf32, #tpu.memory_space<vmem>>
    %dma_start3A_53 = arith.constant 0 : i32
    %dma_start3A_54 = tpu.memref_slice %arg6[%dma_start3A_53] : memref<262144xf32, #tpu.memory_space<hbm>> -> memref<262144xf32, #tpu.memory_space<hbm>>
    tpu.enqueue_indirect_dma source(%dma_start3A_54 : memref<262144xf32, #tpu.memory_space<hbm>>) target(%dma_start3A_52 : memref<16xf32, #tpu.memory_space<vmem>>) offsets(%get3A_30 : vector<16xi32>) semaphore(%arg26 : memref<!tpu.dma_semaphore, #tpu.memory_space<semaphore_mem>>)
    %dma_wait3A = arith.constant 0 : i32
    %dma_wait3A_55 = tpu.memref_slice %arg17[%dma_wait3A] : memref<32xf32, #tpu.memory_space<vmem>> -> memref<16xf32, #tpu.memory_space<vmem>>
    %dma_wait3A_56 = arith.constant 0 : i32
    %dma_wait3A_57 = tpu.memref_slice %arg5[%dma_wait3A_56] : memref<524288xf32, #tpu.memory_space<hbm>> -> memref<524288xf32, #tpu.memory_space<hbm>>
    tpu.wait_indirect_dma semaphore(%arg26 : memref<!tpu.dma_semaphore, #tpu.memory_space<semaphore_mem>>) src(%dma_wait3A_57 : memref<524288xf32, #tpu.memory_space<hbm>>) dst(%dma_wait3A_55 : memref<16xf32, #tpu.memory_space<vmem>>)
    %dma_wait3A_58 = arith.constant 0 : i32
    %dma_wait3A_59 = tpu.memref_slice %arg18[%dma_wait3A_58] : memref<32xf32, #tpu.memory_space<vmem>> -> memref<16xf32, #tpu.memory_space<vmem>>
    %dma_wait3A_60 = arith.constant 0 : i32
    %dma_wait3A_61 = tpu.memref_slice %arg5[%dma_wait3A_60] : memref<524288xf32, #tpu.memory_space<hbm>> -> memref<524288xf32, #tpu.memory_space<hbm>>
    tpu.wait_indirect_dma semaphore(%arg26 : memref<!tpu.dma_semaphore, #tpu.memory_space<semaphore_mem>>) src(%dma_wait3A_61 : memref<524288xf32, #tpu.memory_space<hbm>>) dst(%dma_wait3A_59 : memref<16xf32, #tpu.memory_space<vmem>>)
    %dma_wait3A_62 = arith.constant 0 : i32
    %dma_wait3A_63 = tpu.memref_slice %arg19[%dma_wait3A_62] : memref<32xf32, #tpu.memory_space<vmem>> -> memref<16xf32, #tpu.memory_space<vmem>>
    %dma_wait3A_64 = arith.constant 0 : i32
    %dma_wait3A_65 = tpu.memref_slice %arg6[%dma_wait3A_64] : memref<262144xf32, #tpu.memory_space<hbm>> -> memref<262144xf32, #tpu.memory_space<hbm>>
    tpu.wait_indirect_dma semaphore(%arg26 : memref<!tpu.dma_semaphore, #tpu.memory_space<semaphore_mem>>) src(%dma_wait3A_65 : memref<262144xf32, #tpu.memory_space<hbm>>) dst(%dma_wait3A_63 : memref<16xf32, #tpu.memory_space<vmem>>)
    %dma_wait3A_66 = arith.constant 16 : i32
    %dma_wait3A_67 = tpu.memref_slice %arg17[%dma_wait3A_66] : memref<32xf32, #tpu.memory_space<vmem>> -> memref<16xf32, #tpu.memory_space<vmem>>
    %dma_wait3A_68 = arith.constant 0 : i32
    %dma_wait3A_69 = tpu.memref_slice %arg5[%dma_wait3A_68] : memref<524288xf32, #tpu.memory_space<hbm>> -> memref<524288xf32, #tpu.memory_space<hbm>>
    tpu.wait_indirect_dma semaphore(%arg26 : memref<!tpu.dma_semaphore, #tpu.memory_space<semaphore_mem>>) src(%dma_wait3A_69 : memref<524288xf32, #tpu.memory_space<hbm>>) dst(%dma_wait3A_67 : memref<16xf32, #tpu.memory_space<vmem>>)
    %dma_wait3A_70 = arith.constant 16 : i32
    %dma_wait3A_71 = tpu.memref_slice %arg18[%dma_wait3A_70] : memref<32xf32, #tpu.memory_space<vmem>> -> memref<16xf32, #tpu.memory_space<vmem>>
    %dma_wait3A_72 = arith.constant 0 : i32
    %dma_wait3A_73 = tpu.memref_slice %arg5[%dma_wait3A_72] : memref<524288xf32, #tpu.memory_space<hbm>> -> memref<524288xf32, #tpu.memory_space<hbm>>
    tpu.wait_indirect_dma semaphore(%arg26 : memref<!tpu.dma_semaphore, #tpu.memory_space<semaphore_mem>>) src(%dma_wait3A_73 : memref<524288xf32, #tpu.memory_space<hbm>>) dst(%dma_wait3A_71 : memref<16xf32, #tpu.memory_space<vmem>>)
    %dma_wait3A_74 = arith.constant 16 : i32
    %dma_wait3A_75 = tpu.memref_slice %arg19[%dma_wait3A_74] : memref<32xf32, #tpu.memory_space<vmem>> -> memref<16xf32, #tpu.memory_space<vmem>>
    %dma_wait3A_76 = arith.constant 0 : i32
    %dma_wait3A_77 = tpu.memref_slice %arg6[%dma_wait3A_76] : memref<262144xf32, #tpu.memory_space<hbm>> -> memref<262144xf32, #tpu.memory_space<hbm>>
    tpu.wait_indirect_dma semaphore(%arg26 : memref<!tpu.dma_semaphore, #tpu.memory_space<semaphore_mem>>) src(%dma_wait3A_77 : memref<262144xf32, #tpu.memory_space<hbm>>) dst(%dma_wait3A_75 : memref<16xf32, #tpu.memory_space<vmem>>)
    %get3A_78 = arith.constant 0 : index
    %get3A_79 = tpu.vector_load %arg17[%get3A_78] {strides = array<i32>} : memref<32xf32, #tpu.memory_space<vmem>>, vector<16xf32>,
    %get3A_80 = vector.shape_cast %get3A_79 : vector<16xf32> to vector<16xf32>
    %add3A_81 = arith.constant 5.000000e-01 : f32
    %add3A_82 = vector.broadcast %add3A_81 : f32 to vector<16xf32>
    %add3A_83 = arith.addf %get3A_80, %add3A_82 : vector<16xf32>
    %convert_element_type3A = arith.fptosi %add3A_83 : vector<16xf32> to vector<16xi32>
    %get3A_84 = arith.constant 0 : index
    %get3A_85 = tpu.vector_load %arg18[%get3A_84] {strides = array<i32>} : memref<32xf32, #tpu.memory_space<vmem>>, vector<16xf32>,
    %get3A_86 = vector.shape_cast %get3A_85 : vector<16xf32> to vector<16xf32>
    %add3A_87 = arith.constant 5.000000e-01 : f32
    %add3A_88 = vector.broadcast %add3A_87 : f32 to vector<16xf32>
    %add3A_89 = arith.addf %get3A_86, %add3A_88 : vector<16xf32>
    %convert_element_type3A_90 = arith.fptosi %add3A_89 : vector<16xf32> to vector<16xi32>
    %ge3A = arith.constant 0 : i32
    %ge3A_91 = vector.broadcast %ge3A : i32 to vector<16xi32>
    %ge3A_92 = arith.cmpi sge, %convert_element_type3A, %ge3A_91 : vector<16xi32>
    %lt3A = arith.constant 512 : i32
    %lt3A_93 = vector.broadcast %lt3A : i32 to vector<16xi32>
    %lt3A_94 = arith.cmpi slt, %convert_element_type3A, %lt3A_93 : vector<16xi32>
    %and3A = arith.andi %ge3A_92, %lt3A_94 : vector<16xi1>
    %ge3A_95 = arith.constant 0 : i32
    %ge3A_96 = vector.broadcast %ge3A_95 : i32 to vector<16xi32>
    %ge3A_97 = arith.cmpi sge, %convert_element_type3A_90, %ge3A_96 : vector<16xi32>
    %and3A_98 = arith.andi %and3A, %ge3A_97 : vector<16xi1>
    %lt3A_99 = arith.constant 512 : i32
    %lt3A_100 = vector.broadcast %lt3A_99 : i32 to vector<16xi32>
    %lt3A_101 = arith.cmpi slt, %convert_element_type3A_90, %lt3A_100 : vector<16xi32>
    %and3A_102 = arith.andi %and3A_98, %lt3A_101 : vector<16xi1>
    %swap3A = arith.constant 0 : index
    %swap3A_103 = tpu.vector_load %arg20[%swap3A] {strides = array<i32>} : memref<32xi32, #tpu.memory_space<vmem>>, vector<16xi32>,
    %swap3A_104 = vector.shape_cast %swap3A_103 : vector<16xi32> to vector<16xi32>
    %swap3A_105 = vector.shape_cast %convert_element_type3A : vector<16xi32> to vector<16xi32>
    tpu.vector_store %arg20[%swap3A], %swap3A_105 {strides = array<i32>} : memref<32xi32, #tpu.memory_space<vmem>>, vector<16xi32>,
    %swap3A_106 = arith.constant 0 : index
    %swap3A_107 = tpu.vector_load %arg21[%swap3A_106] {strides = array<i32>} : memref<32xi32, #tpu.memory_space<vmem>>, vector<16xi32>,
    %swap3A_108 = vector.shape_cast %swap3A_107 : vector<16xi32> to vector<16xi32>
    %swap3A_109 = vector.shape_cast %convert_element_type3A_90 : vector<16xi32> to vector<16xi32>
    tpu.vector_store %arg21[%swap3A_106], %swap3A_109 {strides = array<i32>} : memref<32xi32, #tpu.memory_space<vmem>>, vector<16xi32>,
    %jit3A = arith.constant 1 : i32
    %jit3A_110 = arith.constant 0 : i32
    %broadcast_in_dim3A = vector.broadcast %jit3A : i32 to vector<16xi32>
    %broadcast_in_dim3A_111 = vector.broadcast %jit3A_110 : i32 to vector<16xi32>
    %select_n3A = arith.select %and3A_102, %broadcast_in_dim3A, %broadcast_in_dim3A_111 : vector<16xi1>, vector<16xi32>
    %swap3A_112 = arith.constant 0 : index
    %swap3A_113 = tpu.vector_load %arg22[%swap3A_112] {strides = array<i32>} : memref<32xi32, #tpu.memory_space<vmem>>, vector<16xi32>,
    %swap3A_114 = vector.shape_cast %swap3A_113 : vector<16xi32> to vector<16xi32>
    %swap3A_115 = vector.shape_cast %select_n3A : vector<16xi32> to vector<16xi32>
    tpu.vector_store %arg22[%swap3A_112], %swap3A_115 {strides = array<i32>} : memref<32xi32, #tpu.memory_space<vmem>>, vector<16xi32>,
    %add3A_116 = arith.constant -2 : i32
    %add3A_117 = vector.broadcast %add3A_116 : i32 to vector<16xi32>
    %add3A_118 = arith.addi %convert_element_type3A, %add3A_117 : vector<16xi32>
    %jit3A_119 = arith.constant 0 : i32
    %jit3A_120 = arith.constant 511 : i32
    %max3A = vector.broadcast %jit3A_119 : i32 to vector<16xi32>
    %max3A_121 = arith.maxsi %max3A, %add3A_118 : vector<16xi32>
    %min3A = vector.broadcast %jit3A_120 : i32 to vector<16xi32>
    %min3A_122 = arith.minsi %min3A, %max3A_121 : vector<16xi32>
    %add3A_123 = arith.constant 0 : i32
    %add3A_124 = vector.broadcast %add3A_123 : i32 to vector<16xi32>
    %add3A_125 = arith.addi %convert_element_type3A_90, %add3A_124 : vector<16xi32>
    %jit3A_126 = arith.constant 0 : i32
    %jit3A_127 = arith.constant 511 : i32
    %max3A_128 = vector.broadcast %jit3A_126 : i32 to vector<16xi32>
    %max3A_129 = arith.maxsi %max3A_128, %add3A_125 : vector<16xi32>
    %min3A_130 = vector.broadcast %jit3A_127 : i32 to vector<16xi32>
    %min3A_131 = arith.minsi %min3A_130, %max3A_129 : vector<16xi32>
    %mul3A_132 = arith.constant 512 : i32
    %mul3A_133 = vector.broadcast %mul3A_132 : i32 to vector<16xi32>
    %mul3A_134 = arith.muli %min3A_131, %mul3A_133 : vector<16xi32>
    %add3A_135 = arith.addi %mul3A_134, %min3A_122 : vector<16xi32>
    %dma_start3A_136 = arith.constant 0 : i32
    %dma_start3A_137 = arith.constant 0 : i32
    %dma_start3A_138 = tpu.memref_slice %arg23[%dma_start3A_136, %dma_start3A_137] : memref<16x32xf32, #tpu.memory_space<vmem>> -> memref<1x16xf32, #tpu.memory_space<vmem>>
    %dma_start3A_139 = tpu.memref_squeeze %dma_start3A_138 : memref<1x16xf32, #tpu.memory_space<vmem>> -> memref<16xf32, #tpu.memory_space<vmem>>
    %dma_start3A_140 = arith.constant 0 : i32
    %dma_start3A_141 = tpu.memref_slice %arg7[%dma_start3A_140] : memref<262144xf32, #tpu.memory_space<hbm>> -> memref<262144xf32, #tpu.memory_space<hbm>>
    tpu.enqueue_indirect_dma source(%dma_start3A_141 : memref<262144xf32, #tpu.memory_space<hbm>>) target(%dma_start3A_139 : memref<16xf32, #tpu.memory_space<vmem>>) offsets(%add3A_135 : vector<16xi32>) semaphore(%arg26 : memref<!tpu.dma_semaphore, #tpu.memory_space<semaphore_mem>>)
    %dma_start3A_142 = arith.constant 0 : i32
    %dma_start3A_143 = arith.constant 0 : i32
    %dma_start3A_144 = arith.constant 0 : i32
    %dma_start3A_145 = tpu.memref_slice %arg25[%dma_start3A_142, %dma_start3A_143, %dma_start3A_144] : memref<13x32x128xf32, #tpu.memory_space<vmem>> -> memref<1x16x128xf32, #tpu.memory_space<vmem>>
    %dma_start3A_146 = tpu.memref_squeeze %dma_start3A_145 : memref<1x16x128xf32, #tpu.memory_space<vmem>> -> memref<16x128xf32, #tpu.memory_space<vmem>>
    %dma_start3A_147 = arith.constant 0 : i32
    %dma_start3A_148 = arith.constant 0 : i32
    %dma_start3A_149 = tpu.memref_slice %arg4[%dma_start3A_147, %dma_start3A_148] : memref<262144x128xf32, #tpu.memory_space<hbm>> -> memref<262144x128xf32, #tpu.memory_space<hbm>>
    tpu.enqueue_indirect_dma source(%dma_start3A_149 : memref<262144x128xf32, #tpu.memory_space<hbm>>) target(%dma_start3A_146 : memref<16x128xf32, #tpu.memory_space<vmem>>) offsets(%add3A_135 : vector<16xi32>) semaphore(%arg27 : memref<!tpu.dma_semaphore, #tpu.memory_space<semaphore_mem>>)
    %add3A_150 = arith.constant -1 : i32
    %add3A_151 = vector.broadcast %add3A_150 : i32 to vector<16xi32>
    %add3A_152 = arith.addi %convert_element_type3A, %add3A_151 : vector<16xi32>
    %jit3A_153 = arith.constant 0 : i32
    %jit3A_154 = arith.constant 511 : i32
    %max3A_155 = vector.broadcast %jit3A_153 : i32 to vector<16xi32>
    %max3A_156 = arith.maxsi %max3A_155, %add3A_152 : vector<16xi32>
    %min3A_157 = vector.broadcast %jit3A_154 : i32 to vector<16xi32>
    %min3A_158 = arith.minsi %min3A_157, %max3A_156 : vector<16xi32>
    %add3A_159 = arith.constant -1 : i32
    %add3A_160 = vector.broadcast %add3A_159 : i32 to vector<16xi32>
    %add3A_161 = arith.addi %convert_element_type3A_90, %add3A_160 : vector<16xi32>
    %jit3A_162 = arith.constant 0 : i32
    %jit3A_163 = arith.constant 511 : i32
    %max3A_164 = vector.broadcast %jit3A_162 : i32 to vector<16xi32>
    %max3A_165 = arith.maxsi %max3A_164, %add3A_161 : vector<16xi32>
    %min3A_166 = vector.broadcast %jit3A_163 : i32 to vector<16xi32>
    %min3A_167 = arith.minsi %min3A_166, %max3A_165 : vector<16xi32>
    %mul3A_168 = arith.constant 512 : i32
    %mul3A_169 = vector.broadcast %mul3A_168 : i32 to vector<16xi32>
    %mul3A_170 = arith.muli %min3A_167, %mul3A_169 : vector<16xi32>
    %add3A_171 = arith.addi %mul3A_170, %min3A_158 : vector<16xi32>
    %dma_start3A_172 = arith.constant 1 : i32
    %dma_start3A_173 = arith.constant 0 : i32
    %dma_start3A_174 = tpu.memref_slice %arg23[%dma_start3A_172, %dma_start3A_173] : memref<16x32xf32, #tpu.memory_space<vmem>> -> memref<1x16xf32, #tpu.memory_space<vmem>>
    %dma_start3A_175 = tpu.memref_squeeze %dma_start3A_174 : memref<1x16xf32, #tpu.memory_space<vmem>> -> memref<16xf32, #tpu.memory_space<vmem>>
    %dma_start3A_176 = arith.constant 0 : i32
    %dma_start3A_177 = tpu.memref_slice %arg7[%dma_start3A_176] : memref<262144xf32, #tpu.memory_space<hbm>> -> memref<262144xf32, #tpu.memory_space<hbm>>
    tpu.enqueue_indirect_dma source(%dma_start3A_177 : memref<262144xf32, #tpu.memory_space<hbm>>) target(%dma_start3A_175 : memref<16xf32, #tpu.memory_space<vmem>>) offsets(%add3A_171 : vector<16xi32>) semaphore(%arg26 : memref<!tpu.dma_semaphore, #tpu.memory_space<semaphore_mem>>)
    %dma_start3A_178 = arith.constant 1 : i32
    %dma_start3A_179 = arith.constant 0 : i32
    %dma_start3A_180 = arith.constant 0 : i32
    %dma_start3A_181 = tpu.memref_slice %arg25[%dma_start3A_178, %dma_start3A_179, %dma_start3A_180] : memref<13x32x128xf32, #tpu.memory_space<vmem>> -> memref<1x16x128xf32, #tpu.memory_space<vmem>>
    %dma_start3A_182 = tpu.memref_squeeze %dma_start3A_181 : memref<1x16x128xf32, #tpu.memory_space<vmem>> -> memref<16x128xf32, #tpu.memory_space<vmem>>
    %dma_start3A_183 = arith.constant 0 : i32
    %dma_start3A_184 = arith.constant 0 : i32
    %dma_start3A_185 = tpu.memref_slice %arg4[%dma_start3A_183, %dma_start3A_184] : memref<262144x128xf32, #tpu.memory_space<hbm>> -> memref<262144x128xf32, #tpu.memory_space<hbm>>
    tpu.enqueue_indirect_dma source(%dma_start3A_185 : memref<262144x128xf32, #tpu.memory_space<hbm>>) target(%dma_start3A_182 : memref<16x128xf32, #tpu.memory_space<vmem>>) offsets(%add3A_171 : vector<16xi32>) semaphore(%arg27 : memref<!tpu.dma_semaphore, #tpu.memory_space<semaphore_mem>>)
    %add3A_186 = arith.constant -1 : i32
    %add3A_187 = vector.broadcast %add3A_186 : i32 to vector<16xi32>
    %add3A_188 = arith.addi %convert_element_type3A, %add3A_187 : vector<16xi32>
    %jit3A_189 = arith.constant 0 : i32
    %jit3A_190 = arith.constant 511 : i32
    %max3A_191 = vector.broadcast %jit3A_189 : i32 to vector<16xi32>
    %max3A_192 = arith.maxsi %max3A_191, %add3A_188 : vector<16xi32>
    %min3A_193 = vector.broadcast %jit3A_190 : i32 to vector<16xi32>
    %min3A_194 = arith.minsi %min3A_193, %max3A_192 : vector<16xi32>
    %add3A_195 = arith.constant 0 : i32
    %add3A_196 = vector.broadcast %add3A_195 : i32 to vector<16xi32>
    %add3A_197 = arith.addi %convert_element_type3A_90, %add3A_196 : vector<16xi32>
    %jit3A_198 = arith.constant 0 : i32
    %jit3A_199 = arith.constant 511 : i32
    %max3A_200 = vector.broadcast %jit3A_198 : i32 to vector<16xi32>
    %max3A_201 = arith.maxsi %max3A_200, %add3A_197 : vector<16xi32>
    %min3A_202 = vector.broadcast %jit3A_199 : i32 to vector<16xi32>
    %min3A_203 = arith.minsi %min3A_202, %max3A_201 : vector<16xi32>
    %mul3A_204 = arith.constant 512 : i32
    %mul3A_205 = vector.broadcast %mul3A_204 : i32 to vector<16xi32>
    %mul3A_206 = arith.muli %min3A_203, %mul3A_205 : vector<16xi32>
    %add3A_207 = arith.addi %mul3A_206, %min3A_194 : vector<16xi32>
    %dma_start3A_208 = arith.constant 2 : i32
    %dma_start3A_209 = arith.constant 0 : i32
    %dma_start3A_210 = tpu.memref_slice %arg23[%dma_start3A_208, %dma_start3A_209] : memref<16x32xf32, #tpu.memory_space<vmem>> -> memref<1x16xf32, #tpu.memory_space<vmem>>
    %dma_start3A_211 = tpu.memref_squeeze %dma_start3A_210 : memref<1x16xf32, #tpu.memory_space<vmem>> -> memref<16xf32, #tpu.memory_space<vmem>>
    %dma_start3A_212 = arith.constant 0 : i32
    %dma_start3A_213 = tpu.memref_slice %arg7[%dma_start3A_212] : memref<262144xf32, #tpu.memory_space<hbm>> -> memref<262144xf32, #tpu.memory_space<hbm>>
    tpu.enqueue_indirect_dma source(%dma_start3A_213 : memref<262144xf32, #tpu.memory_space<hbm>>) target(%dma_start3A_211 : memref<16xf32, #tpu.memory_space<vmem>>) offsets(%add3A_207 : vector<16xi32>) semaphore(%arg26 : memref<!tpu.dma_semaphore, #tpu.memory_space<semaphore_mem>>)
    %dma_start3A_214 = arith.constant 2 : i32
    %dma_start3A_215 = arith.constant 0 : i32
    %dma_start3A_216 = arith.constant 0 : i32
    %dma_start3A_217 = tpu.memref_slice %arg25[%dma_start3A_214, %dma_start3A_215, %dma_start3A_216] : memref<13x32x128xf32, #tpu.memory_space<vmem>> -> memref<1x16x128xf32, #tpu.memory_space<vmem>>
    %dma_start3A_218 = tpu.memref_squeeze %dma_start3A_217 : memref<1x16x128xf32, #tpu.memory_space<vmem>> -> memref<16x128xf32, #tpu.memory_space<vmem>>
    %dma_start3A_219 = arith.constant 0 : i32
    %dma_start3A_220 = arith.constant 0 : i32
    %dma_start3A_221 = tpu.memref_slice %arg4[%dma_start3A_219, %dma_start3A_220] : memref<262144x128xf32, #tpu.memory_space<hbm>> -> memref<262144x128xf32, #tpu.memory_space<hbm>>
    tpu.enqueue_indirect_dma source(%dma_start3A_221 : memref<262144x128xf32, #tpu.memory_space<hbm>>) target(%dma_start3A_218 : memref<16x128xf32, #tpu.memory_space<vmem>>) offsets(%add3A_207 : vector<16xi32>) semaphore(%arg27 : memref<!tpu.dma_semaphore, #tpu.memory_space<semaphore_mem>>)
    %add3A_222 = arith.constant -1 : i32
    %add3A_223 = vector.broadcast %add3A_222 : i32 to vector<16xi32>
    %add3A_224 = arith.addi %convert_element_type3A, %add3A_223 : vector<16xi32>
    %jit3A_225 = arith.constant 0 : i32
    %jit3A_226 = arith.constant 511 : i32
    %max3A_227 = vector.broadcast %jit3A_225 : i32 to vector<16xi32>
    %max3A_228 = arith.maxsi %max3A_227, %add3A_224 : vector<16xi32>
    %min3A_229 = vector.broadcast %jit3A_226 : i32 to vector<16xi32>
    %min3A_230 = arith.minsi %min3A_229, %max3A_228 : vector<16xi32>
    %add3A_231 = arith.constant 1 : i32
    %add3A_232 = vector.broadcast %add3A_231 : i32 to vector<16xi32>
    %add3A_233 = arith.addi %convert_element_type3A_90, %add3A_232 : vector<16xi32>
    %jit3A_234 = arith.constant 0 : i32
    %jit3A_235 = arith.constant 511 : i32
    %max3A_236 = vector.broadcast %jit3A_234 : i32 to vector<16xi32>
    %max3A_237 = arith.maxsi %max3A_236, %add3A_233 : vector<16xi32>
    %min3A_238 = vector.broadcast %jit3A_235 : i32 to vector<16xi32>
    %min3A_239 = arith.minsi %min3A_238, %max3A_237 : vector<16xi32>
    %mul3A_240 = arith.constant 512 : i32
    %mul3A_241 = vector.broadcast %mul3A_240 : i32 to vector<16xi32>
    %mul3A_242 = arith.muli %min3A_239, %mul3A_241 : vector<16xi32>
    %add3A_243 = arith.addi %mul3A_242, %min3A_230 : vector<16xi32>
    %dma_start3A_244 = arith.constant 3 : i32
    %dma_start3A_245 = arith.constant 0 : i32
    %dma_start3A_246 = tpu.memref_slice %arg23[%dma_start3A_244, %dma_start3A_245] : memref<16x32xf32, #tpu.memory_space<vmem>> -> memref<1x16xf32, #tpu.memory_space<vmem>>
    %dma_start3A_247 = tpu.memref_squeeze %dma_start3A_246 : memref<1x16xf32, #tpu.memory_space<vmem>> -> memref<16xf32, #tpu.memory_space<vmem>>
    %dma_start3A_248 = arith.constant 0 : i32
    %dma_start3A_249 = tpu.memref_slice %arg7[%dma_start3A_248] : memref<262144xf32, #tpu.memory_space<hbm>> -> memref<262144xf32, #tpu.memory_space<hbm>>
    tpu.enqueue_indirect_dma source(%dma_start3A_249 : memref<262144xf32, #tpu.memory_space<hbm>>) target(%dma_start3A_247 : memref<16xf32, #tpu.memory_space<vmem>>) offsets(%add3A_243 : vector<16xi32>) semaphore(%arg26 : memref<!tpu.dma_semaphore, #tpu.memory_space<semaphore_mem>>)
    %dma_start3A_250 = arith.constant 3 : i32
    %dma_start3A_251 = arith.constant 0 : i32
    %dma_start3A_252 = arith.constant 0 : i32
    %dma_start3A_253 = tpu.memref_slice %arg25[%dma_start3A_250, %dma_start3A_251, %dma_start3A_252] : memref<13x32x128xf32, #tpu.memory_space<vmem>> -> memref<1x16x128xf32, #tpu.memory_space<vmem>>
    %dma_start3A_254 = tpu.memref_squeeze %dma_start3A_253 : memref<1x16x128xf32, #tpu.memory_space<vmem>> -> memref<16x128xf32, #tpu.memory_space<vmem>>
    %dma_start3A_255 = arith.constant 0 : i32
    %dma_start3A_256 = arith.constant 0 : i32
    %dma_start3A_257 = tpu.memref_slice %arg4[%dma_start3A_255, %dma_start3A_256] : memref<262144x128xf32, #tpu.memory_space<hbm>> -> memref<262144x128xf32, #tpu.memory_space<hbm>>
    tpu.enqueue_indirect_dma source(%dma_start3A_257 : memref<262144x128xf32, #tpu.memory_space<hbm>>) target(%dma_start3A_254 : memref<16x128xf32, #tpu.memory_space<vmem>>) offsets(%add3A_243 : vector<16xi32>) semaphore(%arg27 : memref<!tpu.dma_semaphore, #tpu.memory_space<semaphore_mem>>)
    %add3A_258 = arith.constant 0 : i32
    %add3A_259 = vector.broadcast %add3A_258 : i32 to vector<16xi32>
    %add3A_260 = arith.addi %convert_element_type3A, %add3A_259 : vector<16xi32>
    %jit3A_261 = arith.constant 0 : i32
    %jit3A_262 = arith.constant 511 : i32
    %max3A_263 = vector.broadcast %jit3A_261 : i32 to vector<16xi32>
    %max3A_264 = arith.maxsi %max3A_263, %add3A_260 : vector<16xi32>
    %min3A_265 = vector.broadcast %jit3A_262 : i32 to vector<16xi32>
    %min3A_266 = arith.minsi %min3A_265, %max3A_264 : vector<16xi32>
    %add3A_267 = arith.constant -2 : i32
    %add3A_268 = vector.broadcast %add3A_267 : i32 to vector<16xi32>
    %add3A_269 = arith.addi %convert_element_type3A_90, %add3A_268 : vector<16xi32>
    %jit3A_270 = arith.constant 0 : i32
    %jit3A_271 = arith.constant 511 : i32
    %max3A_272 = vector.broadcast %jit3A_270 : i32 to vector<16xi32>
    %max3A_273 = arith.maxsi %max3A_272, %add3A_269 : vector<16xi32>
    %min3A_274 = vector.broadcast %jit3A_271 : i32 to vector<16xi32>
    %min3A_275 = arith.minsi %min3A_274, %max3A_273 : vector<16xi32>
    %mul3A_276 = arith.constant 512 : i32
    %mul3A_277 = vector.broadcast %mul3A_276 : i32 to vector<16xi32>
    %mul3A_278 = arith.muli %min3A_275, %mul3A_277 : vector<16xi32>
    %add3A_279 = arith.addi %mul3A_278, %min3A_266 : vector<16xi32>
    %dma_start3A_280 = arith.constant 4 : i32
    %dma_start3A_281 = arith.constant 0 : i32
    %dma_start3A_282 = tpu.memref_slice %arg23[%dma_start3A_280, %dma_start3A_281] : memref<16x32xf32, #tpu.memory_space<vmem>> -> memref<1x16xf32, #tpu.memory_space<vmem>>
    %dma_start3A_283 = tpu.memref_squeeze %dma_start3A_282 : memref<1x16xf32, #tpu.memory_space<vmem>> -> memref<16xf32, #tpu.memory_space<vmem>>
    %dma_start3A_284 = arith.constant 0 : i32
    %dma_start3A_285 = tpu.memref_slice %arg7[%dma_start3A_284] : memref<262144xf32, #tpu.memory_space<hbm>> -> memref<262144xf32, #tpu.memory_space<hbm>>
    tpu.enqueue_indirect_dma source(%dma_start3A_285 : memref<262144xf32, #tpu.memory_space<hbm>>) target(%dma_start3A_283 : memref<16xf32, #tpu.memory_space<vmem>>) offsets(%add3A_279 : vector<16xi32>) semaphore(%arg26 : memref<!tpu.dma_semaphore, #tpu.memory_space<semaphore_mem>>)
    %dma_start3A_286 = arith.constant 4 : i32
    %dma_start3A_287 = arith.constant 0 : i32
    %dma_start3A_288 = arith.constant 0 : i32
    %dma_start3A_289 = tpu.memref_slice %arg25[%dma_start3A_286, %dma_start3A_287, %dma_start3A_288] : memref<13x32x128xf32, #tpu.memory_space<vmem>> -> memref<1x16x128xf32, #tpu.memory_space<vmem>>
    %dma_start3A_290 = tpu.memref_squeeze %dma_start3A_289 : memref<1x16x128xf32, #tpu.memory_space<vmem>> -> memref<16x128xf32, #tpu.memory_space<vmem>>
    %dma_start3A_291 = arith.constant 0 : i32
    %dma_start3A_292 = arith.constant 0 : i32
    %dma_start3A_293 = tpu.memref_slice %arg4[%dma_start3A_291, %dma_start3A_292] : memref<262144x128xf32, #tpu.memory_space<hbm>> -> memref<262144x128xf32, #tpu.memory_space<hbm>>
    tpu.enqueue_indirect_dma source(%dma_start3A_293 : memref<262144x128xf32, #tpu.memory_space<hbm>>) target(%dma_start3A_290 : memref<16x128xf32, #tpu.memory_space<vmem>>) offsets(%add3A_279 : vector<16xi32>) semaphore(%arg27 : memref<!tpu.dma_semaphore, #tpu.memory_space<semaphore_mem>>)
    %add3A_294 = arith.constant 0 : i32
    %add3A_295 = vector.broadcast %add3A_294 : i32 to vector<16xi32>
    %add3A_296 = arith.addi %convert_element_type3A, %add3A_295 : vector<16xi32>
    %jit3A_297 = arith.constant 0 : i32
    %jit3A_298 = arith.constant 511 : i32
    %max3A_299 = vector.broadcast %jit3A_297 : i32 to vector<16xi32>
    %max3A_300 = arith.maxsi %max3A_299, %add3A_296 : vector<16xi32>
    %min3A_301 = vector.broadcast %jit3A_298 : i32 to vector<16xi32>
    %min3A_302 = arith.minsi %min3A_301, %max3A_300 : vector<16xi32>
    %add3A_303 = arith.constant -1 : i32
    %add3A_304 = vector.broadcast %add3A_303 : i32 to vector<16xi32>
    %add3A_305 = arith.addi %convert_element_type3A_90, %add3A_304 : vector<16xi32>
    %jit3A_306 = arith.constant 0 : i32
    %jit3A_307 = arith.constant 511 : i32
    %max3A_308 = vector.broadcast %jit3A_306 : i32 to vector<16xi32>
    %max3A_309 = arith.maxsi %max3A_308, %add3A_305 : vector<16xi32>
    %min3A_310 = vector.broadcast %jit3A_307 : i32 to vector<16xi32>
    %min3A_311 = arith.minsi %min3A_310, %max3A_309 : vector<16xi32>
    %mul3A_312 = arith.constant 512 : i32
    %mul3A_313 = vector.broadcast %mul3A_312 : i32 to vector<16xi32>
    %mul3A_314 = arith.muli %min3A_311, %mul3A_313 : vector<16xi32>
    %add3A_315 = arith.addi %mul3A_314, %min3A_302 : vector<16xi32>
    %dma_start3A_316 = arith.constant 5 : i32
    %dma_start3A_317 = arith.constant 0 : i32
    %dma_start3A_318 = tpu.memref_slice %arg23[%dma_start3A_316, %dma_start3A_317] : memref<16x32xf32, #tpu.memory_space<vmem>> -> memref<1x16xf32, #tpu.memory_space<vmem>>
    %dma_start3A_319 = tpu.memref_squeeze %dma_start3A_318 : memref<1x16xf32, #tpu.memory_space<vmem>> -> memref<16xf32, #tpu.memory_space<vmem>>
    %dma_start3A_320 = arith.constant 0 : i32
    %dma_start3A_321 = tpu.memref_slice %arg7[%dma_start3A_320] : memref<262144xf32, #tpu.memory_space<hbm>> -> memref<262144xf32, #tpu.memory_space<hbm>>
    tpu.enqueue_indirect_dma source(%dma_start3A_321 : memref<262144xf32, #tpu.memory_space<hbm>>) target(%dma_start3A_319 : memref<16xf32, #tpu.memory_space<vmem>>) offsets(%add3A_315 : vector<16xi32>) semaphore(%arg26 : memref<!tpu.dma_semaphore, #tpu.memory_space<semaphore_mem>>)
    %dma_start3A_322 = arith.constant 5 : i32
    %dma_start3A_323 = arith.constant 0 : i32
    %dma_start3A_324 = arith.constant 0 : i32
    %dma_start3A_325 = tpu.memref_slice %arg25[%dma_start3A_322, %dma_start3A_323, %dma_start3A_324] : memref<13x32x128xf32, #tpu.memory_space<vmem>> -> memref<1x16x128xf32, #tpu.memory_space<vmem>>
    %dma_start3A_326 = tpu.memref_squeeze %dma_start3A_325 : memref<1x16x128xf32, #tpu.memory_space<vmem>> -> memref<16x128xf32, #tpu.memory_space<vmem>>
    %dma_start3A_327 = arith.constant 0 : i32
    %dma_start3A_328 = arith.constant 0 : i32
    %dma_start3A_329 = tpu.memref_slice %arg4[%dma_start3A_327, %dma_start3A_328] : memref<262144x128xf32, #tpu.memory_space<hbm>> -> memref<262144x128xf32, #tpu.memory_space<hbm>>
    tpu.enqueue_indirect_dma source(%dma_start3A_329 : memref<262144x128xf32, #tpu.memory_space<hbm>>) target(%dma_start3A_326 : memref<16x128xf32, #tpu.memory_space<vmem>>) offsets(%add3A_315 : vector<16xi32>) semaphore(%arg27 : memref<!tpu.dma_semaphore, #tpu.memory_space<semaphore_mem>>)
    %add3A_330 = arith.constant 0 : i32
    %add3A_331 = vector.broadcast %add3A_330 : i32 to vector<16xi32>
    %add3A_332 = arith.addi %convert_element_type3A, %add3A_331 : vector<16xi32>
    %jit3A_333 = arith.constant 0 : i32
    %jit3A_334 = arith.constant 511 : i32
    %max3A_335 = vector.broadcast %jit3A_333 : i32 to vector<16xi32>
    %max3A_336 = arith.maxsi %max3A_335, %add3A_332 : vector<16xi32>
    %min3A_337 = vector.broadcast %jit3A_334 : i32 to vector<16xi32>
    %min3A_338 = arith.minsi %min3A_337, %max3A_336 : vector<16xi32>
    %add3A_339 = arith.constant 0 : i32
    %add3A_340 = vector.broadcast %add3A_339 : i32 to vector<16xi32>
    %add3A_341 = arith.addi %convert_element_type3A_90, %add3A_340 : vector<16xi32>
    %jit3A_342 = arith.constant 0 : i32
    %jit3A_343 = arith.constant 511 : i32
    %max3A_344 = vector.broadcast %jit3A_342 : i32 to vector<16xi32>
    %max3A_345 = arith.maxsi %max3A_344, %add3A_341 : vector<16xi32>
    %min3A_346 = vector.broadcast %jit3A_343 : i32 to vector<16xi32>
    %min3A_347 = arith.minsi %min3A_346, %max3A_345 : vector<16xi32>
    %mul3A_348 = arith.constant 512 : i32
    %mul3A_349 = vector.broadcast %mul3A_348 : i32 to vector<16xi32>
    %mul3A_350 = arith.muli %min3A_347, %mul3A_349 : vector<16xi32>
    %add3A_351 = arith.addi %mul3A_350, %min3A_338 : vector<16xi32>
    %dma_start3A_352 = arith.constant 6 : i32
    %dma_start3A_353 = arith.constant 0 : i32
    %dma_start3A_354 = tpu.memref_slice %arg23[%dma_start3A_352, %dma_start3A_353] : memref<16x32xf32, #tpu.memory_space<vmem>> -> memref<1x16xf32, #tpu.memory_space<vmem>>
    %dma_start3A_355 = tpu.memref_squeeze %dma_start3A_354 : memref<1x16xf32, #tpu.memory_space<vmem>> -> memref<16xf32, #tpu.memory_space<vmem>>
    %dma_start3A_356 = arith.constant 0 : i32
    %dma_start3A_357 = tpu.memref_slice %arg7[%dma_start3A_356] : memref<262144xf32, #tpu.memory_space<hbm>> -> memref<262144xf32, #tpu.memory_space<hbm>>
    tpu.enqueue_indirect_dma source(%dma_start3A_357 : memref<262144xf32, #tpu.memory_space<hbm>>) target(%dma_start3A_355 : memref<16xf32, #tpu.memory_space<vmem>>) offsets(%add3A_351 : vector<16xi32>) semaphore(%arg26 : memref<!tpu.dma_semaphore, #tpu.memory_space<semaphore_mem>>)
    %dma_start3A_358 = arith.constant 6 : i32
    %dma_start3A_359 = arith.constant 0 : i32
    %dma_start3A_360 = arith.constant 0 : i32
    %dma_start3A_361 = tpu.memref_slice %arg25[%dma_start3A_358, %dma_start3A_359, %dma_start3A_360] : memref<13x32x128xf32, #tpu.memory_space<vmem>> -> memref<1x16x128xf32, #tpu.memory_space<vmem>>
    %dma_start3A_362 = tpu.memref_squeeze %dma_start3A_361 : memref<1x16x128xf32, #tpu.memory_space<vmem>> -> memref<16x128xf32, #tpu.memory_space<vmem>>
    %dma_start3A_363 = arith.constant 0 : i32
    %dma_start3A_364 = arith.constant 0 : i32
    %dma_start3A_365 = tpu.memref_slice %arg4[%dma_start3A_363, %dma_start3A_364] : memref<262144x128xf32, #tpu.memory_space<hbm>> -> memref<262144x128xf32, #tpu.memory_space<hbm>>
    tpu.enqueue_indirect_dma source(%dma_start3A_365 : memref<262144x128xf32, #tpu.memory_space<hbm>>) target(%dma_start3A_362 : memref<16x128xf32, #tpu.memory_space<vmem>>) offsets(%add3A_351 : vector<16xi32>) semaphore(%arg27 : memref<!tpu.dma_semaphore, #tpu.memory_space<semaphore_mem>>)
    %add3A_366 = arith.constant 0 : i32
    %add3A_367 = vector.broadcast %add3A_366 : i32 to vector<16xi32>
    %add3A_368 = arith.addi %convert_element_type3A, %add3A_367 : vector<16xi32>
    %jit3A_369 = arith.constant 0 : i32
    %jit3A_370 = arith.constant 511 : i32
    %max3A_371 = vector.broadcast %jit3A_369 : i32 to vector<16xi32>
    %max3A_372 = arith.maxsi %max3A_371, %add3A_368 : vector<16xi32>
    %min3A_373 = vector.broadcast %jit3A_370 : i32 to vector<16xi32>
    %min3A_374 = arith.minsi %min3A_373, %max3A_372 : vector<16xi32>
    %add3A_375 = arith.constant 1 : i32
    %add3A_376 = vector.broadcast %add3A_375 : i32 to vector<16xi32>
    %add3A_377 = arith.addi %convert_element_type3A_90, %add3A_376 : vector<16xi32>
    %jit3A_378 = arith.constant 0 : i32
    %jit3A_379 = arith.constant 511 : i32
    %max3A_380 = vector.broadcast %jit3A_378 : i32 to vector<16xi32>
    %max3A_381 = arith.maxsi %max3A_380, %add3A_377 : vector<16xi32>
    %min3A_382 = vector.broadcast %jit3A_379 : i32 to vector<16xi32>
    %min3A_383 = arith.minsi %min3A_382, %max3A_381 : vector<16xi32>
    %mul3A_384 = arith.constant 512 : i32
    %mul3A_385 = vector.broadcast %mul3A_384 : i32 to vector<16xi32>
    %mul3A_386 = arith.muli %min3A_383, %mul3A_385 : vector<16xi32>
    %add3A_387 = arith.addi %mul3A_386, %min3A_374 : vector<16xi32>
    %dma_start3A_388 = arith.constant 7 : i32
    %dma_start3A_389 = arith.constant 0 : i32
    %dma_start3A_390 = tpu.memref_slice %arg23[%dma_start3A_388, %dma_start3A_389] : memref<16x32xf32, #tpu.memory_space<vmem>> -> memref<1x16xf32, #tpu.memory_space<vmem>>
    %dma_start3A_391 = tpu.memref_squeeze %dma_start3A_390 : memref<1x16xf32, #tpu.memory_space<vmem>> -> memref<16xf32, #tpu.memory_space<vmem>>
    %dma_start3A_392 = arith.constant 0 : i32
    %dma_start3A_393 = tpu.memref_slice %arg7[%dma_start3A_392] : memref<262144xf32, #tpu.memory_space<hbm>> -> memref<262144xf32, #tpu.memory_space<hbm>>
    tpu.enqueue_indirect_dma source(%dma_start3A_393 : memref<262144xf32, #tpu.memory_space<hbm>>) target(%dma_start3A_391 : memref<16xf32, #tpu.memory_space<vmem>>) offsets(%add3A_387 : vector<16xi32>) semaphore(%arg26 : memref<!tpu.dma_semaphore, #tpu.memory_space<semaphore_mem>>)
    %dma_start3A_394 = arith.constant 7 : i32
    %dma_start3A_395 = arith.constant 0 : i32
    %dma_start3A_396 = arith.constant 0 : i32
    %dma_start3A_397 = tpu.memref_slice %arg25[%dma_start3A_394, %dma_start3A_395, %dma_start3A_396] : memref<13x32x128xf32, #tpu.memory_space<vmem>> -> memref<1x16x128xf32, #tpu.memory_space<vmem>>
    %dma_start3A_398 = tpu.memref_squeeze %dma_start3A_397 : memref<1x16x128xf32, #tpu.memory_space<vmem>> -> memref<16x128xf32, #tpu.memory_space<vmem>>
    %dma_start3A_399 = arith.constant 0 : i32
    %dma_start3A_400 = arith.constant 0 : i32
    %dma_start3A_401 = tpu.memref_slice %arg4[%dma_start3A_399, %dma_start3A_400] : memref<262144x128xf32, #tpu.memory_space<hbm>> -> memref<262144x128xf32, #tpu.memory_space<hbm>>
    tpu.enqueue_indirect_dma source(%dma_start3A_401 : memref<262144x128xf32, #tpu.memory_space<hbm>>) target(%dma_start3A_398 : memref<16x128xf32, #tpu.memory_space<vmem>>) offsets(%add3A_387 : vector<16xi32>) semaphore(%arg27 : memref<!tpu.dma_semaphore, #tpu.memory_space<semaphore_mem>>)
    %add3A_402 = arith.constant 0 : i32
    %add3A_403 = vector.broadcast %add3A_402 : i32 to vector<16xi32>
    %add3A_404 = arith.addi %convert_element_type3A, %add3A_403 : vector<16xi32>
    %jit3A_405 = arith.constant 0 : i32
    %jit3A_406 = arith.constant 511 : i32
    %max3A_407 = vector.broadcast %jit3A_405 : i32 to vector<16xi32>
    %max3A_408 = arith.maxsi %max3A_407, %add3A_404 : vector<16xi32>
    %min3A_409 = vector.broadcast %jit3A_406 : i32 to vector<16xi32>
    %min3A_410 = arith.minsi %min3A_409, %max3A_408 : vector<16xi32>
    %add3A_411 = arith.constant 2 : i32
    %add3A_412 = vector.broadcast %add3A_411 : i32 to vector<16xi32>
    %add3A_413 = arith.addi %convert_element_type3A_90, %add3A_412 : vector<16xi32>
    %jit3A_414 = arith.constant 0 : i32
    %jit3A_415 = arith.constant 511 : i32
    %max3A_416 = vector.broadcast %jit3A_414 : i32 to vector<16xi32>
    %max3A_417 = arith.maxsi %max3A_416, %add3A_413 : vector<16xi32>
    %min3A_418 = vector.broadcast %jit3A_415 : i32 to vector<16xi32>
    %min3A_419 = arith.minsi %min3A_418, %max3A_417 : vector<16xi32>
    %mul3A_420 = arith.constant 512 : i32
    %mul3A_421 = vector.broadcast %mul3A_420 : i32 to vector<16xi32>
    %mul3A_422 = arith.muli %min3A_419, %mul3A_421 : vector<16xi32>
    %add3A_423 = arith.addi %mul3A_422, %min3A_410 : vector<16xi32>
    %dma_start3A_424 = arith.constant 8 : i32
    %dma_start3A_425 = arith.constant 0 : i32
    %dma_start3A_426 = tpu.memref_slice %arg23[%dma_start3A_424, %dma_start3A_425] : memref<16x32xf32, #tpu.memory_space<vmem>> -> memref<1x16xf32, #tpu.memory_space<vmem>>
    %dma_start3A_427 = tpu.memref_squeeze %dma_start3A_426 : memref<1x16xf32, #tpu.memory_space<vmem>> -> memref<16xf32, #tpu.memory_space<vmem>>
    %dma_start3A_428 = arith.constant 0 : i32
    %dma_start3A_429 = tpu.memref_slice %arg7[%dma_start3A_428] : memref<262144xf32, #tpu.memory_space<hbm>> -> memref<262144xf32, #tpu.memory_space<hbm>>
    tpu.enqueue_indirect_dma source(%dma_start3A_429 : memref<262144xf32, #tpu.memory_space<hbm>>) target(%dma_start3A_427 : memref<16xf32, #tpu.memory_space<vmem>>) offsets(%add3A_423 : vector<16xi32>) semaphore(%arg26 : memref<!tpu.dma_semaphore, #tpu.memory_space<semaphore_mem>>)
    %dma_start3A_430 = arith.constant 8 : i32
    %dma_start3A_431 = arith.constant 0 : i32
    %dma_start3A_432 = arith.constant 0 : i32
    %dma_start3A_433 = tpu.memref_slice %arg25[%dma_start3A_430, %dma_start3A_431, %dma_start3A_432] : memref<13x32x128xf32, #tpu.memory_space<vmem>> -> memref<1x16x128xf32, #tpu.memory_space<vmem>>
    %dma_start3A_434 = tpu.memref_squeeze %dma_start3A_433 : memref<1x16x128xf32, #tpu.memory_space<vmem>> -> memref<16x128xf32, #tpu.memory_space<vmem>>
    %dma_start3A_435 = arith.constant 0 : i32
    %dma_start3A_436 = arith.constant 0 : i32
    %dma_start3A_437 = tpu.memref_slice %arg4[%dma_start3A_435, %dma_start3A_436] : memref<262144x128xf32, #tpu.memory_space<hbm>> -> memref<262144x128xf32, #tpu.memory_space<hbm>>
    tpu.enqueue_indirect_dma source(%dma_start3A_437 : memref<262144x128xf32, #tpu.memory_space<hbm>>) target(%dma_start3A_434 : memref<16x128xf32, #tpu.memory_space<vmem>>) offsets(%add3A_423 : vector<16xi32>) semaphore(%arg27 : memref<!tpu.dma_semaphore, #tpu.memory_space<semaphore_mem>>)
    %add3A_438 = arith.constant 1 : i32
    %add3A_439 = vector.broadcast %add3A_438 : i32 to vector<16xi32>
    %add3A_440 = arith.addi %convert_element_type3A, %add3A_439 : vector<16xi32>
    %jit3A_441 = arith.constant 0 : i32
    %jit3A_442 = arith.constant 511 : i32
    %max3A_443 = vector.broadcast %jit3A_441 : i32 to vector<16xi32>
    %max3A_444 = arith.maxsi %max3A_443, %add3A_440 : vector<16xi32>
    %min3A_445 = vector.broadcast %jit3A_442 : i32 to vector<16xi32>
    %min3A_446 = arith.minsi %min3A_445, %max3A_444 : vector<16xi32>
    %add3A_447 = arith.constant -1 : i32
    %add3A_448 = vector.broadcast %add3A_447 : i32 to vector<16xi32>
    %add3A_449 = arith.addi %convert_element_type3A_90, %add3A_448 : vector<16xi32>
    %jit3A_450 = arith.constant 0 : i32
    %jit3A_451 = arith.constant 511 : i32
    %max3A_452 = vector.broadcast %jit3A_450 : i32 to vector<16xi32>
    %max3A_453 = arith.maxsi %max3A_452, %add3A_449 : vector<16xi32>
    %min3A_454 = vector.broadcast %jit3A_451 : i32 to vector<16xi32>
    %min3A_455 = arith.minsi %min3A_454, %max3A_453 : vector<16xi32>
    %mul3A_456 = arith.constant 512 : i32
    %mul3A_457 = vector.broadcast %mul3A_456 : i32 to vector<16xi32>
    %mul3A_458 = arith.muli %min3A_455, %mul3A_457 : vector<16xi32>
    %add3A_459 = arith.addi %mul3A_458, %min3A_446 : vector<16xi32>
    %dma_start3A_460 = arith.constant 9 : i32
    %dma_start3A_461 = arith.constant 0 : i32
    %dma_start3A_462 = tpu.memref_slice %arg23[%dma_start3A_460, %dma_start3A_461] : memref<16x32xf32, #tpu.memory_space<vmem>> -> memref<1x16xf32, #tpu.memory_space<vmem>>
    %dma_start3A_463 = tpu.memref_squeeze %dma_start3A_462 : memref<1x16xf32, #tpu.memory_space<vmem>> -> memref<16xf32, #tpu.memory_space<vmem>>
    %dma_start3A_464 = arith.constant 0 : i32
    %dma_start3A_465 = tpu.memref_slice %arg7[%dma_start3A_464] : memref<262144xf32, #tpu.memory_space<hbm>> -> memref<262144xf32, #tpu.memory_space<hbm>>
    tpu.enqueue_indirect_dma source(%dma_start3A_465 : memref<262144xf32, #tpu.memory_space<hbm>>) target(%dma_start3A_463 : memref<16xf32, #tpu.memory_space<vmem>>) offsets(%add3A_459 : vector<16xi32>) semaphore(%arg26 : memref<!tpu.dma_semaphore, #tpu.memory_space<semaphore_mem>>)
    %dma_start3A_466 = arith.constant 9 : i32
    %dma_start3A_467 = arith.constant 0 : i32
    %dma_start3A_468 = arith.constant 0 : i32
    %dma_start3A_469 = tpu.memref_slice %arg25[%dma_start3A_466, %dma_start3A_467, %dma_start3A_468] : memref<13x32x128xf32, #tpu.memory_space<vmem>> -> memref<1x16x128xf32, #tpu.memory_space<vmem>>
    %dma_start3A_470 = tpu.memref_squeeze %dma_start3A_469 : memref<1x16x128xf32, #tpu.memory_space<vmem>> -> memref<16x128xf32, #tpu.memory_space<vmem>>
    %dma_start3A_471 = arith.constant 0 : i32
    %dma_start3A_472 = arith.constant 0 : i32
    %dma_start3A_473 = tpu.memref_slice %arg4[%dma_start3A_471, %dma_start3A_472] : memref<262144x128xf32, #tpu.memory_space<hbm>> -> memref<262144x128xf32, #tpu.memory_space<hbm>>
    tpu.enqueue_indirect_dma source(%dma_start3A_473 : memref<262144x128xf32, #tpu.memory_space<hbm>>) target(%dma_start3A_470 : memref<16x128xf32, #tpu.memory_space<vmem>>) offsets(%add3A_459 : vector<16xi32>) semaphore(%arg27 : memref<!tpu.dma_semaphore, #tpu.memory_space<semaphore_mem>>)
    %add3A_474 = arith.constant 1 : i32
    %add3A_475 = vector.broadcast %add3A_474 : i32 to vector<16xi32>
    %add3A_476 = arith.addi %convert_element_type3A, %add3A_475 : vector<16xi32>
    %jit3A_477 = arith.constant 0 : i32
    %jit3A_478 = arith.constant 511 : i32
    %max3A_479 = vector.broadcast %jit3A_477 : i32 to vector<16xi32>
    %max3A_480 = arith.maxsi %max3A_479, %add3A_476 : vector<16xi32>
    %min3A_481 = vector.broadcast %jit3A_478 : i32 to vector<16xi32>
    %min3A_482 = arith.minsi %min3A_481, %max3A_480 : vector<16xi32>
    %add3A_483 = arith.constant 0 : i32
    %add3A_484 = vector.broadcast %add3A_483 : i32 to vector<16xi32>
    %add3A_485 = arith.addi %convert_element_type3A_90, %add3A_484 : vector<16xi32>
    %jit3A_486 = arith.constant 0 : i32
    %jit3A_487 = arith.constant 511 : i32
    %max3A_488 = vector.broadcast %jit3A_486 : i32 to vector<16xi32>
    %max3A_489 = arith.maxsi %max3A_488, %add3A_485 : vector<16xi32>
    %min3A_490 = vector.broadcast %jit3A_487 : i32 to vector<16xi32>
    %min3A_491 = arith.minsi %min3A_490, %max3A_489 : vector<16xi32>
    %mul3A_492 = arith.constant 512 : i32
    %mul3A_493 = vector.broadcast %mul3A_492 : i32 to vector<16xi32>
    %mul3A_494 = arith.muli %min3A_491, %mul3A_493 : vector<16xi32>
    %add3A_495 = arith.addi %mul3A_494, %min3A_482 : vector<16xi32>
    %dma_start3A_496 = arith.constant 10 : i32
    %dma_start3A_497 = arith.constant 0 : i32
    %dma_start3A_498 = tpu.memref_slice %arg23[%dma_start3A_496, %dma_start3A_497] : memref<16x32xf32, #tpu.memory_space<vmem>> -> memref<1x16xf32, #tpu.memory_space<vmem>>
    %dma_start3A_499 = tpu.memref_squeeze %dma_start3A_498 : memref<1x16xf32, #tpu.memory_space<vmem>> -> memref<16xf32, #tpu.memory_space<vmem>>
    %dma_start3A_500 = arith.constant 0 : i32
    %dma_start3A_501 = tpu.memref_slice %arg7[%dma_start3A_500] : memref<262144xf32, #tpu.memory_space<hbm>> -> memref<262144xf32, #tpu.memory_space<hbm>>
    tpu.enqueue_indirect_dma source(%dma_start3A_501 : memref<262144xf32, #tpu.memory_space<hbm>>) target(%dma_start3A_499 : memref<16xf32, #tpu.memory_space<vmem>>) offsets(%add3A_495 : vector<16xi32>) semaphore(%arg26 : memref<!tpu.dma_semaphore, #tpu.memory_space<semaphore_mem>>)
    %dma_start3A_502 = arith.constant 10 : i32
    %dma_start3A_503 = arith.constant 0 : i32
    %dma_start3A_504 = arith.constant 0 : i32
    %dma_start3A_505 = tpu.memref_slice %arg25[%dma_start3A_502, %dma_start3A_503, %dma_start3A_504] : memref<13x32x128xf32, #tpu.memory_space<vmem>> -> memref<1x16x128xf32, #tpu.memory_space<vmem>>
    %dma_start3A_506 = tpu.memref_squeeze %dma_start3A_505 : memref<1x16x128xf32, #tpu.memory_space<vmem>> -> memref<16x128xf32, #tpu.memory_space<vmem>>
    %dma_start3A_507 = arith.constant 0 : i32
    %dma_start3A_508 = arith.constant 0 : i32
    %dma_start3A_509 = tpu.memref_slice %arg4[%dma_start3A_507, %dma_start3A_508] : memref<262144x128xf32, #tpu.memory_space<hbm>> -> memref<262144x128xf32, #tpu.memory_space<hbm>>
    tpu.enqueue_indirect_dma source(%dma_start3A_509 : memref<262144x128xf32, #tpu.memory_space<hbm>>) target(%dma_start3A_506 : memref<16x128xf32, #tpu.memory_space<vmem>>) offsets(%add3A_495 : vector<16xi32>) semaphore(%arg27 : memref<!tpu.dma_semaphore, #tpu.memory_space<semaphore_mem>>)
    %add3A_510 = arith.constant 1 : i32
    %add3A_511 = vector.broadcast %add3A_510 : i32 to vector<16xi32>
    %add3A_512 = arith.addi %convert_element_type3A, %add3A_511 : vector<16xi32>
    %jit3A_513 = arith.constant 0 : i32
    %jit3A_514 = arith.constant 511 : i32
    %max3A_515 = vector.broadcast %jit3A_513 : i32 to vector<16xi32>
    %max3A_516 = arith.maxsi %max3A_515, %add3A_512 : vector<16xi32>
    %min3A_517 = vector.broadcast %jit3A_514 : i32 to vector<16xi32>
    %min3A_518 = arith.minsi %min3A_517, %max3A_516 : vector<16xi32>
    %add3A_519 = arith.constant 1 : i32
    %add3A_520 = vector.broadcast %add3A_519 : i32 to vector<16xi32>
    %add3A_521 = arith.addi %convert_element_type3A_90, %add3A_520 : vector<16xi32>
    %jit3A_522 = arith.constant 0 : i32
    %jit3A_523 = arith.constant 511 : i32
    %max3A_524 = vector.broadcast %jit3A_522 : i32 to vector<16xi32>
    %max3A_525 = arith.maxsi %max3A_524, %add3A_521 : vector<16xi32>
    %min3A_526 = vector.broadcast %jit3A_523 : i32 to vector<16xi32>
    %min3A_527 = arith.minsi %min3A_526, %max3A_525 : vector<16xi32>
    %mul3A_528 = arith.constant 512 : i32
    %mul3A_529 = vector.broadcast %mul3A_528 : i32 to vector<16xi32>
    %mul3A_530 = arith.muli %min3A_527, %mul3A_529 : vector<16xi32>
    %add3A_531 = arith.addi %mul3A_530, %min3A_518 : vector<16xi32>
    %dma_start3A_532 = arith.constant 11 : i32
    %dma_start3A_533 = arith.constant 0 : i32
    %dma_start3A_534 = tpu.memref_slice %arg23[%dma_start3A_532, %dma_start3A_533] : memref<16x32xf32, #tpu.memory_space<vmem>> -> memref<1x16xf32, #tpu.memory_space<vmem>>
    %dma_start3A_535 = tpu.memref_squeeze %dma_start3A_534 : memref<1x16xf32, #tpu.memory_space<vmem>> -> memref<16xf32, #tpu.memory_space<vmem>>
    %dma_start3A_536 = arith.constant 0 : i32
    %dma_start3A_537 = tpu.memref_slice %arg7[%dma_start3A_536] : memref<262144xf32, #tpu.memory_space<hbm>> -> memref<262144xf32, #tpu.memory_space<hbm>>
    tpu.enqueue_indirect_dma source(%dma_start3A_537 : memref<262144xf32, #tpu.memory_space<hbm>>) target(%dma_start3A_535 : memref<16xf32, #tpu.memory_space<vmem>>) offsets(%add3A_531 : vector<16xi32>) semaphore(%arg26 : memref<!tpu.dma_semaphore, #tpu.memory_space<semaphore_mem>>)
    %dma_start3A_538 = arith.constant 11 : i32
    %dma_start3A_539 = arith.constant 0 : i32
    %dma_start3A_540 = arith.constant 0 : i32
    %dma_start3A_541 = tpu.memref_slice %arg25[%dma_start3A_538, %dma_start3A_539, %dma_start3A_540] : memref<13x32x128xf32, #tpu.memory_space<vmem>> -> memref<1x16x128xf32, #tpu.memory_space<vmem>>
    %dma_start3A_542 = tpu.memref_squeeze %dma_start3A_541 : memref<1x16x128xf32, #tpu.memory_space<vmem>> -> memref<16x128xf32, #tpu.memory_space<vmem>>
    %dma_start3A_543 = arith.constant 0 : i32
    %dma_start3A_544 = arith.constant 0 : i32
    %dma_start3A_545 = tpu.memref_slice %arg4[%dma_start3A_543, %dma_start3A_544] : memref<262144x128xf32, #tpu.memory_space<hbm>> -> memref<262144x128xf32, #tpu.memory_space<hbm>>
    tpu.enqueue_indirect_dma source(%dma_start3A_545 : memref<262144x128xf32, #tpu.memory_space<hbm>>) target(%dma_start3A_542 : memref<16x128xf32, #tpu.memory_space<vmem>>) offsets(%add3A_531 : vector<16xi32>) semaphore(%arg27 : memref<!tpu.dma_semaphore, #tpu.memory_space<semaphore_mem>>)
    %add3A_546 = arith.constant 2 : i32
    %add3A_547 = vector.broadcast %add3A_546 : i32 to vector<16xi32>
    %add3A_548 = arith.addi %convert_element_type3A, %add3A_547 : vector<16xi32>
    %jit3A_549 = arith.constant 0 : i32
    %jit3A_550 = arith.constant 511 : i32
    %max3A_551 = vector.broadcast %jit3A_549 : i32 to vector<16xi32>
    %max3A_552 = arith.maxsi %max3A_551, %add3A_548 : vector<16xi32>
    %min3A_553 = vector.broadcast %jit3A_550 : i32 to vector<16xi32>
    %min3A_554 = arith.minsi %min3A_553, %max3A_552 : vector<16xi32>
    %add3A_555 = arith.constant 0 : i32
    %add3A_556 = vector.broadcast %add3A_555 : i32 to vector<16xi32>
    %add3A_557 = arith.addi %convert_element_type3A_90, %add3A_556 : vector<16xi32>
    %jit3A_558 = arith.constant 0 : i32
    %jit3A_559 = arith.constant 511 : i32
    %max3A_560 = vector.broadcast %jit3A_558 : i32 to vector<16xi32>
    %max3A_561 = arith.maxsi %max3A_560, %add3A_557 : vector<16xi32>
    %min3A_562 = vector.broadcast %jit3A_559 : i32 to vector<16xi32>
    %min3A_563 = arith.minsi %min3A_562, %max3A_561 : vector<16xi32>
    %mul3A_564 = arith.constant 512 : i32
    %mul3A_565 = vector.broadcast %mul3A_564 : i32 to vector<16xi32>
    %mul3A_566 = arith.muli %min3A_563, %mul3A_565 : vector<16xi32>
    %add3A_567 = arith.addi %mul3A_566, %min3A_554 : vector<16xi32>
    %dma_start3A_568 = arith.constant 12 : i32
    %dma_start3A_569 = arith.constant 0 : i32
    %dma_start3A_570 = tpu.memref_slice %arg23[%dma_start3A_568, %dma_start3A_569] : memref<16x32xf32, #tpu.memory_space<vmem>> -> memref<1x16xf32, #tpu.memory_space<vmem>>
    %dma_start3A_571 = tpu.memref_squeeze %dma_start3A_570 : memref<1x16xf32, #tpu.memory_space<vmem>> -> memref<16xf32, #tpu.memory_space<vmem>>
    %dma_start3A_572 = arith.constant 0 : i32
    %dma_start3A_573 = tpu.memref_slice %arg7[%dma_start3A_572] : memref<262144xf32, #tpu.memory_space<hbm>> -> memref<262144xf32, #tpu.memory_space<hbm>>
    tpu.enqueue_indirect_dma source(%dma_start3A_573 : memref<262144xf32, #tpu.memory_space<hbm>>) target(%dma_start3A_571 : memref<16xf32, #tpu.memory_space<vmem>>) offsets(%add3A_567 : vector<16xi32>) semaphore(%arg26 : memref<!tpu.dma_semaphore, #tpu.memory_space<semaphore_mem>>)
    %dma_start3A_574 = arith.constant 12 : i32
    %dma_start3A_575 = arith.constant 0 : i32
    %dma_start3A_576 = arith.constant 0 : i32
    %dma_start3A_577 = tpu.memref_slice %arg25[%dma_start3A_574, %dma_start3A_575, %dma_start3A_576] : memref<13x32x128xf32, #tpu.memory_space<vmem>> -> memref<1x16x128xf32, #tpu.memory_space<vmem>>
    %dma_start3A_578 = tpu.memref_squeeze %dma_start3A_577 : memref<1x16x128xf32, #tpu.memory_space<vmem>> -> memref<16x128xf32, #tpu.memory_space<vmem>>
    %dma_start3A_579 = arith.constant 0 : i32
    %dma_start3A_580 = arith.constant 0 : i32
    %dma_start3A_581 = tpu.memref_slice %arg4[%dma_start3A_579, %dma_start3A_580] : memref<262144x128xf32, #tpu.memory_space<hbm>> -> memref<262144x128xf32, #tpu.memory_space<hbm>>
    tpu.enqueue_indirect_dma source(%dma_start3A_581 : memref<262144x128xf32, #tpu.memory_space<hbm>>) target(%dma_start3A_578 : memref<16x128xf32, #tpu.memory_space<vmem>>) offsets(%add3A_567 : vector<16xi32>) semaphore(%arg27 : memref<!tpu.dma_semaphore, #tpu.memory_space<semaphore_mem>>)
    %get3A_582 = arith.constant 16 : index
    %get3A_583 = tpu.vector_load %arg17[%get3A_582] {strides = array<i32>} : memref<32xf32, #tpu.memory_space<vmem>>, vector<16xf32>,
    %get3A_584 = vector.shape_cast %get3A_583 : vector<16xf32> to vector<16xf32>
    %add3A_585 = arith.constant 5.000000e-01 : f32
    %add3A_586 = vector.broadcast %add3A_585 : f32 to vector<16xf32>
    %add3A_587 = arith.addf %get3A_584, %add3A_586 : vector<16xf32>
    %convert_element_type3A_588 = arith.fptosi %add3A_587 : vector<16xf32> to vector<16xi32>
    %get3A_589 = arith.constant 16 : index
    %get3A_590 = tpu.vector_load %arg18[%get3A_589] {strides = array<i32>} : memref<32xf32, #tpu.memory_space<vmem>>, vector<16xf32>,
    %get3A_591 = vector.shape_cast %get3A_590 : vector<16xf32> to vector<16xf32>
    %add3A_592 = arith.constant 5.000000e-01 : f32
    %add3A_593 = vector.broadcast %add3A_592 : f32 to vector<16xf32>
    %add3A_594 = arith.addf %get3A_591, %add3A_593 : vector<16xf32>
    %convert_element_type3A_595 = arith.fptosi %add3A_594 : vector<16xf32> to vector<16xi32>
    %ge3A_596 = arith.constant 0 : i32
    %ge3A_597 = vector.broadcast %ge3A_596 : i32 to vector<16xi32>
    %ge3A_598 = arith.cmpi sge, %convert_element_type3A_588, %ge3A_597 : vector<16xi32>
    %lt3A_599 = arith.constant 512 : i32
    %lt3A_600 = vector.broadcast %lt3A_599 : i32 to vector<16xi32>
    %lt3A_601 = arith.cmpi slt, %convert_element_type3A_588, %lt3A_600 : vector<16xi32>
    %and3A_602 = arith.andi %ge3A_598, %lt3A_601 : vector<16xi1>
    %ge3A_603 = arith.constant 0 : i32
    %ge3A_604 = vector.broadcast %ge3A_603 : i32 to vector<16xi32>
    %ge3A_605 = arith.cmpi sge, %convert_element_type3A_595, %ge3A_604 : vector<16xi32>
    %and3A_606 = arith.andi %and3A_602, %ge3A_605 : vector<16xi1>
    %lt3A_607 = arith.constant 512 : i32
    %lt3A_608 = vector.broadcast %lt3A_607 : i32 to vector<16xi32>
    %lt3A_609 = arith.cmpi slt, %convert_element_type3A_595, %lt3A_608 : vector<16xi32>
    %and3A_610 = arith.andi %and3A_606, %lt3A_609 : vector<16xi1>
    %swap3A_611 = arith.constant 16 : index
    %swap3A_612 = tpu.vector_load %arg20[%swap3A_611] {strides = array<i32>} : memref<32xi32, #tpu.memory_space<vmem>>, vector<16xi32>,
    %swap3A_613 = vector.shape_cast %swap3A_612 : vector<16xi32> to vector<16xi32>
    %swap3A_614 = vector.shape_cast %convert_element_type3A_588 : vector<16xi32> to vector<16xi32>
    tpu.vector_store %arg20[%swap3A_611], %swap3A_614 {strides = array<i32>} : memref<32xi32, #tpu.memory_space<vmem>>, vector<16xi32>,
    %swap3A_615 = arith.constant 16 : index
    %swap3A_616 = tpu.vector_load %arg21[%swap3A_615] {strides = array<i32>} : memref<32xi32, #tpu.memory_space<vmem>>, vector<16xi32>,
    %swap3A_617 = vector.shape_cast %swap3A_616 : vector<16xi32> to vector<16xi32>
    %swap3A_618 = vector.shape_cast %convert_element_type3A_595 : vector<16xi32> to vector<16xi32>
    tpu.vector_store %arg21[%swap3A_615], %swap3A_618 {strides = array<i32>} : memref<32xi32, #tpu.memory_space<vmem>>, vector<16xi32>,
    %jit3A_619 = arith.constant 1 : i32
    %jit3A_620 = arith.constant 0 : i32
    %broadcast_in_dim3A_621 = vector.broadcast %jit3A_619 : i32 to vector<16xi32>
    %broadcast_in_dim3A_622 = vector.broadcast %jit3A_620 : i32 to vector<16xi32>
    %select_n3A_623 = arith.select %and3A_610, %broadcast_in_dim3A_621, %broadcast_in_dim3A_622 : vector<16xi1>, vector<16xi32>
    %swap3A_624 = arith.constant 16 : index
    %swap3A_625 = tpu.vector_load %arg22[%swap3A_624] {strides = array<i32>} : memref<32xi32, #tpu.memory_space<vmem>>, vector<16xi32>,
    %swap3A_626 = vector.shape_cast %swap3A_625 : vector<16xi32> to vector<16xi32>
    %swap3A_627 = vector.shape_cast %select_n3A_623 : vector<16xi32> to vector<16xi32>
    tpu.vector_store %arg22[%swap3A_624], %swap3A_627 {strides = array<i32>} : memref<32xi32, #tpu.memory_space<vmem>>, vector<16xi32>,
    %add3A_628 = arith.constant -2 : i32
    %add3A_629 = vector.broadcast %add3A_628 : i32 to vector<16xi32>
    %add3A_630 = arith.addi %convert_element_type3A_588, %add3A_629 : vector<16xi32>
    %jit3A_631 = arith.constant 0 : i32
    %jit3A_632 = arith.constant 511 : i32
    %max3A_633 = vector.broadcast %jit3A_631 : i32 to vector<16xi32>
    %max3A_634 = arith.maxsi %max3A_633, %add3A_630 : vector<16xi32>
    %min3A_635 = vector.broadcast %jit3A_632 : i32 to vector<16xi32>
    %min3A_636 = arith.minsi %min3A_635, %max3A_634 : vector<16xi32>
    %add3A_637 = arith.constant 0 : i32
    %add3A_638 = vector.broadcast %add3A_637 : i32 to vector<16xi32>
    %add3A_639 = arith.addi %convert_element_type3A_595, %add3A_638 : vector<16xi32>
    %jit3A_640 = arith.constant 0 : i32
    %jit3A_641 = arith.constant 511 : i32
    %max3A_642 = vector.broadcast %jit3A_640 : i32 to vector<16xi32>
    %max3A_643 = arith.maxsi %max3A_642, %add3A_639 : vector<16xi32>
    %min3A_644 = vector.broadcast %jit3A_641 : i32 to vector<16xi32>
    %min3A_645 = arith.minsi %min3A_644, %max3A_643 : vector<16xi32>
    %mul3A_646 = arith.constant 512 : i32
    %mul3A_647 = vector.broadcast %mul3A_646 : i32 to vector<16xi32>
    %mul3A_648 = arith.muli %min3A_645, %mul3A_647 : vector<16xi32>
    %add3A_649 = arith.addi %mul3A_648, %min3A_636 : vector<16xi32>
    %dma_start3A_650 = arith.constant 0 : i32
    %dma_start3A_651 = arith.constant 16 : i32
    %dma_start3A_652 = tpu.memref_slice %arg23[%dma_start3A_650, %dma_start3A_651] : memref<16x32xf32, #tpu.memory_space<vmem>> -> memref<1x16xf32, #tpu.memory_space<vmem>>
    %dma_start3A_653 = tpu.memref_squeeze %dma_start3A_652 : memref<1x16xf32, #tpu.memory_space<vmem>> -> memref<16xf32, #tpu.memory_space<vmem>>
    %dma_start3A_654 = arith.constant 0 : i32
    %dma_start3A_655 = tpu.memref_slice %arg7[%dma_start3A_654] : memref<262144xf32, #tpu.memory_space<hbm>> -> memref<262144xf32, #tpu.memory_space<hbm>>
    tpu.enqueue_indirect_dma source(%dma_start3A_655 : memref<262144xf32, #tpu.memory_space<hbm>>) target(%dma_start3A_653 : memref<16xf32, #tpu.memory_space<vmem>>) offsets(%add3A_649 : vector<16xi32>) semaphore(%arg26 : memref<!tpu.dma_semaphore, #tpu.memory_space<semaphore_mem>>)
    %dma_start3A_656 = arith.constant 0 : i32
    %dma_start3A_657 = arith.constant 16 : i32
    %dma_start3A_658 = arith.constant 0 : i32
    %dma_start3A_659 = tpu.memref_slice %arg25[%dma_start3A_656, %dma_start3A_657, %dma_start3A_658] : memref<13x32x128xf32, #tpu.memory_space<vmem>> -> memref<1x16x128xf32, #tpu.memory_space<vmem>>
    %dma_start3A_660 = tpu.memref_squeeze %dma_start3A_659 : memref<1x16x128xf32, #tpu.memory_space<vmem>> -> memref<16x128xf32, #tpu.memory_space<vmem>>
    %dma_start3A_661 = arith.constant 0 : i32
    %dma_start3A_662 = arith.constant 0 : i32
    %dma_start3A_663 = tpu.memref_slice %arg4[%dma_start3A_661, %dma_start3A_662] : memref<262144x128xf32, #tpu.memory_space<hbm>> -> memref<262144x128xf32, #tpu.memory_space<hbm>>
    tpu.enqueue_indirect_dma source(%dma_start3A_663 : memref<262144x128xf32, #tpu.memory_space<hbm>>) target(%dma_start3A_660 : memref<16x128xf32, #tpu.memory_space<vmem>>) offsets(%add3A_649 : vector<16xi32>) semaphore(%arg27 : memref<!tpu.dma_semaphore, #tpu.memory_space<semaphore_mem>>)
    %add3A_664 = arith.constant -1 : i32
    %add3A_665 = vector.broadcast %add3A_664 : i32 to vector<16xi32>
    %add3A_666 = arith.addi %convert_element_type3A_588, %add3A_665 : vector<16xi32>
    %jit3A_667 = arith.constant 0 : i32
    %jit3A_668 = arith.constant 511 : i32
    %max3A_669 = vector.broadcast %jit3A_667 : i32 to vector<16xi32>
    %max3A_670 = arith.maxsi %max3A_669, %add3A_666 : vector<16xi32>
    %min3A_671 = vector.broadcast %jit3A_668 : i32 to vector<16xi32>
    %min3A_672 = arith.minsi %min3A_671, %max3A_670 : vector<16xi32>
    %add3A_673 = arith.constant -1 : i32
    %add3A_674 = vector.broadcast %add3A_673 : i32 to vector<16xi32>
    %add3A_675 = arith.addi %convert_element_type3A_595, %add3A_674 : vector<16xi32>
    %jit3A_676 = arith.constant 0 : i32
    %jit3A_677 = arith.constant 511 : i32
    %max3A_678 = vector.broadcast %jit3A_676 : i32 to vector<16xi32>
    %max3A_679 = arith.maxsi %max3A_678, %add3A_675 : vector<16xi32>
    %min3A_680 = vector.broadcast %jit3A_677 : i32 to vector<16xi32>
    %min3A_681 = arith.minsi %min3A_680, %max3A_679 : vector<16xi32>
    %mul3A_682 = arith.constant 512 : i32
    %mul3A_683 = vector.broadcast %mul3A_682 : i32 to vector<16xi32>
    %mul3A_684 = arith.muli %min3A_681, %mul3A_683 : vector<16xi32>
    %add3A_685 = arith.addi %mul3A_684, %min3A_672 : vector<16xi32>
    %dma_start3A_686 = arith.constant 1 : i32
    %dma_start3A_687 = arith.constant 16 : i32
    %dma_start3A_688 = tpu.memref_slice %arg23[%dma_start3A_686, %dma_start3A_687] : memref<16x32xf32, #tpu.memory_space<vmem>> -> memref<1x16xf32, #tpu.memory_space<vmem>>
    %dma_start3A_689 = tpu.memref_squeeze %dma_start3A_688 : memref<1x16xf32, #tpu.memory_space<vmem>> -> memref<16xf32, #tpu.memory_space<vmem>>
    %dma_start3A_690 = arith.constant 0 : i32
    %dma_start3A_691 = tpu.memref_slice %arg7[%dma_start3A_690] : memref<262144xf32, #tpu.memory_space<hbm>> -> memref<262144xf32, #tpu.memory_space<hbm>>
    tpu.enqueue_indirect_dma source(%dma_start3A_691 : memref<262144xf32, #tpu.memory_space<hbm>>) target(%dma_start3A_689 : memref<16xf32, #tpu.memory_space<vmem>>) offsets(%add3A_685 : vector<16xi32>) semaphore(%arg26 : memref<!tpu.dma_semaphore, #tpu.memory_space<semaphore_mem>>)
    %dma_start3A_692 = arith.constant 1 : i32
    %dma_start3A_693 = arith.constant 16 : i32
    %dma_start3A_694 = arith.constant 0 : i32
    %dma_start3A_695 = tpu.memref_slice %arg25[%dma_start3A_692, %dma_start3A_693, %dma_start3A_694] : memref<13x32x128xf32, #tpu.memory_space<vmem>> -> memref<1x16x128xf32, #tpu.memory_space<vmem>>
    %dma_start3A_696 = tpu.memref_squeeze %dma_start3A_695 : memref<1x16x128xf32, #tpu.memory_space<vmem>> -> memref<16x128xf32, #tpu.memory_space<vmem>>
    %dma_start3A_697 = arith.constant 0 : i32
    %dma_start3A_698 = arith.constant 0 : i32
    %dma_start3A_699 = tpu.memref_slice %arg4[%dma_start3A_697, %dma_start3A_698] : memref<262144x128xf32, #tpu.memory_space<hbm>> -> memref<262144x128xf32, #tpu.memory_space<hbm>>
    tpu.enqueue_indirect_dma source(%dma_start3A_699 : memref<262144x128xf32, #tpu.memory_space<hbm>>) target(%dma_start3A_696 : memref<16x128xf32, #tpu.memory_space<vmem>>) offsets(%add3A_685 : vector<16xi32>) semaphore(%arg27 : memref<!tpu.dma_semaphore, #tpu.memory_space<semaphore_mem>>)
    %add3A_700 = arith.constant -1 : i32
    %add3A_701 = vector.broadcast %add3A_700 : i32 to vector<16xi32>
    %add3A_702 = arith.addi %convert_element_type3A_588, %add3A_701 : vector<16xi32>
    %jit3A_703 = arith.constant 0 : i32
    %jit3A_704 = arith.constant 511 : i32
    %max3A_705 = vector.broadcast %jit3A_703 : i32 to vector<16xi32>
    %max3A_706 = arith.maxsi %max3A_705, %add3A_702 : vector<16xi32>
    %min3A_707 = vector.broadcast %jit3A_704 : i32 to vector<16xi32>
    %min3A_708 = arith.minsi %min3A_707, %max3A_706 : vector<16xi32>
    %add3A_709 = arith.constant 0 : i32
    %add3A_710 = vector.broadcast %add3A_709 : i32 to vector<16xi32>
    %add3A_711 = arith.addi %convert_element_type3A_595, %add3A_710 : vector<16xi32>
    %jit3A_712 = arith.constant 0 : i32
    %jit3A_713 = arith.constant 511 : i32
    %max3A_714 = vector.broadcast %jit3A_712 : i32 to vector<16xi32>
    %max3A_715 = arith.maxsi %max3A_714, %add3A_711 : vector<16xi32>
    %min3A_716 = vector.broadcast %jit3A_713 : i32 to vector<16xi32>
    %min3A_717 = arith.minsi %min3A_716, %max3A_715 : vector<16xi32>
    %mul3A_718 = arith.constant 512 : i32
    %mul3A_719 = vector.broadcast %mul3A_718 : i32 to vector<16xi32>
    %mul3A_720 = arith.muli %min3A_717, %mul3A_719 : vector<16xi32>
    %add3A_721 = arith.addi %mul3A_720, %min3A_708 : vector<16xi32>
    %dma_start3A_722 = arith.constant 2 : i32
    %dma_start3A_723 = arith.constant 16 : i32
    %dma_start3A_724 = tpu.memref_slice %arg23[%dma_start3A_722, %dma_start3A_723] : memref<16x32xf32, #tpu.memory_space<vmem>> -> memref<1x16xf32, #tpu.memory_space<vmem>>
    %dma_start3A_725 = tpu.memref_squeeze %dma_start3A_724 : memref<1x16xf32, #tpu.memory_space<vmem>> -> memref<16xf32, #tpu.memory_space<vmem>>
    %dma_start3A_726 = arith.constant 0 : i32
    %dma_start3A_727 = tpu.memref_slice %arg7[%dma_start3A_726] : memref<262144xf32, #tpu.memory_space<hbm>> -> memref<262144xf32, #tpu.memory_space<hbm>>
    tpu.enqueue_indirect_dma source(%dma_start3A_727 : memref<262144xf32, #tpu.memory_space<hbm>>) target(%dma_start3A_725 : memref<16xf32, #tpu.memory_space<vmem>>) offsets(%add3A_721 : vector<16xi32>) semaphore(%arg26 : memref<!tpu.dma_semaphore, #tpu.memory_space<semaphore_mem>>)
    %dma_start3A_728 = arith.constant 2 : i32
    %dma_start3A_729 = arith.constant 16 : i32
    %dma_start3A_730 = arith.constant 0 : i32
    %dma_start3A_731 = tpu.memref_slice %arg25[%dma_start3A_728, %dma_start3A_729, %dma_start3A_730] : memref<13x32x128xf32, #tpu.memory_space<vmem>> -> memref<1x16x128xf32, #tpu.memory_space<vmem>>
    %dma_start3A_732 = tpu.memref_squeeze %dma_start3A_731 : memref<1x16x128xf32, #tpu.memory_space<vmem>> -> memref<16x128xf32, #tpu.memory_space<vmem>>
    %dma_start3A_733 = arith.constant 0 : i32
    %dma_start3A_734 = arith.constant 0 : i32
    %dma_start3A_735 = tpu.memref_slice %arg4[%dma_start3A_733, %dma_start3A_734] : memref<262144x128xf32, #tpu.memory_space<hbm>> -> memref<262144x128xf32, #tpu.memory_space<hbm>>
    tpu.enqueue_indirect_dma source(%dma_start3A_735 : memref<262144x128xf32, #tpu.memory_space<hbm>>) target(%dma_start3A_732 : memref<16x128xf32, #tpu.memory_space<vmem>>) offsets(%add3A_721 : vector<16xi32>) semaphore(%arg27 : memref<!tpu.dma_semaphore, #tpu.memory_space<semaphore_mem>>)
    %add3A_736 = arith.constant -1 : i32
    %add3A_737 = vector.broadcast %add3A_736 : i32 to vector<16xi32>
    %add3A_738 = arith.addi %convert_element_type3A_588, %add3A_737 : vector<16xi32>
    %jit3A_739 = arith.constant 0 : i32
    %jit3A_740 = arith.constant 511 : i32
    %max3A_741 = vector.broadcast %jit3A_739 : i32 to vector<16xi32>
    %max3A_742 = arith.maxsi %max3A_741, %add3A_738 : vector<16xi32>
    %min3A_743 = vector.broadcast %jit3A_740 : i32 to vector<16xi32>
    %min3A_744 = arith.minsi %min3A_743, %max3A_742 : vector<16xi32>
    %add3A_745 = arith.constant 1 : i32
    %add3A_746 = vector.broadcast %add3A_745 : i32 to vector<16xi32>
    %add3A_747 = arith.addi %convert_element_type3A_595, %add3A_746 : vector<16xi32>
    %jit3A_748 = arith.constant 0 : i32
    %jit3A_749 = arith.constant 511 : i32
    %max3A_750 = vector.broadcast %jit3A_748 : i32 to vector<16xi32>
    %max3A_751 = arith.maxsi %max3A_750, %add3A_747 : vector<16xi32>
    %min3A_752 = vector.broadcast %jit3A_749 : i32 to vector<16xi32>
    %min3A_753 = arith.minsi %min3A_752, %max3A_751 : vector<16xi32>
    %mul3A_754 = arith.constant 512 : i32
    %mul3A_755 = vector.broadcast %mul3A_754 : i32 to vector<16xi32>
    %mul3A_756 = arith.muli %min3A_753, %mul3A_755 : vector<16xi32>
    %add3A_757 = arith.addi %mul3A_756, %min3A_744 : vector<16xi32>
    %dma_start3A_758 = arith.constant 3 : i32
    %dma_start3A_759 = arith.constant 16 : i32
    %dma_start3A_760 = tpu.memref_slice %arg23[%dma_start3A_758, %dma_start3A_759] : memref<16x32xf32, #tpu.memory_space<vmem>> -> memref<1x16xf32, #tpu.memory_space<vmem>>
    %dma_start3A_761 = tpu.memref_squeeze %dma_start3A_760 : memref<1x16xf32, #tpu.memory_space<vmem>> -> memref<16xf32, #tpu.memory_space<vmem>>
    %dma_start3A_762 = arith.constant 0 : i32
    %dma_start3A_763 = tpu.memref_slice %arg7[%dma_start3A_762] : memref<262144xf32, #tpu.memory_space<hbm>> -> memref<262144xf32, #tpu.memory_space<hbm>>
    tpu.enqueue_indirect_dma source(%dma_start3A_763 : memref<262144xf32, #tpu.memory_space<hbm>>) target(%dma_start3A_761 : memref<16xf32, #tpu.memory_space<vmem>>) offsets(%add3A_757 : vector<16xi32>) semaphore(%arg26 : memref<!tpu.dma_semaphore, #tpu.memory_space<semaphore_mem>>)
    %dma_start3A_764 = arith.constant 3 : i32
    %dma_start3A_765 = arith.constant 16 : i32
    %dma_start3A_766 = arith.constant 0 : i32
    %dma_start3A_767 = tpu.memref_slice %arg25[%dma_start3A_764, %dma_start3A_765, %dma_start3A_766] : memref<13x32x128xf32, #tpu.memory_space<vmem>> -> memref<1x16x128xf32, #tpu.memory_space<vmem>>
    %dma_start3A_768 = tpu.memref_squeeze %dma_start3A_767 : memref<1x16x128xf32, #tpu.memory_space<vmem>> -> memref<16x128xf32, #tpu.memory_space<vmem>>
    %dma_start3A_769 = arith.constant 0 : i32
    %dma_start3A_770 = arith.constant 0 : i32
    %dma_start3A_771 = tpu.memref_slice %arg4[%dma_start3A_769, %dma_start3A_770] : memref<262144x128xf32, #tpu.memory_space<hbm>> -> memref<262144x128xf32, #tpu.memory_space<hbm>>
    tpu.enqueue_indirect_dma source(%dma_start3A_771 : memref<262144x128xf32, #tpu.memory_space<hbm>>) target(%dma_start3A_768 : memref<16x128xf32, #tpu.memory_space<vmem>>) offsets(%add3A_757 : vector<16xi32>) semaphore(%arg27 : memref<!tpu.dma_semaphore, #tpu.memory_space<semaphore_mem>>)
    %add3A_772 = arith.constant 0 : i32
    %add3A_773 = vector.broadcast %add3A_772 : i32 to vector<16xi32>
    %add3A_774 = arith.addi %convert_element_type3A_588, %add3A_773 : vector<16xi32>
    %jit3A_775 = arith.constant 0 : i32
    %jit3A_776 = arith.constant 511 : i32
    %max3A_777 = vector.broadcast %jit3A_775 : i32 to vector<16xi32>
    %max3A_778 = arith.maxsi %max3A_777, %add3A_774 : vector<16xi32>
    %min3A_779 = vector.broadcast %jit3A_776 : i32 to vector<16xi32>
    %min3A_780 = arith.minsi %min3A_779, %max3A_778 : vector<16xi32>
    %add3A_781 = arith.constant -2 : i32
    %add3A_782 = vector.broadcast %add3A_781 : i32 to vector<16xi32>
    %add3A_783 = arith.addi %convert_element_type3A_595, %add3A_782 : vector<16xi32>
    %jit3A_784 = arith.constant 0 : i32
    %jit3A_785 = arith.constant 511 : i32
    %max3A_786 = vector.broadcast %jit3A_784 : i32 to vector<16xi32>
    %max3A_787 = arith.maxsi %max3A_786, %add3A_783 : vector<16xi32>
    %min3A_788 = vector.broadcast %jit3A_785 : i32 to vector<16xi32>
    %min3A_789 = arith.minsi %min3A_788, %max3A_787 : vector<16xi32>
    %mul3A_790 = arith.constant 512 : i32
    %mul3A_791 = vector.broadcast %mul3A_790 : i32 to vector<16xi32>
    %mul3A_792 = arith.muli %min3A_789, %mul3A_791 : vector<16xi32>
    %add3A_793 = arith.addi %mul3A_792, %min3A_780 : vector<16xi32>
    %dma_start3A_794 = arith.constant 4 : i32
    %dma_start3A_795 = arith.constant 16 : i32
    %dma_start3A_796 = tpu.memref_slice %arg23[%dma_start3A_794, %dma_start3A_795] : memref<16x32xf32, #tpu.memory_space<vmem>> -> memref<1x16xf32, #tpu.memory_space<vmem>>
    %dma_start3A_797 = tpu.memref_squeeze %dma_start3A_796 : memref<1x16xf32, #tpu.memory_space<vmem>> -> memref<16xf32, #tpu.memory_space<vmem>>
    %dma_start3A_798 = arith.constant 0 : i32
    %dma_start3A_799 = tpu.memref_slice %arg7[%dma_start3A_798] : memref<262144xf32, #tpu.memory_space<hbm>> -> memref<262144xf32, #tpu.memory_space<hbm>>
    tpu.enqueue_indirect_dma source(%dma_start3A_799 : memref<262144xf32, #tpu.memory_space<hbm>>) target(%dma_start3A_797 : memref<16xf32, #tpu.memory_space<vmem>>) offsets(%add3A_793 : vector<16xi32>) semaphore(%arg26 : memref<!tpu.dma_semaphore, #tpu.memory_space<semaphore_mem>>)
    %dma_start3A_800 = arith.constant 4 : i32
    %dma_start3A_801 = arith.constant 16 : i32
    %dma_start3A_802 = arith.constant 0 : i32
    %dma_start3A_803 = tpu.memref_slice %arg25[%dma_start3A_800, %dma_start3A_801, %dma_start3A_802] : memref<13x32x128xf32, #tpu.memory_space<vmem>> -> memref<1x16x128xf32, #tpu.memory_space<vmem>>
    %dma_start3A_804 = tpu.memref_squeeze %dma_start3A_803 : memref<1x16x128xf32, #tpu.memory_space<vmem>> -> memref<16x128xf32, #tpu.memory_space<vmem>>
    %dma_start3A_805 = arith.constant 0 : i32
    %dma_start3A_806 = arith.constant 0 : i32
    %dma_start3A_807 = tpu.memref_slice %arg4[%dma_start3A_805, %dma_start3A_806] : memref<262144x128xf32, #tpu.memory_space<hbm>> -> memref<262144x128xf32, #tpu.memory_space<hbm>>
    tpu.enqueue_indirect_dma source(%dma_start3A_807 : memref<262144x128xf32, #tpu.memory_space<hbm>>) target(%dma_start3A_804 : memref<16x128xf32, #tpu.memory_space<vmem>>) offsets(%add3A_793 : vector<16xi32>) semaphore(%arg27 : memref<!tpu.dma_semaphore, #tpu.memory_space<semaphore_mem>>)
    %add3A_808 = arith.constant 0 : i32
    %add3A_809 = vector.broadcast %add3A_808 : i32 to vector<16xi32>
    %add3A_810 = arith.addi %convert_element_type3A_588, %add3A_809 : vector<16xi32>
    %jit3A_811 = arith.constant 0 : i32
    %jit3A_812 = arith.constant 511 : i32
    %max3A_813 = vector.broadcast %jit3A_811 : i32 to vector<16xi32>
    %max3A_814 = arith.maxsi %max3A_813, %add3A_810 : vector<16xi32>
    %min3A_815 = vector.broadcast %jit3A_812 : i32 to vector<16xi32>
    %min3A_816 = arith.minsi %min3A_815, %max3A_814 : vector<16xi32>
    %add3A_817 = arith.constant -1 : i32
    %add3A_818 = vector.broadcast %add3A_817 : i32 to vector<16xi32>
    %add3A_819 = arith.addi %convert_element_type3A_595, %add3A_818 : vector<16xi32>
    %jit3A_820 = arith.constant 0 : i32
    %jit3A_821 = arith.constant 511 : i32
    %max3A_822 = vector.broadcast %jit3A_820 : i32 to vector<16xi32>
    %max3A_823 = arith.maxsi %max3A_822, %add3A_819 : vector<16xi32>
    %min3A_824 = vector.broadcast %jit3A_821 : i32 to vector<16xi32>
    %min3A_825 = arith.minsi %min3A_824, %max3A_823 : vector<16xi32>
    %mul3A_826 = arith.constant 512 : i32
    %mul3A_827 = vector.broadcast %mul3A_826 : i32 to vector<16xi32>
    %mul3A_828 = arith.muli %min3A_825, %mul3A_827 : vector<16xi32>
    %add3A_829 = arith.addi %mul3A_828, %min3A_816 : vector<16xi32>
    %dma_start3A_830 = arith.constant 5 : i32
    %dma_start3A_831 = arith.constant 16 : i32
    %dma_start3A_832 = tpu.memref_slice %arg23[%dma_start3A_830, %dma_start3A_831] : memref<16x32xf32, #tpu.memory_space<vmem>> -> memref<1x16xf32, #tpu.memory_space<vmem>>
    %dma_start3A_833 = tpu.memref_squeeze %dma_start3A_832 : memref<1x16xf32, #tpu.memory_space<vmem>> -> memref<16xf32, #tpu.memory_space<vmem>>
    %dma_start3A_834 = arith.constant 0 : i32
    %dma_start3A_835 = tpu.memref_slice %arg7[%dma_start3A_834] : memref<262144xf32, #tpu.memory_space<hbm>> -> memref<262144xf32, #tpu.memory_space<hbm>>
    tpu.enqueue_indirect_dma source(%dma_start3A_835 : memref<262144xf32, #tpu.memory_space<hbm>>) target(%dma_start3A_833 : memref<16xf32, #tpu.memory_space<vmem>>) offsets(%add3A_829 : vector<16xi32>) semaphore(%arg26 : memref<!tpu.dma_semaphore, #tpu.memory_space<semaphore_mem>>)
    %dma_start3A_836 = arith.constant 5 : i32
    %dma_start3A_837 = arith.constant 16 : i32
    %dma_start3A_838 = arith.constant 0 : i32
    %dma_start3A_839 = tpu.memref_slice %arg25[%dma_start3A_836, %dma_start3A_837, %dma_start3A_838] : memref<13x32x128xf32, #tpu.memory_space<vmem>> -> memref<1x16x128xf32, #tpu.memory_space<vmem>>
    %dma_start3A_840 = tpu.memref_squeeze %dma_start3A_839 : memref<1x16x128xf32, #tpu.memory_space<vmem>> -> memref<16x128xf32, #tpu.memory_space<vmem>>
    %dma_start3A_841 = arith.constant 0 : i32
    %dma_start3A_842 = arith.constant 0 : i32
    %dma_start3A_843 = tpu.memref_slice %arg4[%dma_start3A_841, %dma_start3A_842] : memref<262144x128xf32, #tpu.memory_space<hbm>> -> memref<262144x128xf32, #tpu.memory_space<hbm>>
    tpu.enqueue_indirect_dma source(%dma_start3A_843 : memref<262144x128xf32, #tpu.memory_space<hbm>>) target(%dma_start3A_840 : memref<16x128xf32, #tpu.memory_space<vmem>>) offsets(%add3A_829 : vector<16xi32>) semaphore(%arg27 : memref<!tpu.dma_semaphore, #tpu.memory_space<semaphore_mem>>)
    %add3A_844 = arith.constant 0 : i32
    %add3A_845 = vector.broadcast %add3A_844 : i32 to vector<16xi32>
    %add3A_846 = arith.addi %convert_element_type3A_588, %add3A_845 : vector<16xi32>
    %jit3A_847 = arith.constant 0 : i32
    %jit3A_848 = arith.constant 511 : i32
    %max3A_849 = vector.broadcast %jit3A_847 : i32 to vector<16xi32>
    %max3A_850 = arith.maxsi %max3A_849, %add3A_846 : vector<16xi32>
    %min3A_851 = vector.broadcast %jit3A_848 : i32 to vector<16xi32>
    %min3A_852 = arith.minsi %min3A_851, %max3A_850 : vector<16xi32>
    %add3A_853 = arith.constant 0 : i32
    %add3A_854 = vector.broadcast %add3A_853 : i32 to vector<16xi32>
    %add3A_855 = arith.addi %convert_element_type3A_595, %add3A_854 : vector<16xi32>
    %jit3A_856 = arith.constant 0 : i32
    %jit3A_857 = arith.constant 511 : i32
    %max3A_858 = vector.broadcast %jit3A_856 : i32 to vector<16xi32>
    %max3A_859 = arith.maxsi %max3A_858, %add3A_855 : vector<16xi32>
    %min3A_860 = vector.broadcast %jit3A_857 : i32 to vector<16xi32>
    %min3A_861 = arith.minsi %min3A_860, %max3A_859 : vector<16xi32>
    %mul3A_862 = arith.constant 512 : i32
    %mul3A_863 = vector.broadcast %mul3A_862 : i32 to vector<16xi32>
    %mul3A_864 = arith.muli %min3A_861, %mul3A_863 : vector<16xi32>
    %add3A_865 = arith.addi %mul3A_864, %min3A_852 : vector<16xi32>
    %dma_start3A_866 = arith.constant 6 : i32
    %dma_start3A_867 = arith.constant 16 : i32
    %dma_start3A_868 = tpu.memref_slice %arg23[%dma_start3A_866, %dma_start3A_867] : memref<16x32xf32, #tpu.memory_space<vmem>> -> memref<1x16xf32, #tpu.memory_space<vmem>>
    %dma_start3A_869 = tpu.memref_squeeze %dma_start3A_868 : memref<1x16xf32, #tpu.memory_space<vmem>> -> memref<16xf32, #tpu.memory_space<vmem>>
    %dma_start3A_870 = arith.constant 0 : i32
    %dma_start3A_871 = tpu.memref_slice %arg7[%dma_start3A_870] : memref<262144xf32, #tpu.memory_space<hbm>> -> memref<262144xf32, #tpu.memory_space<hbm>>
    tpu.enqueue_indirect_dma source(%dma_start3A_871 : memref<262144xf32, #tpu.memory_space<hbm>>) target(%dma_start3A_869 : memref<16xf32, #tpu.memory_space<vmem>>) offsets(%add3A_865 : vector<16xi32>) semaphore(%arg26 : memref<!tpu.dma_semaphore, #tpu.memory_space<semaphore_mem>>)
    %dma_start3A_872 = arith.constant 6 : i32
    %dma_start3A_873 = arith.constant 16 : i32
    %dma_start3A_874 = arith.constant 0 : i32
    %dma_start3A_875 = tpu.memref_slice %arg25[%dma_start3A_872, %dma_start3A_873, %dma_start3A_874] : memref<13x32x128xf32, #tpu.memory_space<vmem>> -> memref<1x16x128xf32, #tpu.memory_space<vmem>>
    %dma_start3A_876 = tpu.memref_squeeze %dma_start3A_875 : memref<1x16x128xf32, #tpu.memory_space<vmem>> -> memref<16x128xf32, #tpu.memory_space<vmem>>
    %dma_start3A_877 = arith.constant 0 : i32
    %dma_start3A_878 = arith.constant 0 : i32
    %dma_start3A_879 = tpu.memref_slice %arg4[%dma_start3A_877, %dma_start3A_878] : memref<262144x128xf32, #tpu.memory_space<hbm>> -> memref<262144x128xf32, #tpu.memory_space<hbm>>
    tpu.enqueue_indirect_dma source(%dma_start3A_879 : memref<262144x128xf32, #tpu.memory_space<hbm>>) target(%dma_start3A_876 : memref<16x128xf32, #tpu.memory_space<vmem>>) offsets(%add3A_865 : vector<16xi32>) semaphore(%arg27 : memref<!tpu.dma_semaphore, #tpu.memory_space<semaphore_mem>>)
    %add3A_880 = arith.constant 0 : i32
    %add3A_881 = vector.broadcast %add3A_880 : i32 to vector<16xi32>
    %add3A_882 = arith.addi %convert_element_type3A_588, %add3A_881 : vector<16xi32>
    %jit3A_883 = arith.constant 0 : i32
    %jit3A_884 = arith.constant 511 : i32
    %max3A_885 = vector.broadcast %jit3A_883 : i32 to vector<16xi32>
    %max3A_886 = arith.maxsi %max3A_885, %add3A_882 : vector<16xi32>
    %min3A_887 = vector.broadcast %jit3A_884 : i32 to vector<16xi32>
    %min3A_888 = arith.minsi %min3A_887, %max3A_886 : vector<16xi32>
    %add3A_889 = arith.constant 1 : i32
    %add3A_890 = vector.broadcast %add3A_889 : i32 to vector<16xi32>
    %add3A_891 = arith.addi %convert_element_type3A_595, %add3A_890 : vector<16xi32>
    %jit3A_892 = arith.constant 0 : i32
    %jit3A_893 = arith.constant 511 : i32
    %max3A_894 = vector.broadcast %jit3A_892 : i32 to vector<16xi32>
    %max3A_895 = arith.maxsi %max3A_894, %add3A_891 : vector<16xi32>
    %min3A_896 = vector.broadcast %jit3A_893 : i32 to vector<16xi32>
    %min3A_897 = arith.minsi %min3A_896, %max3A_895 : vector<16xi32>
    %mul3A_898 = arith.constant 512 : i32
    %mul3A_899 = vector.broadcast %mul3A_898 : i32 to vector<16xi32>
    %mul3A_900 = arith.muli %min3A_897, %mul3A_899 : vector<16xi32>
    %add3A_901 = arith.addi %mul3A_900, %min3A_888 : vector<16xi32>
    %dma_start3A_902 = arith.constant 7 : i32
    %dma_start3A_903 = arith.constant 16 : i32
    %dma_start3A_904 = tpu.memref_slice %arg23[%dma_start3A_902, %dma_start3A_903] : memref<16x32xf32, #tpu.memory_space<vmem>> -> memref<1x16xf32, #tpu.memory_space<vmem>>
    %dma_start3A_905 = tpu.memref_squeeze %dma_start3A_904 : memref<1x16xf32, #tpu.memory_space<vmem>> -> memref<16xf32, #tpu.memory_space<vmem>>
    %dma_start3A_906 = arith.constant 0 : i32
    %dma_start3A_907 = tpu.memref_slice %arg7[%dma_start3A_906] : memref<262144xf32, #tpu.memory_space<hbm>> -> memref<262144xf32, #tpu.memory_space<hbm>>
    tpu.enqueue_indirect_dma source(%dma_start3A_907 : memref<262144xf32, #tpu.memory_space<hbm>>) target(%dma_start3A_905 : memref<16xf32, #tpu.memory_space<vmem>>) offsets(%add3A_901 : vector<16xi32>) semaphore(%arg26 : memref<!tpu.dma_semaphore, #tpu.memory_space<semaphore_mem>>)
    %dma_start3A_908 = arith.constant 7 : i32
    %dma_start3A_909 = arith.constant 16 : i32
    %dma_start3A_910 = arith.constant 0 : i32
    %dma_start3A_911 = tpu.memref_slice %arg25[%dma_start3A_908, %dma_start3A_909, %dma_start3A_910] : memref<13x32x128xf32, #tpu.memory_space<vmem>> -> memref<1x16x128xf32, #tpu.memory_space<vmem>>
    %dma_start3A_912 = tpu.memref_squeeze %dma_start3A_911 : memref<1x16x128xf32, #tpu.memory_space<vmem>> -> memref<16x128xf32, #tpu.memory_space<vmem>>
    %dma_start3A_913 = arith.constant 0 : i32
    %dma_start3A_914 = arith.constant 0 : i32
    %dma_start3A_915 = tpu.memref_slice %arg4[%dma_start3A_913, %dma_start3A_914] : memref<262144x128xf32, #tpu.memory_space<hbm>> -> memref<262144x128xf32, #tpu.memory_space<hbm>>
    tpu.enqueue_indirect_dma source(%dma_start3A_915 : memref<262144x128xf32, #tpu.memory_space<hbm>>) target(%dma_start3A_912 : memref<16x128xf32, #tpu.memory_space<vmem>>) offsets(%add3A_901 : vector<16xi32>) semaphore(%arg27 : memref<!tpu.dma_semaphore, #tpu.memory_space<semaphore_mem>>)
    %add3A_916 = arith.constant 0 : i32
    %add3A_917 = vector.broadcast %add3A_916 : i32 to vector<16xi32>
    %add3A_918 = arith.addi %convert_element_type3A_588, %add3A_917 : vector<16xi32>
    %jit3A_919 = arith.constant 0 : i32
    %jit3A_920 = arith.constant 511 : i32
    %max3A_921 = vector.broadcast %jit3A_919 : i32 to vector<16xi32>
    %max3A_922 = arith.maxsi %max3A_921, %add3A_918 : vector<16xi32>
    %min3A_923 = vector.broadcast %jit3A_920 : i32 to vector<16xi32>
    %min3A_924 = arith.minsi %min3A_923, %max3A_922 : vector<16xi32>
    %add3A_925 = arith.constant 2 : i32
    %add3A_926 = vector.broadcast %add3A_925 : i32 to vector<16xi32>
    %add3A_927 = arith.addi %convert_element_type3A_595, %add3A_926 : vector<16xi32>
    %jit3A_928 = arith.constant 0 : i32
    %jit3A_929 = arith.constant 511 : i32
    %max3A_930 = vector.broadcast %jit3A_928 : i32 to vector<16xi32>
    %max3A_931 = arith.maxsi %max3A_930, %add3A_927 : vector<16xi32>
    %min3A_932 = vector.broadcast %jit3A_929 : i32 to vector<16xi32>
    %min3A_933 = arith.minsi %min3A_932, %max3A_931 : vector<16xi32>
    %mul3A_934 = arith.constant 512 : i32
    %mul3A_935 = vector.broadcast %mul3A_934 : i32 to vector<16xi32>
    %mul3A_936 = arith.muli %min3A_933, %mul3A_935 : vector<16xi32>
    %add3A_937 = arith.addi %mul3A_936, %min3A_924 : vector<16xi32>
    %dma_start3A_938 = arith.constant 8 : i32
    %dma_start3A_939 = arith.constant 16 : i32
    %dma_start3A_940 = tpu.memref_slice %arg23[%dma_start3A_938, %dma_start3A_939] : memref<16x32xf32, #tpu.memory_space<vmem>> -> memref<1x16xf32, #tpu.memory_space<vmem>>
    %dma_start3A_941 = tpu.memref_squeeze %dma_start3A_940 : memref<1x16xf32, #tpu.memory_space<vmem>> -> memref<16xf32, #tpu.memory_space<vmem>>
    %dma_start3A_942 = arith.constant 0 : i32
    %dma_start3A_943 = tpu.memref_slice %arg7[%dma_start3A_942] : memref<262144xf32, #tpu.memory_space<hbm>> -> memref<262144xf32, #tpu.memory_space<hbm>>
    tpu.enqueue_indirect_dma source(%dma_start3A_943 : memref<262144xf32, #tpu.memory_space<hbm>>) target(%dma_start3A_941 : memref<16xf32, #tpu.memory_space<vmem>>) offsets(%add3A_937 : vector<16xi32>) semaphore(%arg26 : memref<!tpu.dma_semaphore, #tpu.memory_space<semaphore_mem>>)
    %dma_start3A_944 = arith.constant 8 : i32
    %dma_start3A_945 = arith.constant 16 : i32
    %dma_start3A_946 = arith.constant 0 : i32
    %dma_start3A_947 = tpu.memref_slice %arg25[%dma_start3A_944, %dma_start3A_945, %dma_start3A_946] : memref<13x32x128xf32, #tpu.memory_space<vmem>> -> memref<1x16x128xf32, #tpu.memory_space<vmem>>
    %dma_start3A_948 = tpu.memref_squeeze %dma_start3A_947 : memref<1x16x128xf32, #tpu.memory_space<vmem>> -> memref<16x128xf32, #tpu.memory_space<vmem>>
    %dma_start3A_949 = arith.constant 0 : i32
    %dma_start3A_950 = arith.constant 0 : i32
    %dma_start3A_951 = tpu.memref_slice %arg4[%dma_start3A_949, %dma_start3A_950] : memref<262144x128xf32, #tpu.memory_space<hbm>> -> memref<262144x128xf32, #tpu.memory_space<hbm>>
    tpu.enqueue_indirect_dma source(%dma_start3A_951 : memref<262144x128xf32, #tpu.memory_space<hbm>>) target(%dma_start3A_948 : memref<16x128xf32, #tpu.memory_space<vmem>>) offsets(%add3A_937 : vector<16xi32>) semaphore(%arg27 : memref<!tpu.dma_semaphore, #tpu.memory_space<semaphore_mem>>)
    %add3A_952 = arith.constant 1 : i32
    %add3A_953 = vector.broadcast %add3A_952 : i32 to vector<16xi32>
    %add3A_954 = arith.addi %convert_element_type3A_588, %add3A_953 : vector<16xi32>
    %jit3A_955 = arith.constant 0 : i32
    %jit3A_956 = arith.constant 511 : i32
    %max3A_957 = vector.broadcast %jit3A_955 : i32 to vector<16xi32>
    %max3A_958 = arith.maxsi %max3A_957, %add3A_954 : vector<16xi32>
    %min3A_959 = vector.broadcast %jit3A_956 : i32 to vector<16xi32>
    %min3A_960 = arith.minsi %min3A_959, %max3A_958 : vector<16xi32>
    %add3A_961 = arith.constant -1 : i32
    %add3A_962 = vector.broadcast %add3A_961 : i32 to vector<16xi32>
    %add3A_963 = arith.addi %convert_element_type3A_595, %add3A_962 : vector<16xi32>
    %jit3A_964 = arith.constant 0 : i32
    %jit3A_965 = arith.constant 511 : i32
    %max3A_966 = vector.broadcast %jit3A_964 : i32 to vector<16xi32>
    %max3A_967 = arith.maxsi %max3A_966, %add3A_963 : vector<16xi32>
    %min3A_968 = vector.broadcast %jit3A_965 : i32 to vector<16xi32>
    %min3A_969 = arith.minsi %min3A_968, %max3A_967 : vector<16xi32>
    %mul3A_970 = arith.constant 512 : i32
    %mul3A_971 = vector.broadcast %mul3A_970 : i32 to vector<16xi32>
    %mul3A_972 = arith.muli %min3A_969, %mul3A_971 : vector<16xi32>
    %add3A_973 = arith.addi %mul3A_972, %min3A_960 : vector<16xi32>
    %dma_start3A_974 = arith.constant 9 : i32
    %dma_start3A_975 = arith.constant 16 : i32
    %dma_start3A_976 = tpu.memref_slice %arg23[%dma_start3A_974, %dma_start3A_975] : memref<16x32xf32, #tpu.memory_space<vmem>> -> memref<1x16xf32, #tpu.memory_space<vmem>>
    %dma_start3A_977 = tpu.memref_squeeze %dma_start3A_976 : memref<1x16xf32, #tpu.memory_space<vmem>> -> memref<16xf32, #tpu.memory_space<vmem>>
    %dma_start3A_978 = arith.constant 0 : i32
    %dma_start3A_979 = tpu.memref_slice %arg7[%dma_start3A_978] : memref<262144xf32, #tpu.memory_space<hbm>> -> memref<262144xf32, #tpu.memory_space<hbm>>
    tpu.enqueue_indirect_dma source(%dma_start3A_979 : memref<262144xf32, #tpu.memory_space<hbm>>) target(%dma_start3A_977 : memref<16xf32, #tpu.memory_space<vmem>>) offsets(%add3A_973 : vector<16xi32>) semaphore(%arg26 : memref<!tpu.dma_semaphore, #tpu.memory_space<semaphore_mem>>)
    %dma_start3A_980 = arith.constant 9 : i32
    %dma_start3A_981 = arith.constant 16 : i32
    %dma_start3A_982 = arith.constant 0 : i32
    %dma_start3A_983 = tpu.memref_slice %arg25[%dma_start3A_980, %dma_start3A_981, %dma_start3A_982] : memref<13x32x128xf32, #tpu.memory_space<vmem>> -> memref<1x16x128xf32, #tpu.memory_space<vmem>>
    %dma_start3A_984 = tpu.memref_squeeze %dma_start3A_983 : memref<1x16x128xf32, #tpu.memory_space<vmem>> -> memref<16x128xf32, #tpu.memory_space<vmem>>
    %dma_start3A_985 = arith.constant 0 : i32
    %dma_start3A_986 = arith.constant 0 : i32
    %dma_start3A_987 = tpu.memref_slice %arg4[%dma_start3A_985, %dma_start3A_986] : memref<262144x128xf32, #tpu.memory_space<hbm>> -> memref<262144x128xf32, #tpu.memory_space<hbm>>
    tpu.enqueue_indirect_dma source(%dma_start3A_987 : memref<262144x128xf32, #tpu.memory_space<hbm>>) target(%dma_start3A_984 : memref<16x128xf32, #tpu.memory_space<vmem>>) offsets(%add3A_973 : vector<16xi32>) semaphore(%arg27 : memref<!tpu.dma_semaphore, #tpu.memory_space<semaphore_mem>>)
    %add3A_988 = arith.constant 1 : i32
    %add3A_989 = vector.broadcast %add3A_988 : i32 to vector<16xi32>
    %add3A_990 = arith.addi %convert_element_type3A_588, %add3A_989 : vector<16xi32>
    %jit3A_991 = arith.constant 0 : i32
    %jit3A_992 = arith.constant 511 : i32
    %max3A_993 = vector.broadcast %jit3A_991 : i32 to vector<16xi32>
    %max3A_994 = arith.maxsi %max3A_993, %add3A_990 : vector<16xi32>
    %min3A_995 = vector.broadcast %jit3A_992 : i32 to vector<16xi32>
    %min3A_996 = arith.minsi %min3A_995, %max3A_994 : vector<16xi32>
    %add3A_997 = arith.constant 0 : i32
    %add3A_998 = vector.broadcast %add3A_997 : i32 to vector<16xi32>
    %add3A_999 = arith.addi %convert_element_type3A_595, %add3A_998 : vector<16xi32>
    %jit3A_1000 = arith.constant 0 : i32
    %jit3A_1001 = arith.constant 511 : i32
    %max3A_1002 = vector.broadcast %jit3A_1000 : i32 to vector<16xi32>
    %max3A_1003 = arith.maxsi %max3A_1002, %add3A_999 : vector<16xi32>
    %min3A_1004 = vector.broadcast %jit3A_1001 : i32 to vector<16xi32>
    %min3A_1005 = arith.minsi %min3A_1004, %max3A_1003 : vector<16xi32>
    %mul3A_1006 = arith.constant 512 : i32
    %mul3A_1007 = vector.broadcast %mul3A_1006 : i32 to vector<16xi32>
    %mul3A_1008 = arith.muli %min3A_1005, %mul3A_1007 : vector<16xi32>
    %add3A_1009 = arith.addi %mul3A_1008, %min3A_996 : vector<16xi32>
    %dma_start3A_1010 = arith.constant 10 : i32
    %dma_start3A_1011 = arith.constant 16 : i32
    %dma_start3A_1012 = tpu.memref_slice %arg23[%dma_start3A_1010, %dma_start3A_1011] : memref<16x32xf32, #tpu.memory_space<vmem>> -> memref<1x16xf32, #tpu.memory_space<vmem>>
    %dma_start3A_1013 = tpu.memref_squeeze %dma_start3A_1012 : memref<1x16xf32, #tpu.memory_space<vmem>> -> memref<16xf32, #tpu.memory_space<vmem>>
    %dma_start3A_1014 = arith.constant 0 : i32
    %dma_start3A_1015 = tpu.memref_slice %arg7[%dma_start3A_1014] : memref<262144xf32, #tpu.memory_space<hbm>> -> memref<262144xf32, #tpu.memory_space<hbm>>
    tpu.enqueue_indirect_dma source(%dma_start3A_1015 : memref<262144xf32, #tpu.memory_space<hbm>>) target(%dma_start3A_1013 : memref<16xf32, #tpu.memory_space<vmem>>) offsets(%add3A_1009 : vector<16xi32>) semaphore(%arg26 : memref<!tpu.dma_semaphore, #tpu.memory_space<semaphore_mem>>)
    %dma_start3A_1016 = arith.constant 10 : i32
    %dma_start3A_1017 = arith.constant 16 : i32
    %dma_start3A_1018 = arith.constant 0 : i32
    %dma_start3A_1019 = tpu.memref_slice %arg25[%dma_start3A_1016, %dma_start3A_1017, %dma_start3A_1018] : memref<13x32x128xf32, #tpu.memory_space<vmem>> -> memref<1x16x128xf32, #tpu.memory_space<vmem>>
    %dma_start3A_1020 = tpu.memref_squeeze %dma_start3A_1019 : memref<1x16x128xf32, #tpu.memory_space<vmem>> -> memref<16x128xf32, #tpu.memory_space<vmem>>
    %dma_start3A_1021 = arith.constant 0 : i32
    %dma_start3A_1022 = arith.constant 0 : i32
    %dma_start3A_1023 = tpu.memref_slice %arg4[%dma_start3A_1021, %dma_start3A_1022] : memref<262144x128xf32, #tpu.memory_space<hbm>> -> memref<262144x128xf32, #tpu.memory_space<hbm>>
    tpu.enqueue_indirect_dma source(%dma_start3A_1023 : memref<262144x128xf32, #tpu.memory_space<hbm>>) target(%dma_start3A_1020 : memref<16x128xf32, #tpu.memory_space<vmem>>) offsets(%add3A_1009 : vector<16xi32>) semaphore(%arg27 : memref<!tpu.dma_semaphore, #tpu.memory_space<semaphore_mem>>)
    %add3A_1024 = arith.constant 1 : i32
    %add3A_1025 = vector.broadcast %add3A_1024 : i32 to vector<16xi32>
    %add3A_1026 = arith.addi %convert_element_type3A_588, %add3A_1025 : vector<16xi32>
    %jit3A_1027 = arith.constant 0 : i32
    %jit3A_1028 = arith.constant 511 : i32
    %max3A_1029 = vector.broadcast %jit3A_1027 : i32 to vector<16xi32>
    %max3A_1030 = arith.maxsi %max3A_1029, %add3A_1026 : vector<16xi32>
    %min3A_1031 = vector.broadcast %jit3A_1028 : i32 to vector<16xi32>
    %min3A_1032 = arith.minsi %min3A_1031, %max3A_1030 : vector<16xi32>
    %add3A_1033 = arith.constant 1 : i32
    %add3A_1034 = vector.broadcast %add3A_1033 : i32 to vector<16xi32>
    %add3A_1035 = arith.addi %convert_element_type3A_595, %add3A_1034 : vector<16xi32>
    %jit3A_1036 = arith.constant 0 : i32
    %jit3A_1037 = arith.constant 511 : i32
    %max3A_1038 = vector.broadcast %jit3A_1036 : i32 to vector<16xi32>
    %max3A_1039 = arith.maxsi %max3A_1038, %add3A_1035 : vector<16xi32>
    %min3A_1040 = vector.broadcast %jit3A_1037 : i32 to vector<16xi32>
    %min3A_1041 = arith.minsi %min3A_1040, %max3A_1039 : vector<16xi32>
    %mul3A_1042 = arith.constant 512 : i32
    %mul3A_1043 = vector.broadcast %mul3A_1042 : i32 to vector<16xi32>
    %mul3A_1044 = arith.muli %min3A_1041, %mul3A_1043 : vector<16xi32>
    %add3A_1045 = arith.addi %mul3A_1044, %min3A_1032 : vector<16xi32>
    %dma_start3A_1046 = arith.constant 11 : i32
    %dma_start3A_1047 = arith.constant 16 : i32
    %dma_start3A_1048 = tpu.memref_slice %arg23[%dma_start3A_1046, %dma_start3A_1047] : memref<16x32xf32, #tpu.memory_space<vmem>> -> memref<1x16xf32, #tpu.memory_space<vmem>>
    %dma_start3A_1049 = tpu.memref_squeeze %dma_start3A_1048 : memref<1x16xf32, #tpu.memory_space<vmem>> -> memref<16xf32, #tpu.memory_space<vmem>>
    %dma_start3A_1050 = arith.constant 0 : i32
    %dma_start3A_1051 = tpu.memref_slice %arg7[%dma_start3A_1050] : memref<262144xf32, #tpu.memory_space<hbm>> -> memref<262144xf32, #tpu.memory_space<hbm>>
    tpu.enqueue_indirect_dma source(%dma_start3A_1051 : memref<262144xf32, #tpu.memory_space<hbm>>) target(%dma_start3A_1049 : memref<16xf32, #tpu.memory_space<vmem>>) offsets(%add3A_1045 : vector<16xi32>) semaphore(%arg26 : memref<!tpu.dma_semaphore, #tpu.memory_space<semaphore_mem>>)
    %dma_start3A_1052 = arith.constant 11 : i32
    %dma_start3A_1053 = arith.constant 16 : i32
    %dma_start3A_1054 = arith.constant 0 : i32
    %dma_start3A_1055 = tpu.memref_slice %arg25[%dma_start3A_1052, %dma_start3A_1053, %dma_start3A_1054] : memref<13x32x128xf32, #tpu.memory_space<vmem>> -> memref<1x16x128xf32, #tpu.memory_space<vmem>>
    %dma_start3A_1056 = tpu.memref_squeeze %dma_start3A_1055 : memref<1x16x128xf32, #tpu.memory_space<vmem>> -> memref<16x128xf32, #tpu.memory_space<vmem>>
    %dma_start3A_1057 = arith.constant 0 : i32
    %dma_start3A_1058 = arith.constant 0 : i32
    %dma_start3A_1059 = tpu.memref_slice %arg4[%dma_start3A_1057, %dma_start3A_1058] : memref<262144x128xf32, #tpu.memory_space<hbm>> -> memref<262144x128xf32, #tpu.memory_space<hbm>>
    tpu.enqueue_indirect_dma source(%dma_start3A_1059 : memref<262144x128xf32, #tpu.memory_space<hbm>>) target(%dma_start3A_1056 : memref<16x128xf32, #tpu.memory_space<vmem>>) offsets(%add3A_1045 : vector<16xi32>) semaphore(%arg27 : memref<!tpu.dma_semaphore, #tpu.memory_space<semaphore_mem>>)
    %add3A_1060 = arith.constant 2 : i32
    %add3A_1061 = vector.broadcast %add3A_1060 : i32 to vector<16xi32>
    %add3A_1062 = arith.addi %convert_element_type3A_588, %add3A_1061 : vector<16xi32>
    %jit3A_1063 = arith.constant 0 : i32
    %jit3A_1064 = arith.constant 511 : i32
    %max3A_1065 = vector.broadcast %jit3A_1063 : i32 to vector<16xi32>
    %max3A_1066 = arith.maxsi %max3A_1065, %add3A_1062 : vector<16xi32>
    %min3A_1067 = vector.broadcast %jit3A_1064 : i32 to vector<16xi32>
    %min3A_1068 = arith.minsi %min3A_1067, %max3A_1066 : vector<16xi32>
    %add3A_1069 = arith.constant 0 : i32
    %add3A_1070 = vector.broadcast %add3A_1069 : i32 to vector<16xi32>
    %add3A_1071 = arith.addi %convert_element_type3A_595, %add3A_1070 : vector<16xi32>
    %jit3A_1072 = arith.constant 0 : i32
    %jit3A_1073 = arith.constant 511 : i32
    %max3A_1074 = vector.broadcast %jit3A_1072 : i32 to vector<16xi32>
    %max3A_1075 = arith.maxsi %max3A_1074, %add3A_1071 : vector<16xi32>
    %min3A_1076 = vector.broadcast %jit3A_1073 : i32 to vector<16xi32>
    %min3A_1077 = arith.minsi %min3A_1076, %max3A_1075 : vector<16xi32>
    %mul3A_1078 = arith.constant 512 : i32
    %mul3A_1079 = vector.broadcast %mul3A_1078 : i32 to vector<16xi32>
    %mul3A_1080 = arith.muli %min3A_1077, %mul3A_1079 : vector<16xi32>
    %add3A_1081 = arith.addi %mul3A_1080, %min3A_1068 : vector<16xi32>
    %dma_start3A_1082 = arith.constant 12 : i32
    %dma_start3A_1083 = arith.constant 16 : i32
    %dma_start3A_1084 = tpu.memref_slice %arg23[%dma_start3A_1082, %dma_start3A_1083] : memref<16x32xf32, #tpu.memory_space<vmem>> -> memref<1x16xf32, #tpu.memory_space<vmem>>
    %dma_start3A_1085 = tpu.memref_squeeze %dma_start3A_1084 : memref<1x16xf32, #tpu.memory_space<vmem>> -> memref<16xf32, #tpu.memory_space<vmem>>
    %dma_start3A_1086 = arith.constant 0 : i32
    %dma_start3A_1087 = tpu.memref_slice %arg7[%dma_start3A_1086] : memref<262144xf32, #tpu.memory_space<hbm>> -> memref<262144xf32, #tpu.memory_space<hbm>>
    tpu.enqueue_indirect_dma source(%dma_start3A_1087 : memref<262144xf32, #tpu.memory_space<hbm>>) target(%dma_start3A_1085 : memref<16xf32, #tpu.memory_space<vmem>>) offsets(%add3A_1081 : vector<16xi32>) semaphore(%arg26 : memref<!tpu.dma_semaphore, #tpu.memory_space<semaphore_mem>>)
    %dma_start3A_1088 = arith.constant 12 : i32
    %dma_start3A_1089 = arith.constant 16 : i32
    %dma_start3A_1090 = arith.constant 0 : i32
    %dma_start3A_1091 = tpu.memref_slice %arg25[%dma_start3A_1088, %dma_start3A_1089, %dma_start3A_1090] : memref<13x32x128xf32, #tpu.memory_space<vmem>> -> memref<1x16x128xf32, #tpu.memory_space<vmem>>
    %dma_start3A_1092 = tpu.memref_squeeze %dma_start3A_1091 : memref<1x16x128xf32, #tpu.memory_space<vmem>> -> memref<16x128xf32, #tpu.memory_space<vmem>>
    %dma_start3A_1093 = arith.constant 0 : i32
    %dma_start3A_1094 = arith.constant 0 : i32
    %dma_start3A_1095 = tpu.memref_slice %arg4[%dma_start3A_1093, %dma_start3A_1094] : memref<262144x128xf32, #tpu.memory_space<hbm>> -> memref<262144x128xf32, #tpu.memory_space<hbm>>
    tpu.enqueue_indirect_dma source(%dma_start3A_1095 : memref<262144x128xf32, #tpu.memory_space<hbm>>) target(%dma_start3A_1092 : memref<16x128xf32, #tpu.memory_space<vmem>>) offsets(%add3A_1081 : vector<16xi32>) semaphore(%arg27 : memref<!tpu.dma_semaphore, #tpu.memory_space<semaphore_mem>>)
    %dma_wait3A_1096 = arith.constant 0 : i32
    %dma_wait3A_1097 = arith.constant 0 : i32
    %dma_wait3A_1098 = tpu.memref_slice %arg23[%dma_wait3A_1096, %dma_wait3A_1097] : memref<16x32xf32, #tpu.memory_space<vmem>> -> memref<1x16xf32, #tpu.memory_space<vmem>>
    %dma_wait3A_1099 = tpu.memref_squeeze %dma_wait3A_1098 : memref<1x16xf32, #tpu.memory_space<vmem>> -> memref<16xf32, #tpu.memory_space<vmem>>
    %dma_wait3A_1100 = arith.constant 0 : i32
    %dma_wait3A_1101 = tpu.memref_slice %arg7[%dma_wait3A_1100] : memref<262144xf32, #tpu.memory_space<hbm>> -> memref<262144xf32, #tpu.memory_space<hbm>>
    tpu.wait_indirect_dma semaphore(%arg26 : memref<!tpu.dma_semaphore, #tpu.memory_space<semaphore_mem>>) src(%dma_wait3A_1101 : memref<262144xf32, #tpu.memory_space<hbm>>) dst(%dma_wait3A_1099 : memref<16xf32, #tpu.memory_space<vmem>>)
    %dma_wait3A_1102 = arith.constant 1 : i32
    %dma_wait3A_1103 = arith.constant 0 : i32
    %dma_wait3A_1104 = tpu.memref_slice %arg23[%dma_wait3A_1102, %dma_wait3A_1103] : memref<16x32xf32, #tpu.memory_space<vmem>> -> memref<1x16xf32, #tpu.memory_space<vmem>>
    %dma_wait3A_1105 = tpu.memref_squeeze %dma_wait3A_1104 : memref<1x16xf32, #tpu.memory_space<vmem>> -> memref<16xf32, #tpu.memory_space<vmem>>
    %dma_wait3A_1106 = arith.constant 0 : i32
    %dma_wait3A_1107 = tpu.memref_slice %arg7[%dma_wait3A_1106] : memref<262144xf32, #tpu.memory_space<hbm>> -> memref<262144xf32, #tpu.memory_space<hbm>>
    tpu.wait_indirect_dma semaphore(%arg26 : memref<!tpu.dma_semaphore, #tpu.memory_space<semaphore_mem>>) src(%dma_wait3A_1107 : memref<262144xf32, #tpu.memory_space<hbm>>) dst(%dma_wait3A_1105 : memref<16xf32, #tpu.memory_space<vmem>>)
    %dma_wait3A_1108 = arith.constant 2 : i32
    %dma_wait3A_1109 = arith.constant 0 : i32
    %dma_wait3A_1110 = tpu.memref_slice %arg23[%dma_wait3A_1108, %dma_wait3A_1109] : memref<16x32xf32, #tpu.memory_space<vmem>> -> memref<1x16xf32, #tpu.memory_space<vmem>>
    %dma_wait3A_1111 = tpu.memref_squeeze %dma_wait3A_1110 : memref<1x16xf32, #tpu.memory_space<vmem>> -> memref<16xf32, #tpu.memory_space<vmem>>
    %dma_wait3A_1112 = arith.constant 0 : i32
    %dma_wait3A_1113 = tpu.memref_slice %arg7[%dma_wait3A_1112] : memref<262144xf32, #tpu.memory_space<hbm>> -> memref<262144xf32, #tpu.memory_space<hbm>>
    tpu.wait_indirect_dma semaphore(%arg26 : memref<!tpu.dma_semaphore, #tpu.memory_space<semaphore_mem>>) src(%dma_wait3A_1113 : memref<262144xf32, #tpu.memory_space<hbm>>) dst(%dma_wait3A_1111 : memref<16xf32, #tpu.memory_space<vmem>>)
    %dma_wait3A_1114 = arith.constant 3 : i32
    %dma_wait3A_1115 = arith.constant 0 : i32
    %dma_wait3A_1116 = tpu.memref_slice %arg23[%dma_wait3A_1114, %dma_wait3A_1115] : memref<16x32xf32, #tpu.memory_space<vmem>> -> memref<1x16xf32, #tpu.memory_space<vmem>>
    %dma_wait3A_1117 = tpu.memref_squeeze %dma_wait3A_1116 : memref<1x16xf32, #tpu.memory_space<vmem>> -> memref<16xf32, #tpu.memory_space<vmem>>
    %dma_wait3A_1118 = arith.constant 0 : i32
    %dma_wait3A_1119 = tpu.memref_slice %arg7[%dma_wait3A_1118] : memref<262144xf32, #tpu.memory_space<hbm>> -> memref<262144xf32, #tpu.memory_space<hbm>>
    tpu.wait_indirect_dma semaphore(%arg26 : memref<!tpu.dma_semaphore, #tpu.memory_space<semaphore_mem>>) src(%dma_wait3A_1119 : memref<262144xf32, #tpu.memory_space<hbm>>) dst(%dma_wait3A_1117 : memref<16xf32, #tpu.memory_space<vmem>>)
    %dma_wait3A_1120 = arith.constant 4 : i32
    %dma_wait3A_1121 = arith.constant 0 : i32
    %dma_wait3A_1122 = tpu.memref_slice %arg23[%dma_wait3A_1120, %dma_wait3A_1121] : memref<16x32xf32, #tpu.memory_space<vmem>> -> memref<1x16xf32, #tpu.memory_space<vmem>>
    %dma_wait3A_1123 = tpu.memref_squeeze %dma_wait3A_1122 : memref<1x16xf32, #tpu.memory_space<vmem>> -> memref<16xf32, #tpu.memory_space<vmem>>
    %dma_wait3A_1124 = arith.constant 0 : i32
    %dma_wait3A_1125 = tpu.memref_slice %arg7[%dma_wait3A_1124] : memref<262144xf32, #tpu.memory_space<hbm>> -> memref<262144xf32, #tpu.memory_space<hbm>>
    tpu.wait_indirect_dma semaphore(%arg26 : memref<!tpu.dma_semaphore, #tpu.memory_space<semaphore_mem>>) src(%dma_wait3A_1125 : memref<262144xf32, #tpu.memory_space<hbm>>) dst(%dma_wait3A_1123 : memref<16xf32, #tpu.memory_space<vmem>>)
    %dma_wait3A_1126 = arith.constant 5 : i32
    %dma_wait3A_1127 = arith.constant 0 : i32
    %dma_wait3A_1128 = tpu.memref_slice %arg23[%dma_wait3A_1126, %dma_wait3A_1127] : memref<16x32xf32, #tpu.memory_space<vmem>> -> memref<1x16xf32, #tpu.memory_space<vmem>>
    %dma_wait3A_1129 = tpu.memref_squeeze %dma_wait3A_1128 : memref<1x16xf32, #tpu.memory_space<vmem>> -> memref<16xf32, #tpu.memory_space<vmem>>
    %dma_wait3A_1130 = arith.constant 0 : i32
    %dma_wait3A_1131 = tpu.memref_slice %arg7[%dma_wait3A_1130] : memref<262144xf32, #tpu.memory_space<hbm>> -> memref<262144xf32, #tpu.memory_space<hbm>>
    tpu.wait_indirect_dma semaphore(%arg26 : memref<!tpu.dma_semaphore, #tpu.memory_space<semaphore_mem>>) src(%dma_wait3A_1131 : memref<262144xf32, #tpu.memory_space<hbm>>) dst(%dma_wait3A_1129 : memref<16xf32, #tpu.memory_space<vmem>>)
    %dma_wait3A_1132 = arith.constant 6 : i32
    %dma_wait3A_1133 = arith.constant 0 : i32
    %dma_wait3A_1134 = tpu.memref_slice %arg23[%dma_wait3A_1132, %dma_wait3A_1133] : memref<16x32xf32, #tpu.memory_space<vmem>> -> memref<1x16xf32, #tpu.memory_space<vmem>>
    %dma_wait3A_1135 = tpu.memref_squeeze %dma_wait3A_1134 : memref<1x16xf32, #tpu.memory_space<vmem>> -> memref<16xf32, #tpu.memory_space<vmem>>
    %dma_wait3A_1136 = arith.constant 0 : i32
    %dma_wait3A_1137 = tpu.memref_slice %arg7[%dma_wait3A_1136] : memref<262144xf32, #tpu.memory_space<hbm>> -> memref<262144xf32, #tpu.memory_space<hbm>>
    tpu.wait_indirect_dma semaphore(%arg26 : memref<!tpu.dma_semaphore, #tpu.memory_space<semaphore_mem>>) src(%dma_wait3A_1137 : memref<262144xf32, #tpu.memory_space<hbm>>) dst(%dma_wait3A_1135 : memref<16xf32, #tpu.memory_space<vmem>>)
    %dma_wait3A_1138 = arith.constant 7 : i32
    %dma_wait3A_1139 = arith.constant 0 : i32
    %dma_wait3A_1140 = tpu.memref_slice %arg23[%dma_wait3A_1138, %dma_wait3A_1139] : memref<16x32xf32, #tpu.memory_space<vmem>> -> memref<1x16xf32, #tpu.memory_space<vmem>>
    %dma_wait3A_1141 = tpu.memref_squeeze %dma_wait3A_1140 : memref<1x16xf32, #tpu.memory_space<vmem>> -> memref<16xf32, #tpu.memory_space<vmem>>
    %dma_wait3A_1142 = arith.constant 0 : i32
    %dma_wait3A_1143 = tpu.memref_slice %arg7[%dma_wait3A_1142] : memref<262144xf32, #tpu.memory_space<hbm>> -> memref<262144xf32, #tpu.memory_space<hbm>>
    tpu.wait_indirect_dma semaphore(%arg26 : memref<!tpu.dma_semaphore, #tpu.memory_space<semaphore_mem>>) src(%dma_wait3A_1143 : memref<262144xf32, #tpu.memory_space<hbm>>) dst(%dma_wait3A_1141 : memref<16xf32, #tpu.memory_space<vmem>>)
    %dma_wait3A_1144 = arith.constant 8 : i32
    %dma_wait3A_1145 = arith.constant 0 : i32
    %dma_wait3A_1146 = tpu.memref_slice %arg23[%dma_wait3A_1144, %dma_wait3A_1145] : memref<16x32xf32, #tpu.memory_space<vmem>> -> memref<1x16xf32, #tpu.memory_space<vmem>>
    %dma_wait3A_1147 = tpu.memref_squeeze %dma_wait3A_1146 : memref<1x16xf32, #tpu.memory_space<vmem>> -> memref<16xf32, #tpu.memory_space<vmem>>
    %dma_wait3A_1148 = arith.constant 0 : i32
    %dma_wait3A_1149 = tpu.memref_slice %arg7[%dma_wait3A_1148] : memref<262144xf32, #tpu.memory_space<hbm>> -> memref<262144xf32, #tpu.memory_space<hbm>>
    tpu.wait_indirect_dma semaphore(%arg26 : memref<!tpu.dma_semaphore, #tpu.memory_space<semaphore_mem>>) src(%dma_wait3A_1149 : memref<262144xf32, #tpu.memory_space<hbm>>) dst(%dma_wait3A_1147 : memref<16xf32, #tpu.memory_space<vmem>>)
    %dma_wait3A_1150 = arith.constant 9 : i32
    %dma_wait3A_1151 = arith.constant 0 : i32
    %dma_wait3A_1152 = tpu.memref_slice %arg23[%dma_wait3A_1150, %dma_wait3A_1151] : memref<16x32xf32, #tpu.memory_space<vmem>> -> memref<1x16xf32, #tpu.memory_space<vmem>>
    %dma_wait3A_1153 = tpu.memref_squeeze %dma_wait3A_1152 : memref<1x16xf32, #tpu.memory_space<vmem>> -> memref<16xf32, #tpu.memory_space<vmem>>
    %dma_wait3A_1154 = arith.constant 0 : i32
    %dma_wait3A_1155 = tpu.memref_slice %arg7[%dma_wait3A_1154] : memref<262144xf32, #tpu.memory_space<hbm>> -> memref<262144xf32, #tpu.memory_space<hbm>>
    tpu.wait_indirect_dma semaphore(%arg26 : memref<!tpu.dma_semaphore, #tpu.memory_space<semaphore_mem>>) src(%dma_wait3A_1155 : memref<262144xf32, #tpu.memory_space<hbm>>) dst(%dma_wait3A_1153 : memref<16xf32, #tpu.memory_space<vmem>>)
    %dma_wait3A_1156 = arith.constant 10 : i32
    %dma_wait3A_1157 = arith.constant 0 : i32
    %dma_wait3A_1158 = tpu.memref_slice %arg23[%dma_wait3A_1156, %dma_wait3A_1157] : memref<16x32xf32, #tpu.memory_space<vmem>> -> memref<1x16xf32, #tpu.memory_space<vmem>>
    %dma_wait3A_1159 = tpu.memref_squeeze %dma_wait3A_1158 : memref<1x16xf32, #tpu.memory_space<vmem>> -> memref<16xf32, #tpu.memory_space<vmem>>
    %dma_wait3A_1160 = arith.constant 0 : i32
    %dma_wait3A_1161 = tpu.memref_slice %arg7[%dma_wait3A_1160] : memref<262144xf32, #tpu.memory_space<hbm>> -> memref<262144xf32, #tpu.memory_space<hbm>>
    tpu.wait_indirect_dma semaphore(%arg26 : memref<!tpu.dma_semaphore, #tpu.memory_space<semaphore_mem>>) src(%dma_wait3A_1161 : memref<262144xf32, #tpu.memory_space<hbm>>) dst(%dma_wait3A_1159 : memref<16xf32, #tpu.memory_space<vmem>>)
    %dma_wait3A_1162 = arith.constant 11 : i32
    %dma_wait3A_1163 = arith.constant 0 : i32
    %dma_wait3A_1164 = tpu.memref_slice %arg23[%dma_wait3A_1162, %dma_wait3A_1163] : memref<16x32xf32, #tpu.memory_space<vmem>> -> memref<1x16xf32, #tpu.memory_space<vmem>>
    %dma_wait3A_1165 = tpu.memref_squeeze %dma_wait3A_1164 : memref<1x16xf32, #tpu.memory_space<vmem>> -> memref<16xf32, #tpu.memory_space<vmem>>
    %dma_wait3A_1166 = arith.constant 0 : i32
    %dma_wait3A_1167 = tpu.memref_slice %arg7[%dma_wait3A_1166] : memref<262144xf32, #tpu.memory_space<hbm>> -> memref<262144xf32, #tpu.memory_space<hbm>>
    tpu.wait_indirect_dma semaphore(%arg26 : memref<!tpu.dma_semaphore, #tpu.memory_space<semaphore_mem>>) src(%dma_wait3A_1167 : memref<262144xf32, #tpu.memory_space<hbm>>) dst(%dma_wait3A_1165 : memref<16xf32, #tpu.memory_space<vmem>>)
    %dma_wait3A_1168 = arith.constant 12 : i32
    %dma_wait3A_1169 = arith.constant 0 : i32
    %dma_wait3A_1170 = tpu.memref_slice %arg23[%dma_wait3A_1168, %dma_wait3A_1169] : memref<16x32xf32, #tpu.memory_space<vmem>> -> memref<1x16xf32, #tpu.memory_space<vmem>>
    %dma_wait3A_1171 = tpu.memref_squeeze %dma_wait3A_1170 : memref<1x16xf32, #tpu.memory_space<vmem>> -> memref<16xf32, #tpu.memory_space<vmem>>
    %dma_wait3A_1172 = arith.constant 0 : i32
    %dma_wait3A_1173 = tpu.memref_slice %arg7[%dma_wait3A_1172] : memref<262144xf32, #tpu.memory_space<hbm>> -> memref<262144xf32, #tpu.memory_space<hbm>>
    tpu.wait_indirect_dma semaphore(%arg26 : memref<!tpu.dma_semaphore, #tpu.memory_space<semaphore_mem>>) src(%dma_wait3A_1173 : memref<262144xf32, #tpu.memory_space<hbm>>) dst(%dma_wait3A_1171 : memref<16xf32, #tpu.memory_space<vmem>>)
    %dma_wait3A_1174 = arith.constant 0 : i32
    %dma_wait3A_1175 = arith.constant 16 : i32
    %dma_wait3A_1176 = tpu.memref_slice %arg23[%dma_wait3A_1174, %dma_wait3A_1175] : memref<16x32xf32, #tpu.memory_space<vmem>> -> memref<1x16xf32, #tpu.memory_space<vmem>>
    %dma_wait3A_1177 = tpu.memref_squeeze %dma_wait3A_1176 : memref<1x16xf32, #tpu.memory_space<vmem>> -> memref<16xf32, #tpu.memory_space<vmem>>
    %dma_wait3A_1178 = arith.constant 0 : i32
    %dma_wait3A_1179 = tpu.memref_slice %arg7[%dma_wait3A_1178] : memref<262144xf32, #tpu.memory_space<hbm>> -> memref<262144xf32, #tpu.memory_space<hbm>>
    tpu.wait_indirect_dma semaphore(%arg26 : memref<!tpu.dma_semaphore, #tpu.memory_space<semaphore_mem>>) src(%dma_wait3A_1179 : memref<262144xf32, #tpu.memory_space<hbm>>) dst(%dma_wait3A_1177 : memref<16xf32, #tpu.memory_space<vmem>>)
    %dma_wait3A_1180 = arith.constant 1 : i32
    %dma_wait3A_1181 = arith.constant 16 : i32
    %dma_wait3A_1182 = tpu.memref_slice %arg23[%dma_wait3A_1180, %dma_wait3A_1181] : memref<16x32xf32, #tpu.memory_space<vmem>> -> memref<1x16xf32, #tpu.memory_space<vmem>>
    %dma_wait3A_1183 = tpu.memref_squeeze %dma_wait3A_1182 : memref<1x16xf32, #tpu.memory_space<vmem>> -> memref<16xf32, #tpu.memory_space<vmem>>
    %dma_wait3A_1184 = arith.constant 0 : i32
    %dma_wait3A_1185 = tpu.memref_slice %arg7[%dma_wait3A_1184] : memref<262144xf32, #tpu.memory_space<hbm>> -> memref<262144xf32, #tpu.memory_space<hbm>>
    tpu.wait_indirect_dma semaphore(%arg26 : memref<!tpu.dma_semaphore, #tpu.memory_space<semaphore_mem>>) src(%dma_wait3A_1185 : memref<262144xf32, #tpu.memory_space<hbm>>) dst(%dma_wait3A_1183 : memref<16xf32, #tpu.memory_space<vmem>>)
    %dma_wait3A_1186 = arith.constant 2 : i32
    %dma_wait3A_1187 = arith.constant 16 : i32
    %dma_wait3A_1188 = tpu.memref_slice %arg23[%dma_wait3A_1186, %dma_wait3A_1187] : memref<16x32xf32, #tpu.memory_space<vmem>> -> memref<1x16xf32, #tpu.memory_space<vmem>>
    %dma_wait3A_1189 = tpu.memref_squeeze %dma_wait3A_1188 : memref<1x16xf32, #tpu.memory_space<vmem>> -> memref<16xf32, #tpu.memory_space<vmem>>
    %dma_wait3A_1190 = arith.constant 0 : i32
    %dma_wait3A_1191 = tpu.memref_slice %arg7[%dma_wait3A_1190] : memref<262144xf32, #tpu.memory_space<hbm>> -> memref<262144xf32, #tpu.memory_space<hbm>>
    tpu.wait_indirect_dma semaphore(%arg26 : memref<!tpu.dma_semaphore, #tpu.memory_space<semaphore_mem>>) src(%dma_wait3A_1191 : memref<262144xf32, #tpu.memory_space<hbm>>) dst(%dma_wait3A_1189 : memref<16xf32, #tpu.memory_space<vmem>>)
    %dma_wait3A_1192 = arith.constant 3 : i32
    %dma_wait3A_1193 = arith.constant 16 : i32
    %dma_wait3A_1194 = tpu.memref_slice %arg23[%dma_wait3A_1192, %dma_wait3A_1193] : memref<16x32xf32, #tpu.memory_space<vmem>> -> memref<1x16xf32, #tpu.memory_space<vmem>>
    %dma_wait3A_1195 = tpu.memref_squeeze %dma_wait3A_1194 : memref<1x16xf32, #tpu.memory_space<vmem>> -> memref<16xf32, #tpu.memory_space<vmem>>
    %dma_wait3A_1196 = arith.constant 0 : i32
    %dma_wait3A_1197 = tpu.memref_slice %arg7[%dma_wait3A_1196] : memref<262144xf32, #tpu.memory_space<hbm>> -> memref<262144xf32, #tpu.memory_space<hbm>>
    tpu.wait_indirect_dma semaphore(%arg26 : memref<!tpu.dma_semaphore, #tpu.memory_space<semaphore_mem>>) src(%dma_wait3A_1197 : memref<262144xf32, #tpu.memory_space<hbm>>) dst(%dma_wait3A_1195 : memref<16xf32, #tpu.memory_space<vmem>>)
    %dma_wait3A_1198 = arith.constant 4 : i32
    %dma_wait3A_1199 = arith.constant 16 : i32
    %dma_wait3A_1200 = tpu.memref_slice %arg23[%dma_wait3A_1198, %dma_wait3A_1199] : memref<16x32xf32, #tpu.memory_space<vmem>> -> memref<1x16xf32, #tpu.memory_space<vmem>>
    %dma_wait3A_1201 = tpu.memref_squeeze %dma_wait3A_1200 : memref<1x16xf32, #tpu.memory_space<vmem>> -> memref<16xf32, #tpu.memory_space<vmem>>
    %dma_wait3A_1202 = arith.constant 0 : i32
    %dma_wait3A_1203 = tpu.memref_slice %arg7[%dma_wait3A_1202] : memref<262144xf32, #tpu.memory_space<hbm>> -> memref<262144xf32, #tpu.memory_space<hbm>>
    tpu.wait_indirect_dma semaphore(%arg26 : memref<!tpu.dma_semaphore, #tpu.memory_space<semaphore_mem>>) src(%dma_wait3A_1203 : memref<262144xf32, #tpu.memory_space<hbm>>) dst(%dma_wait3A_1201 : memref<16xf32, #tpu.memory_space<vmem>>)
    %dma_wait3A_1204 = arith.constant 5 : i32
    %dma_wait3A_1205 = arith.constant 16 : i32
    %dma_wait3A_1206 = tpu.memref_slice %arg23[%dma_wait3A_1204, %dma_wait3A_1205] : memref<16x32xf32, #tpu.memory_space<vmem>> -> memref<1x16xf32, #tpu.memory_space<vmem>>
    %dma_wait3A_1207 = tpu.memref_squeeze %dma_wait3A_1206 : memref<1x16xf32, #tpu.memory_space<vmem>> -> memref<16xf32, #tpu.memory_space<vmem>>
    %dma_wait3A_1208 = arith.constant 0 : i32
    %dma_wait3A_1209 = tpu.memref_slice %arg7[%dma_wait3A_1208] : memref<262144xf32, #tpu.memory_space<hbm>> -> memref<262144xf32, #tpu.memory_space<hbm>>
    tpu.wait_indirect_dma semaphore(%arg26 : memref<!tpu.dma_semaphore, #tpu.memory_space<semaphore_mem>>) src(%dma_wait3A_1209 : memref<262144xf32, #tpu.memory_space<hbm>>) dst(%dma_wait3A_1207 : memref<16xf32, #tpu.memory_space<vmem>>)
    %dma_wait3A_1210 = arith.constant 6 : i32
    %dma_wait3A_1211 = arith.constant 16 : i32
    %dma_wait3A_1212 = tpu.memref_slice %arg23[%dma_wait3A_1210, %dma_wait3A_1211] : memref<16x32xf32, #tpu.memory_space<vmem>> -> memref<1x16xf32, #tpu.memory_space<vmem>>
    %dma_wait3A_1213 = tpu.memref_squeeze %dma_wait3A_1212 : memref<1x16xf32, #tpu.memory_space<vmem>> -> memref<16xf32, #tpu.memory_space<vmem>>
    %dma_wait3A_1214 = arith.constant 0 : i32
    %dma_wait3A_1215 = tpu.memref_slice %arg7[%dma_wait3A_1214] : memref<262144xf32, #tpu.memory_space<hbm>> -> memref<262144xf32, #tpu.memory_space<hbm>>
    tpu.wait_indirect_dma semaphore(%arg26 : memref<!tpu.dma_semaphore, #tpu.memory_space<semaphore_mem>>) src(%dma_wait3A_1215 : memref<262144xf32, #tpu.memory_space<hbm>>) dst(%dma_wait3A_1213 : memref<16xf32, #tpu.memory_space<vmem>>)
    %dma_wait3A_1216 = arith.constant 7 : i32
    %dma_wait3A_1217 = arith.constant 16 : i32
    %dma_wait3A_1218 = tpu.memref_slice %arg23[%dma_wait3A_1216, %dma_wait3A_1217] : memref<16x32xf32, #tpu.memory_space<vmem>> -> memref<1x16xf32, #tpu.memory_space<vmem>>
    %dma_wait3A_1219 = tpu.memref_squeeze %dma_wait3A_1218 : memref<1x16xf32, #tpu.memory_space<vmem>> -> memref<16xf32, #tpu.memory_space<vmem>>
    %dma_wait3A_1220 = arith.constant 0 : i32
    %dma_wait3A_1221 = tpu.memref_slice %arg7[%dma_wait3A_1220] : memref<262144xf32, #tpu.memory_space<hbm>> -> memref<262144xf32, #tpu.memory_space<hbm>>
    tpu.wait_indirect_dma semaphore(%arg26 : memref<!tpu.dma_semaphore, #tpu.memory_space<semaphore_mem>>) src(%dma_wait3A_1221 : memref<262144xf32, #tpu.memory_space<hbm>>) dst(%dma_wait3A_1219 : memref<16xf32, #tpu.memory_space<vmem>>)
    %dma_wait3A_1222 = arith.constant 8 : i32
    %dma_wait3A_1223 = arith.constant 16 : i32
    %dma_wait3A_1224 = tpu.memref_slice %arg23[%dma_wait3A_1222, %dma_wait3A_1223] : memref<16x32xf32, #tpu.memory_space<vmem>> -> memref<1x16xf32, #tpu.memory_space<vmem>>
    %dma_wait3A_1225 = tpu.memref_squeeze %dma_wait3A_1224 : memref<1x16xf32, #tpu.memory_space<vmem>> -> memref<16xf32, #tpu.memory_space<vmem>>
    %dma_wait3A_1226 = arith.constant 0 : i32
    %dma_wait3A_1227 = tpu.memref_slice %arg7[%dma_wait3A_1226] : memref<262144xf32, #tpu.memory_space<hbm>> -> memref<262144xf32, #tpu.memory_space<hbm>>
    tpu.wait_indirect_dma semaphore(%arg26 : memref<!tpu.dma_semaphore, #tpu.memory_space<semaphore_mem>>) src(%dma_wait3A_1227 : memref<262144xf32, #tpu.memory_space<hbm>>) dst(%dma_wait3A_1225 : memref<16xf32, #tpu.memory_space<vmem>>)
    %dma_wait3A_1228 = arith.constant 9 : i32
    %dma_wait3A_1229 = arith.constant 16 : i32
    %dma_wait3A_1230 = tpu.memref_slice %arg23[%dma_wait3A_1228, %dma_wait3A_1229] : memref<16x32xf32, #tpu.memory_space<vmem>> -> memref<1x16xf32, #tpu.memory_space<vmem>>
    %dma_wait3A_1231 = tpu.memref_squeeze %dma_wait3A_1230 : memref<1x16xf32, #tpu.memory_space<vmem>> -> memref<16xf32, #tpu.memory_space<vmem>>
    %dma_wait3A_1232 = arith.constant 0 : i32
    %dma_wait3A_1233 = tpu.memref_slice %arg7[%dma_wait3A_1232] : memref<262144xf32, #tpu.memory_space<hbm>> -> memref<262144xf32, #tpu.memory_space<hbm>>
    tpu.wait_indirect_dma semaphore(%arg26 : memref<!tpu.dma_semaphore, #tpu.memory_space<semaphore_mem>>) src(%dma_wait3A_1233 : memref<262144xf32, #tpu.memory_space<hbm>>) dst(%dma_wait3A_1231 : memref<16xf32, #tpu.memory_space<vmem>>)
    %dma_wait3A_1234 = arith.constant 10 : i32
    %dma_wait3A_1235 = arith.constant 16 : i32
    %dma_wait3A_1236 = tpu.memref_slice %arg23[%dma_wait3A_1234, %dma_wait3A_1235] : memref<16x32xf32, #tpu.memory_space<vmem>> -> memref<1x16xf32, #tpu.memory_space<vmem>>
    %dma_wait3A_1237 = tpu.memref_squeeze %dma_wait3A_1236 : memref<1x16xf32, #tpu.memory_space<vmem>> -> memref<16xf32, #tpu.memory_space<vmem>>
    %dma_wait3A_1238 = arith.constant 0 : i32
    %dma_wait3A_1239 = tpu.memref_slice %arg7[%dma_wait3A_1238] : memref<262144xf32, #tpu.memory_space<hbm>> -> memref<262144xf32, #tpu.memory_space<hbm>>
    tpu.wait_indirect_dma semaphore(%arg26 : memref<!tpu.dma_semaphore, #tpu.memory_space<semaphore_mem>>) src(%dma_wait3A_1239 : memref<262144xf32, #tpu.memory_space<hbm>>) dst(%dma_wait3A_1237 : memref<16xf32, #tpu.memory_space<vmem>>)
    %dma_wait3A_1240 = arith.constant 11 : i32
    %dma_wait3A_1241 = arith.constant 16 : i32
    %dma_wait3A_1242 = tpu.memref_slice %arg23[%dma_wait3A_1240, %dma_wait3A_1241] : memref<16x32xf32, #tpu.memory_space<vmem>> -> memref<1x16xf32, #tpu.memory_space<vmem>>
    %dma_wait3A_1243 = tpu.memref_squeeze %dma_wait3A_1242 : memref<1x16xf32, #tpu.memory_space<vmem>> -> memref<16xf32, #tpu.memory_space<vmem>>
    %dma_wait3A_1244 = arith.constant 0 : i32
    %dma_wait3A_1245 = tpu.memref_slice %arg7[%dma_wait3A_1244] : memref<262144xf32, #tpu.memory_space<hbm>> -> memref<262144xf32, #tpu.memory_space<hbm>>
    tpu.wait_indirect_dma semaphore(%arg26 : memref<!tpu.dma_semaphore, #tpu.memory_space<semaphore_mem>>) src(%dma_wait3A_1245 : memref<262144xf32, #tpu.memory_space<hbm>>) dst(%dma_wait3A_1243 : memref<16xf32, #tpu.memory_space<vmem>>)
    %dma_wait3A_1246 = arith.constant 12 : i32
    %dma_wait3A_1247 = arith.constant 16 : i32
    %dma_wait3A_1248 = tpu.memref_slice %arg23[%dma_wait3A_1246, %dma_wait3A_1247] : memref<16x32xf32, #tpu.memory_space<vmem>> -> memref<1x16xf32, #tpu.memory_space<vmem>>
    %dma_wait3A_1249 = tpu.memref_squeeze %dma_wait3A_1248 : memref<1x16xf32, #tpu.memory_space<vmem>> -> memref<16xf32, #tpu.memory_space<vmem>>
    %dma_wait3A_1250 = arith.constant 0 : i32
    %dma_wait3A_1251 = tpu.memref_slice %arg7[%dma_wait3A_1250] : memref<262144xf32, #tpu.memory_space<hbm>> -> memref<262144xf32, #tpu.memory_space<hbm>>
    tpu.wait_indirect_dma semaphore(%arg26 : memref<!tpu.dma_semaphore, #tpu.memory_space<semaphore_mem>>) src(%dma_wait3A_1251 : memref<262144xf32, #tpu.memory_space<hbm>>) dst(%dma_wait3A_1249 : memref<16xf32, #tpu.memory_space<vmem>>)
    "tpu.region"() ({
      %run_scoped3A = tpu.sem_alloc : memref<!tpu.dma_semaphore, #tpu.memory_space<semaphore_mem>>
      %dma_start3A_1472 = tpu.memref_slice %arg11[%mul3A_2] : memref<1024xf32, #tpu.memory_space<hbm>> -> memref<32xf32, #tpu.memory_space<hbm>>
      %dma_start3A_1473 = tpu.memref_slice %arg11[%mul3A_2] : memref<1024xf32, #tpu.memory_space<hbm>> -> memref<32xf32, #tpu.memory_space<hbm>>
      tpu.enqueue_dma source(%arg19 : memref<32xf32, #tpu.memory_space<vmem>>) target(%dma_start3A_1473 : memref<32xf32, #tpu.memory_space<hbm>>) target_semaphore(%run_scoped3A : memref<!tpu.dma_semaphore, #tpu.memory_space<semaphore_mem>>)
      %dma_wait3A_1474 = tpu.memref_slice %arg11[%mul3A_2] : memref<1024xf32, #tpu.memory_space<hbm>> -> memref<32xf32, #tpu.memory_space<hbm>>
      %dma_wait3A_1475 = tpu.memref_slice %arg11[%mul3A_2] : memref<1024xf32, #tpu.memory_space<hbm>> -> memref<32xf32, #tpu.memory_space<hbm>>
      tpu.wait_dma2 semaphore(%run_scoped3A : memref<!tpu.dma_semaphore, #tpu.memory_space<semaphore_mem>>) src(%arg19 : memref<32xf32, #tpu.memory_space<vmem>>) dst(%dma_wait3A_1475 : memref<32xf32, #tpu.memory_space<hbm>>)
      tpu.yield
    }) : () -> ()
    "tpu.region"() ({
      %run_scoped3A = tpu.sem_alloc : memref<!tpu.dma_semaphore, #tpu.memory_space<semaphore_mem>>
      %dma_start3A_1472 = tpu.memref_slice %arg12[%mul3A_2] : memref<1024xi32, #tpu.memory_space<hbm>> -> memref<32xi32, #tpu.memory_space<hbm>>
      %dma_start3A_1473 = tpu.memref_slice %arg12[%mul3A_2] : memref<1024xi32, #tpu.memory_space<hbm>> -> memref<32xi32, #tpu.memory_space<hbm>>
      tpu.enqueue_dma source(%arg20 : memref<32xi32, #tpu.memory_space<vmem>>) target(%dma_start3A_1473 : memref<32xi32, #tpu.memory_space<hbm>>) target_semaphore(%run_scoped3A : memref<!tpu.dma_semaphore, #tpu.memory_space<semaphore_mem>>)
      %dma_wait3A_1474 = tpu.memref_slice %arg12[%mul3A_2] : memref<1024xi32, #tpu.memory_space<hbm>> -> memref<32xi32, #tpu.memory_space<hbm>>
      %dma_wait3A_1475 = tpu.memref_slice %arg12[%mul3A_2] : memref<1024xi32, #tpu.memory_space<hbm>> -> memref<32xi32, #tpu.memory_space<hbm>>
      tpu.wait_dma2 semaphore(%run_scoped3A : memref<!tpu.dma_semaphore, #tpu.memory_space<semaphore_mem>>) src(%arg20 : memref<32xi32, #tpu.memory_space<vmem>>) dst(%dma_wait3A_1475 : memref<32xi32, #tpu.memory_space<hbm>>)
      tpu.yield
    }) : () -> ()
    "tpu.region"() ({
      %run_scoped3A = tpu.sem_alloc : memref<!tpu.dma_semaphore, #tpu.memory_space<semaphore_mem>>
      %dma_start3A_1472 = tpu.memref_slice %arg13[%mul3A_2] : memref<1024xi32, #tpu.memory_space<hbm>> -> memref<32xi32, #tpu.memory_space<hbm>>
      %dma_start3A_1473 = tpu.memref_slice %arg13[%mul3A_2] : memref<1024xi32, #tpu.memory_space<hbm>> -> memref<32xi32, #tpu.memory_space<hbm>>
      tpu.enqueue_dma source(%arg21 : memref<32xi32, #tpu.memory_space<vmem>>) target(%dma_start3A_1473 : memref<32xi32, #tpu.memory_space<hbm>>) target_semaphore(%run_scoped3A : memref<!tpu.dma_semaphore, #tpu.memory_space<semaphore_mem>>)
      %dma_wait3A_1474 = tpu.memref_slice %arg13[%mul3A_2] : memref<1024xi32, #tpu.memory_space<hbm>> -> memref<32xi32, #tpu.memory_space<hbm>>
      %dma_wait3A_1475 = tpu.memref_slice %arg13[%mul3A_2] : memref<1024xi32, #tpu.memory_space<hbm>> -> memref<32xi32, #tpu.memory_space<hbm>>
      tpu.wait_dma2 semaphore(%run_scoped3A : memref<!tpu.dma_semaphore, #tpu.memory_space<semaphore_mem>>) src(%arg21 : memref<32xi32, #tpu.memory_space<vmem>>) dst(%dma_wait3A_1475 : memref<32xi32, #tpu.memory_space<hbm>>)
      tpu.yield
    }) : () -> ()
    "tpu.region"() ({
      %run_scoped3A = tpu.sem_alloc : memref<!tpu.dma_semaphore, #tpu.memory_space<semaphore_mem>>
      %dma_start3A_1472 = tpu.memref_slice %arg14[%mul3A_2] : memref<1024xi32, #tpu.memory_space<hbm>> -> memref<32xi32, #tpu.memory_space<hbm>>
      %dma_start3A_1473 = tpu.memref_slice %arg14[%mul3A_2] : memref<1024xi32, #tpu.memory_space<hbm>> -> memref<32xi32, #tpu.memory_space<hbm>>
      tpu.enqueue_dma source(%arg22 : memref<32xi32, #tpu.memory_space<vmem>>) target(%dma_start3A_1473 : memref<32xi32, #tpu.memory_space<hbm>>) target_semaphore(%run_scoped3A : memref<!tpu.dma_semaphore, #tpu.memory_space<semaphore_mem>>)
      %dma_wait3A_1474 = tpu.memref_slice %arg14[%mul3A_2] : memref<1024xi32, #tpu.memory_space<hbm>> -> memref<32xi32, #tpu.memory_space<hbm>>
      %dma_wait3A_1475 = tpu.memref_slice %arg14[%mul3A_2] : memref<1024xi32, #tpu.memory_space<hbm>> -> memref<32xi32, #tpu.memory_space<hbm>>
      tpu.wait_dma2 semaphore(%run_scoped3A : memref<!tpu.dma_semaphore, #tpu.memory_space<semaphore_mem>>) src(%arg22 : memref<32xi32, #tpu.memory_space<vmem>>) dst(%dma_wait3A_1475 : memref<32xi32, #tpu.memory_space<hbm>>)
      tpu.yield
    }) : () -> ()
    "tpu.region"() ({
      %run_scoped3A = tpu.sem_alloc : memref<!tpu.dma_semaphore, #tpu.memory_space<semaphore_mem>>
      %dma_start3A_1472 = arith.constant 0 : i32
      %dma_start3A_1473 = arith.constant 0 : i32
      %dma_start3A_1474 = tpu.memref_slice %arg10[%add3A, %dma_start3A_1472, %dma_start3A_1473] : memref<32x16x32xf32, #tpu.memory_space<hbm>> -> memref<1x16x32xf32, #tpu.memory_space<hbm>>
      %dma_start3A_1475 = tpu.memref_squeeze %dma_start3A_1474 : memref<1x16x32xf32, #tpu.memory_space<hbm>> -> memref<16x32xf32, #tpu.memory_space<hbm>>
      %dma_start3A_1476 = arith.constant 0 : i32
      %dma_start3A_1477 = arith.constant 0 : i32
      %dma_start3A_1478 = tpu.memref_slice %arg10[%add3A, %dma_start3A_1476, %dma_start3A_1477] : memref<32x16x32xf32, #tpu.memory_space<hbm>> -> memref<1x16x32xf32, #tpu.memory_space<hbm>>
      %dma_start3A_1479 = tpu.memref_squeeze %dma_start3A_1478 : memref<1x16x32xf32, #tpu.memory_space<hbm>> -> memref<16x32xf32, #tpu.memory_space<hbm>>
      tpu.enqueue_dma source(%arg23 : memref<16x32xf32, #tpu.memory_space<vmem>>) target(%dma_start3A_1479 : memref<16x32xf32, #tpu.memory_space<hbm>>) target_semaphore(%run_scoped3A : memref<!tpu.dma_semaphore, #tpu.memory_space<semaphore_mem>>)
      %dma_wait3A_1480 = arith.constant 0 : i32
      %dma_wait3A_1481 = arith.constant 0 : i32
      %dma_wait3A_1482 = tpu.memref_slice %arg10[%add3A, %dma_wait3A_1480, %dma_wait3A_1481] : memref<32x16x32xf32, #tpu.memory_space<hbm>> -> memref<1x16x32xf32, #tpu.memory_space<hbm>>
      %dma_wait3A_1483 = tpu.memref_squeeze %dma_wait3A_1482 : memref<1x16x32xf32, #tpu.memory_space<hbm>> -> memref<16x32xf32, #tpu.memory_space<hbm>>
      %dma_wait3A_1484 = arith.constant 0 : i32
      %dma_wait3A_1485 = arith.constant 0 : i32
      %dma_wait3A_1486 = tpu.memref_slice %arg10[%add3A, %dma_wait3A_1484, %dma_wait3A_1485] : memref<32x16x32xf32, #tpu.memory_space<hbm>> -> memref<1x16x32xf32, #tpu.memory_space<hbm>>
      %dma_wait3A_1487 = tpu.memref_squeeze %dma_wait3A_1486 : memref<1x16x32xf32, #tpu.memory_space<hbm>> -> memref<16x32xf32, #tpu.memory_space<hbm>>
      tpu.wait_dma2 semaphore(%run_scoped3A : memref<!tpu.dma_semaphore, #tpu.memory_space<semaphore_mem>>) src(%arg23 : memref<16x32xf32, #tpu.memory_space<vmem>>) dst(%dma_wait3A_1487 : memref<16x32xf32, #tpu.memory_space<hbm>>)
      tpu.yield
    }) : () -> ()
    %dma_wait3A_1252 = arith.constant 0 : i32
    %dma_wait3A_1253 = arith.constant 0 : i32
    %dma_wait3A_1254 = tpu.memref_slice %arg24[%dma_wait3A_1252, %dma_wait3A_1253] : memref<32x128xf32, #tpu.memory_space<vmem>> -> memref<16x128xf32, #tpu.memory_space<vmem>>
    %dma_wait3A_1255 = arith.constant 0 : i32
    %dma_wait3A_1256 = arith.constant 0 : i32
    %dma_wait3A_1257 = tpu.memref_slice %arg4[%dma_wait3A_1255, %dma_wait3A_1256] : memref<262144x128xf32, #tpu.memory_space<hbm>> -> memref<262144x128xf32, #tpu.memory_space<hbm>>
    tpu.wait_indirect_dma semaphore(%arg27 : memref<!tpu.dma_semaphore, #tpu.memory_space<semaphore_mem>>) src(%dma_wait3A_1257 : memref<262144x128xf32, #tpu.memory_space<hbm>>) dst(%dma_wait3A_1254 : memref<16x128xf32, #tpu.memory_space<vmem>>)
    %dma_wait3A_1258 = arith.constant 16 : i32
    %dma_wait3A_1259 = arith.constant 0 : i32
    %dma_wait3A_1260 = tpu.memref_slice %arg24[%dma_wait3A_1258, %dma_wait3A_1259] : memref<32x128xf32, #tpu.memory_space<vmem>> -> memref<16x128xf32, #tpu.memory_space<vmem>>
    %dma_wait3A_1261 = arith.constant 0 : i32
    %dma_wait3A_1262 = arith.constant 0 : i32
    %dma_wait3A_1263 = tpu.memref_slice %arg4[%dma_wait3A_1261, %dma_wait3A_1262] : memref<262144x128xf32, #tpu.memory_space<hbm>> -> memref<262144x128xf32, #tpu.memory_space<hbm>>
    tpu.wait_indirect_dma semaphore(%arg27 : memref<!tpu.dma_semaphore, #tpu.memory_space<semaphore_mem>>) src(%dma_wait3A_1263 : memref<262144x128xf32, #tpu.memory_space<hbm>>) dst(%dma_wait3A_1260 : memref<16x128xf32, #tpu.memory_space<vmem>>)
    %dma_wait3A_1264 = arith.constant 0 : i32
    %dma_wait3A_1265 = arith.constant 0 : i32
    %dma_wait3A_1266 = arith.constant 0 : i32
    %dma_wait3A_1267 = tpu.memref_slice %arg25[%dma_wait3A_1264, %dma_wait3A_1265, %dma_wait3A_1266] : memref<13x32x128xf32, #tpu.memory_space<vmem>> -> memref<1x16x128xf32, #tpu.memory_space<vmem>>
    %dma_wait3A_1268 = tpu.memref_squeeze %dma_wait3A_1267 : memref<1x16x128xf32, #tpu.memory_space<vmem>> -> memref<16x128xf32, #tpu.memory_space<vmem>>
    %dma_wait3A_1269 = arith.constant 0 : i32
    %dma_wait3A_1270 = arith.constant 0 : i32
    %dma_wait3A_1271 = tpu.memref_slice %arg4[%dma_wait3A_1269, %dma_wait3A_1270] : memref<262144x128xf32, #tpu.memory_space<hbm>> -> memref<262144x128xf32, #tpu.memory_space<hbm>>
    tpu.wait_indirect_dma semaphore(%arg27 : memref<!tpu.dma_semaphore, #tpu.memory_space<semaphore_mem>>) src(%dma_wait3A_1271 : memref<262144x128xf32, #tpu.memory_space<hbm>>) dst(%dma_wait3A_1268 : memref<16x128xf32, #tpu.memory_space<vmem>>)
    %dma_wait3A_1272 = arith.constant 1 : i32
    %dma_wait3A_1273 = arith.constant 0 : i32
    %dma_wait3A_1274 = arith.constant 0 : i32
    %dma_wait3A_1275 = tpu.memref_slice %arg25[%dma_wait3A_1272, %dma_wait3A_1273, %dma_wait3A_1274] : memref<13x32x128xf32, #tpu.memory_space<vmem>> -> memref<1x16x128xf32, #tpu.memory_space<vmem>>
    %dma_wait3A_1276 = tpu.memref_squeeze %dma_wait3A_1275 : memref<1x16x128xf32, #tpu.memory_space<vmem>> -> memref<16x128xf32, #tpu.memory_space<vmem>>
    %dma_wait3A_1277 = arith.constant 0 : i32
    %dma_wait3A_1278 = arith.constant 0 : i32
    %dma_wait3A_1279 = tpu.memref_slice %arg4[%dma_wait3A_1277, %dma_wait3A_1278] : memref<262144x128xf32, #tpu.memory_space<hbm>> -> memref<262144x128xf32, #tpu.memory_space<hbm>>
    tpu.wait_indirect_dma semaphore(%arg27 : memref<!tpu.dma_semaphore, #tpu.memory_space<semaphore_mem>>) src(%dma_wait3A_1279 : memref<262144x128xf32, #tpu.memory_space<hbm>>) dst(%dma_wait3A_1276 : memref<16x128xf32, #tpu.memory_space<vmem>>)
    %dma_wait3A_1280 = arith.constant 2 : i32
    %dma_wait3A_1281 = arith.constant 0 : i32
    %dma_wait3A_1282 = arith.constant 0 : i32
    %dma_wait3A_1283 = tpu.memref_slice %arg25[%dma_wait3A_1280, %dma_wait3A_1281, %dma_wait3A_1282] : memref<13x32x128xf32, #tpu.memory_space<vmem>> -> memref<1x16x128xf32, #tpu.memory_space<vmem>>
    %dma_wait3A_1284 = tpu.memref_squeeze %dma_wait3A_1283 : memref<1x16x128xf32, #tpu.memory_space<vmem>> -> memref<16x128xf32, #tpu.memory_space<vmem>>
    %dma_wait3A_1285 = arith.constant 0 : i32
    %dma_wait3A_1286 = arith.constant 0 : i32
    %dma_wait3A_1287 = tpu.memref_slice %arg4[%dma_wait3A_1285, %dma_wait3A_1286] : memref<262144x128xf32, #tpu.memory_space<hbm>> -> memref<262144x128xf32, #tpu.memory_space<hbm>>
    tpu.wait_indirect_dma semaphore(%arg27 : memref<!tpu.dma_semaphore, #tpu.memory_space<semaphore_mem>>) src(%dma_wait3A_1287 : memref<262144x128xf32, #tpu.memory_space<hbm>>) dst(%dma_wait3A_1284 : memref<16x128xf32, #tpu.memory_space<vmem>>)
    %dma_wait3A_1288 = arith.constant 3 : i32
    %dma_wait3A_1289 = arith.constant 0 : i32
    %dma_wait3A_1290 = arith.constant 0 : i32
    %dma_wait3A_1291 = tpu.memref_slice %arg25[%dma_wait3A_1288, %dma_wait3A_1289, %dma_wait3A_1290] : memref<13x32x128xf32, #tpu.memory_space<vmem>> -> memref<1x16x128xf32, #tpu.memory_space<vmem>>
    %dma_wait3A_1292 = tpu.memref_squeeze %dma_wait3A_1291 : memref<1x16x128xf32, #tpu.memory_space<vmem>> -> memref<16x128xf32, #tpu.memory_space<vmem>>
    %dma_wait3A_1293 = arith.constant 0 : i32
    %dma_wait3A_1294 = arith.constant 0 : i32
    %dma_wait3A_1295 = tpu.memref_slice %arg4[%dma_wait3A_1293, %dma_wait3A_1294] : memref<262144x128xf32, #tpu.memory_space<hbm>> -> memref<262144x128xf32, #tpu.memory_space<hbm>>
    tpu.wait_indirect_dma semaphore(%arg27 : memref<!tpu.dma_semaphore, #tpu.memory_space<semaphore_mem>>) src(%dma_wait3A_1295 : memref<262144x128xf32, #tpu.memory_space<hbm>>) dst(%dma_wait3A_1292 : memref<16x128xf32, #tpu.memory_space<vmem>>)
    %dma_wait3A_1296 = arith.constant 4 : i32
    %dma_wait3A_1297 = arith.constant 0 : i32
    %dma_wait3A_1298 = arith.constant 0 : i32
    %dma_wait3A_1299 = tpu.memref_slice %arg25[%dma_wait3A_1296, %dma_wait3A_1297, %dma_wait3A_1298] : memref<13x32x128xf32, #tpu.memory_space<vmem>> -> memref<1x16x128xf32, #tpu.memory_space<vmem>>
    %dma_wait3A_1300 = tpu.memref_squeeze %dma_wait3A_1299 : memref<1x16x128xf32, #tpu.memory_space<vmem>> -> memref<16x128xf32, #tpu.memory_space<vmem>>
    %dma_wait3A_1301 = arith.constant 0 : i32
    %dma_wait3A_1302 = arith.constant 0 : i32
    %dma_wait3A_1303 = tpu.memref_slice %arg4[%dma_wait3A_1301, %dma_wait3A_1302] : memref<262144x128xf32, #tpu.memory_space<hbm>> -> memref<262144x128xf32, #tpu.memory_space<hbm>>
    tpu.wait_indirect_dma semaphore(%arg27 : memref<!tpu.dma_semaphore, #tpu.memory_space<semaphore_mem>>) src(%dma_wait3A_1303 : memref<262144x128xf32, #tpu.memory_space<hbm>>) dst(%dma_wait3A_1300 : memref<16x128xf32, #tpu.memory_space<vmem>>)
    %dma_wait3A_1304 = arith.constant 5 : i32
    %dma_wait3A_1305 = arith.constant 0 : i32
    %dma_wait3A_1306 = arith.constant 0 : i32
    %dma_wait3A_1307 = tpu.memref_slice %arg25[%dma_wait3A_1304, %dma_wait3A_1305, %dma_wait3A_1306] : memref<13x32x128xf32, #tpu.memory_space<vmem>> -> memref<1x16x128xf32, #tpu.memory_space<vmem>>
    %dma_wait3A_1308 = tpu.memref_squeeze %dma_wait3A_1307 : memref<1x16x128xf32, #tpu.memory_space<vmem>> -> memref<16x128xf32, #tpu.memory_space<vmem>>
    %dma_wait3A_1309 = arith.constant 0 : i32
    %dma_wait3A_1310 = arith.constant 0 : i32
    %dma_wait3A_1311 = tpu.memref_slice %arg4[%dma_wait3A_1309, %dma_wait3A_1310] : memref<262144x128xf32, #tpu.memory_space<hbm>> -> memref<262144x128xf32, #tpu.memory_space<hbm>>
    tpu.wait_indirect_dma semaphore(%arg27 : memref<!tpu.dma_semaphore, #tpu.memory_space<semaphore_mem>>) src(%dma_wait3A_1311 : memref<262144x128xf32, #tpu.memory_space<hbm>>) dst(%dma_wait3A_1308 : memref<16x128xf32, #tpu.memory_space<vmem>>)
    %dma_wait3A_1312 = arith.constant 6 : i32
    %dma_wait3A_1313 = arith.constant 0 : i32
    %dma_wait3A_1314 = arith.constant 0 : i32
    %dma_wait3A_1315 = tpu.memref_slice %arg25[%dma_wait3A_1312, %dma_wait3A_1313, %dma_wait3A_1314] : memref<13x32x128xf32, #tpu.memory_space<vmem>> -> memref<1x16x128xf32, #tpu.memory_space<vmem>>
    %dma_wait3A_1316 = tpu.memref_squeeze %dma_wait3A_1315 : memref<1x16x128xf32, #tpu.memory_space<vmem>> -> memref<16x128xf32, #tpu.memory_space<vmem>>
    %dma_wait3A_1317 = arith.constant 0 : i32
    %dma_wait3A_1318 = arith.constant 0 : i32
    %dma_wait3A_1319 = tpu.memref_slice %arg4[%dma_wait3A_1317, %dma_wait3A_1318] : memref<262144x128xf32, #tpu.memory_space<hbm>> -> memref<262144x128xf32, #tpu.memory_space<hbm>>
    tpu.wait_indirect_dma semaphore(%arg27 : memref<!tpu.dma_semaphore, #tpu.memory_space<semaphore_mem>>) src(%dma_wait3A_1319 : memref<262144x128xf32, #tpu.memory_space<hbm>>) dst(%dma_wait3A_1316 : memref<16x128xf32, #tpu.memory_space<vmem>>)
    %dma_wait3A_1320 = arith.constant 7 : i32
    %dma_wait3A_1321 = arith.constant 0 : i32
    %dma_wait3A_1322 = arith.constant 0 : i32
    %dma_wait3A_1323 = tpu.memref_slice %arg25[%dma_wait3A_1320, %dma_wait3A_1321, %dma_wait3A_1322] : memref<13x32x128xf32, #tpu.memory_space<vmem>> -> memref<1x16x128xf32, #tpu.memory_space<vmem>>
    %dma_wait3A_1324 = tpu.memref_squeeze %dma_wait3A_1323 : memref<1x16x128xf32, #tpu.memory_space<vmem>> -> memref<16x128xf32, #tpu.memory_space<vmem>>
    %dma_wait3A_1325 = arith.constant 0 : i32
    %dma_wait3A_1326 = arith.constant 0 : i32
    %dma_wait3A_1327 = tpu.memref_slice %arg4[%dma_wait3A_1325, %dma_wait3A_1326] : memref<262144x128xf32, #tpu.memory_space<hbm>> -> memref<262144x128xf32, #tpu.memory_space<hbm>>
    tpu.wait_indirect_dma semaphore(%arg27 : memref<!tpu.dma_semaphore, #tpu.memory_space<semaphore_mem>>) src(%dma_wait3A_1327 : memref<262144x128xf32, #tpu.memory_space<hbm>>) dst(%dma_wait3A_1324 : memref<16x128xf32, #tpu.memory_space<vmem>>)
    %dma_wait3A_1328 = arith.constant 8 : i32
    %dma_wait3A_1329 = arith.constant 0 : i32
    %dma_wait3A_1330 = arith.constant 0 : i32
    %dma_wait3A_1331 = tpu.memref_slice %arg25[%dma_wait3A_1328, %dma_wait3A_1329, %dma_wait3A_1330] : memref<13x32x128xf32, #tpu.memory_space<vmem>> -> memref<1x16x128xf32, #tpu.memory_space<vmem>>
    %dma_wait3A_1332 = tpu.memref_squeeze %dma_wait3A_1331 : memref<1x16x128xf32, #tpu.memory_space<vmem>> -> memref<16x128xf32, #tpu.memory_space<vmem>>
    %dma_wait3A_1333 = arith.constant 0 : i32
    %dma_wait3A_1334 = arith.constant 0 : i32
    %dma_wait3A_1335 = tpu.memref_slice %arg4[%dma_wait3A_1333, %dma_wait3A_1334] : memref<262144x128xf32, #tpu.memory_space<hbm>> -> memref<262144x128xf32, #tpu.memory_space<hbm>>
    tpu.wait_indirect_dma semaphore(%arg27 : memref<!tpu.dma_semaphore, #tpu.memory_space<semaphore_mem>>) src(%dma_wait3A_1335 : memref<262144x128xf32, #tpu.memory_space<hbm>>) dst(%dma_wait3A_1332 : memref<16x128xf32, #tpu.memory_space<vmem>>)
    %dma_wait3A_1336 = arith.constant 9 : i32
    %dma_wait3A_1337 = arith.constant 0 : i32
    %dma_wait3A_1338 = arith.constant 0 : i32
    %dma_wait3A_1339 = tpu.memref_slice %arg25[%dma_wait3A_1336, %dma_wait3A_1337, %dma_wait3A_1338] : memref<13x32x128xf32, #tpu.memory_space<vmem>> -> memref<1x16x128xf32, #tpu.memory_space<vmem>>
    %dma_wait3A_1340 = tpu.memref_squeeze %dma_wait3A_1339 : memref<1x16x128xf32, #tpu.memory_space<vmem>> -> memref<16x128xf32, #tpu.memory_space<vmem>>
    %dma_wait3A_1341 = arith.constant 0 : i32
    %dma_wait3A_1342 = arith.constant 0 : i32
    %dma_wait3A_1343 = tpu.memref_slice %arg4[%dma_wait3A_1341, %dma_wait3A_1342] : memref<262144x128xf32, #tpu.memory_space<hbm>> -> memref<262144x128xf32, #tpu.memory_space<hbm>>
    tpu.wait_indirect_dma semaphore(%arg27 : memref<!tpu.dma_semaphore, #tpu.memory_space<semaphore_mem>>) src(%dma_wait3A_1343 : memref<262144x128xf32, #tpu.memory_space<hbm>>) dst(%dma_wait3A_1340 : memref<16x128xf32, #tpu.memory_space<vmem>>)
    %dma_wait3A_1344 = arith.constant 10 : i32
    %dma_wait3A_1345 = arith.constant 0 : i32
    %dma_wait3A_1346 = arith.constant 0 : i32
    %dma_wait3A_1347 = tpu.memref_slice %arg25[%dma_wait3A_1344, %dma_wait3A_1345, %dma_wait3A_1346] : memref<13x32x128xf32, #tpu.memory_space<vmem>> -> memref<1x16x128xf32, #tpu.memory_space<vmem>>
    %dma_wait3A_1348 = tpu.memref_squeeze %dma_wait3A_1347 : memref<1x16x128xf32, #tpu.memory_space<vmem>> -> memref<16x128xf32, #tpu.memory_space<vmem>>
    %dma_wait3A_1349 = arith.constant 0 : i32
    %dma_wait3A_1350 = arith.constant 0 : i32
    %dma_wait3A_1351 = tpu.memref_slice %arg4[%dma_wait3A_1349, %dma_wait3A_1350] : memref<262144x128xf32, #tpu.memory_space<hbm>> -> memref<262144x128xf32, #tpu.memory_space<hbm>>
    tpu.wait_indirect_dma semaphore(%arg27 : memref<!tpu.dma_semaphore, #tpu.memory_space<semaphore_mem>>) src(%dma_wait3A_1351 : memref<262144x128xf32, #tpu.memory_space<hbm>>) dst(%dma_wait3A_1348 : memref<16x128xf32, #tpu.memory_space<vmem>>)
    %dma_wait3A_1352 = arith.constant 11 : i32
    %dma_wait3A_1353 = arith.constant 0 : i32
    %dma_wait3A_1354 = arith.constant 0 : i32
    %dma_wait3A_1355 = tpu.memref_slice %arg25[%dma_wait3A_1352, %dma_wait3A_1353, %dma_wait3A_1354] : memref<13x32x128xf32, #tpu.memory_space<vmem>> -> memref<1x16x128xf32, #tpu.memory_space<vmem>>
    %dma_wait3A_1356 = tpu.memref_squeeze %dma_wait3A_1355 : memref<1x16x128xf32, #tpu.memory_space<vmem>> -> memref<16x128xf32, #tpu.memory_space<vmem>>
    %dma_wait3A_1357 = arith.constant 0 : i32
    %dma_wait3A_1358 = arith.constant 0 : i32
    %dma_wait3A_1359 = tpu.memref_slice %arg4[%dma_wait3A_1357, %dma_wait3A_1358] : memref<262144x128xf32, #tpu.memory_space<hbm>> -> memref<262144x128xf32, #tpu.memory_space<hbm>>
    tpu.wait_indirect_dma semaphore(%arg27 : memref<!tpu.dma_semaphore, #tpu.memory_space<semaphore_mem>>) src(%dma_wait3A_1359 : memref<262144x128xf32, #tpu.memory_space<hbm>>) dst(%dma_wait3A_1356 : memref<16x128xf32, #tpu.memory_space<vmem>>)
    %dma_wait3A_1360 = arith.constant 12 : i32
    %dma_wait3A_1361 = arith.constant 0 : i32
    %dma_wait3A_1362 = arith.constant 0 : i32
    %dma_wait3A_1363 = tpu.memref_slice %arg25[%dma_wait3A_1360, %dma_wait3A_1361, %dma_wait3A_1362] : memref<13x32x128xf32, #tpu.memory_space<vmem>> -> memref<1x16x128xf32, #tpu.memory_space<vmem>>
    %dma_wait3A_1364 = tpu.memref_squeeze %dma_wait3A_1363 : memref<1x16x128xf32, #tpu.memory_space<vmem>> -> memref<16x128xf32, #tpu.memory_space<vmem>>
    %dma_wait3A_1365 = arith.constant 0 : i32
    %dma_wait3A_1366 = arith.constant 0 : i32
    %dma_wait3A_1367 = tpu.memref_slice %arg4[%dma_wait3A_1365, %dma_wait3A_1366] : memref<262144x128xf32, #tpu.memory_space<hbm>> -> memref<262144x128xf32, #tpu.memory_space<hbm>>
    tpu.wait_indirect_dma semaphore(%arg27 : memref<!tpu.dma_semaphore, #tpu.memory_space<semaphore_mem>>) src(%dma_wait3A_1367 : memref<262144x128xf32, #tpu.memory_space<hbm>>) dst(%dma_wait3A_1364 : memref<16x128xf32, #tpu.memory_space<vmem>>)
    %dma_wait3A_1368 = arith.constant 0 : i32
    %dma_wait3A_1369 = arith.constant 16 : i32
    %dma_wait3A_1370 = arith.constant 0 : i32
    %dma_wait3A_1371 = tpu.memref_slice %arg25[%dma_wait3A_1368, %dma_wait3A_1369, %dma_wait3A_1370] : memref<13x32x128xf32, #tpu.memory_space<vmem>> -> memref<1x16x128xf32, #tpu.memory_space<vmem>>
    %dma_wait3A_1372 = tpu.memref_squeeze %dma_wait3A_1371 : memref<1x16x128xf32, #tpu.memory_space<vmem>> -> memref<16x128xf32, #tpu.memory_space<vmem>>
    %dma_wait3A_1373 = arith.constant 0 : i32
    %dma_wait3A_1374 = arith.constant 0 : i32
    %dma_wait3A_1375 = tpu.memref_slice %arg4[%dma_wait3A_1373, %dma_wait3A_1374] : memref<262144x128xf32, #tpu.memory_space<hbm>> -> memref<262144x128xf32, #tpu.memory_space<hbm>>
    tpu.wait_indirect_dma semaphore(%arg27 : memref<!tpu.dma_semaphore, #tpu.memory_space<semaphore_mem>>) src(%dma_wait3A_1375 : memref<262144x128xf32, #tpu.memory_space<hbm>>) dst(%dma_wait3A_1372 : memref<16x128xf32, #tpu.memory_space<vmem>>)
    %dma_wait3A_1376 = arith.constant 1 : i32
    %dma_wait3A_1377 = arith.constant 16 : i32
    %dma_wait3A_1378 = arith.constant 0 : i32
    %dma_wait3A_1379 = tpu.memref_slice %arg25[%dma_wait3A_1376, %dma_wait3A_1377, %dma_wait3A_1378] : memref<13x32x128xf32, #tpu.memory_space<vmem>> -> memref<1x16x128xf32, #tpu.memory_space<vmem>>
    %dma_wait3A_1380 = tpu.memref_squeeze %dma_wait3A_1379 : memref<1x16x128xf32, #tpu.memory_space<vmem>> -> memref<16x128xf32, #tpu.memory_space<vmem>>
    %dma_wait3A_1381 = arith.constant 0 : i32
    %dma_wait3A_1382 = arith.constant 0 : i32
    %dma_wait3A_1383 = tpu.memref_slice %arg4[%dma_wait3A_1381, %dma_wait3A_1382] : memref<262144x128xf32, #tpu.memory_space<hbm>> -> memref<262144x128xf32, #tpu.memory_space<hbm>>
    tpu.wait_indirect_dma semaphore(%arg27 : memref<!tpu.dma_semaphore, #tpu.memory_space<semaphore_mem>>) src(%dma_wait3A_1383 : memref<262144x128xf32, #tpu.memory_space<hbm>>) dst(%dma_wait3A_1380 : memref<16x128xf32, #tpu.memory_space<vmem>>)
    %dma_wait3A_1384 = arith.constant 2 : i32
    %dma_wait3A_1385 = arith.constant 16 : i32
    %dma_wait3A_1386 = arith.constant 0 : i32
    %dma_wait3A_1387 = tpu.memref_slice %arg25[%dma_wait3A_1384, %dma_wait3A_1385, %dma_wait3A_1386] : memref<13x32x128xf32, #tpu.memory_space<vmem>> -> memref<1x16x128xf32, #tpu.memory_space<vmem>>
    %dma_wait3A_1388 = tpu.memref_squeeze %dma_wait3A_1387 : memref<1x16x128xf32, #tpu.memory_space<vmem>> -> memref<16x128xf32, #tpu.memory_space<vmem>>
    %dma_wait3A_1389 = arith.constant 0 : i32
    %dma_wait3A_1390 = arith.constant 0 : i32
    %dma_wait3A_1391 = tpu.memref_slice %arg4[%dma_wait3A_1389, %dma_wait3A_1390] : memref<262144x128xf32, #tpu.memory_space<hbm>> -> memref<262144x128xf32, #tpu.memory_space<hbm>>
    tpu.wait_indirect_dma semaphore(%arg27 : memref<!tpu.dma_semaphore, #tpu.memory_space<semaphore_mem>>) src(%dma_wait3A_1391 : memref<262144x128xf32, #tpu.memory_space<hbm>>) dst(%dma_wait3A_1388 : memref<16x128xf32, #tpu.memory_space<vmem>>)
    %dma_wait3A_1392 = arith.constant 3 : i32
    %dma_wait3A_1393 = arith.constant 16 : i32
    %dma_wait3A_1394 = arith.constant 0 : i32
    %dma_wait3A_1395 = tpu.memref_slice %arg25[%dma_wait3A_1392, %dma_wait3A_1393, %dma_wait3A_1394] : memref<13x32x128xf32, #tpu.memory_space<vmem>> -> memref<1x16x128xf32, #tpu.memory_space<vmem>>
    %dma_wait3A_1396 = tpu.memref_squeeze %dma_wait3A_1395 : memref<1x16x128xf32, #tpu.memory_space<vmem>> -> memref<16x128xf32, #tpu.memory_space<vmem>>
    %dma_wait3A_1397 = arith.constant 0 : i32
    %dma_wait3A_1398 = arith.constant 0 : i32
    %dma_wait3A_1399 = tpu.memref_slice %arg4[%dma_wait3A_1397, %dma_wait3A_1398] : memref<262144x128xf32, #tpu.memory_space<hbm>> -> memref<262144x128xf32, #tpu.memory_space<hbm>>
    tpu.wait_indirect_dma semaphore(%arg27 : memref<!tpu.dma_semaphore, #tpu.memory_space<semaphore_mem>>) src(%dma_wait3A_1399 : memref<262144x128xf32, #tpu.memory_space<hbm>>) dst(%dma_wait3A_1396 : memref<16x128xf32, #tpu.memory_space<vmem>>)
    %dma_wait3A_1400 = arith.constant 4 : i32
    %dma_wait3A_1401 = arith.constant 16 : i32
    %dma_wait3A_1402 = arith.constant 0 : i32
    %dma_wait3A_1403 = tpu.memref_slice %arg25[%dma_wait3A_1400, %dma_wait3A_1401, %dma_wait3A_1402] : memref<13x32x128xf32, #tpu.memory_space<vmem>> -> memref<1x16x128xf32, #tpu.memory_space<vmem>>
    %dma_wait3A_1404 = tpu.memref_squeeze %dma_wait3A_1403 : memref<1x16x128xf32, #tpu.memory_space<vmem>> -> memref<16x128xf32, #tpu.memory_space<vmem>>
    %dma_wait3A_1405 = arith.constant 0 : i32
    %dma_wait3A_1406 = arith.constant 0 : i32
    %dma_wait3A_1407 = tpu.memref_slice %arg4[%dma_wait3A_1405, %dma_wait3A_1406] : memref<262144x128xf32, #tpu.memory_space<hbm>> -> memref<262144x128xf32, #tpu.memory_space<hbm>>
    tpu.wait_indirect_dma semaphore(%arg27 : memref<!tpu.dma_semaphore, #tpu.memory_space<semaphore_mem>>) src(%dma_wait3A_1407 : memref<262144x128xf32, #tpu.memory_space<hbm>>) dst(%dma_wait3A_1404 : memref<16x128xf32, #tpu.memory_space<vmem>>)
    %dma_wait3A_1408 = arith.constant 5 : i32
    %dma_wait3A_1409 = arith.constant 16 : i32
    %dma_wait3A_1410 = arith.constant 0 : i32
    %dma_wait3A_1411 = tpu.memref_slice %arg25[%dma_wait3A_1408, %dma_wait3A_1409, %dma_wait3A_1410] : memref<13x32x128xf32, #tpu.memory_space<vmem>> -> memref<1x16x128xf32, #tpu.memory_space<vmem>>
    %dma_wait3A_1412 = tpu.memref_squeeze %dma_wait3A_1411 : memref<1x16x128xf32, #tpu.memory_space<vmem>> -> memref<16x128xf32, #tpu.memory_space<vmem>>
    %dma_wait3A_1413 = arith.constant 0 : i32
    %dma_wait3A_1414 = arith.constant 0 : i32
    %dma_wait3A_1415 = tpu.memref_slice %arg4[%dma_wait3A_1413, %dma_wait3A_1414] : memref<262144x128xf32, #tpu.memory_space<hbm>> -> memref<262144x128xf32, #tpu.memory_space<hbm>>
    tpu.wait_indirect_dma semaphore(%arg27 : memref<!tpu.dma_semaphore, #tpu.memory_space<semaphore_mem>>) src(%dma_wait3A_1415 : memref<262144x128xf32, #tpu.memory_space<hbm>>) dst(%dma_wait3A_1412 : memref<16x128xf32, #tpu.memory_space<vmem>>)
    %dma_wait3A_1416 = arith.constant 6 : i32
    %dma_wait3A_1417 = arith.constant 16 : i32
    %dma_wait3A_1418 = arith.constant 0 : i32
    %dma_wait3A_1419 = tpu.memref_slice %arg25[%dma_wait3A_1416, %dma_wait3A_1417, %dma_wait3A_1418] : memref<13x32x128xf32, #tpu.memory_space<vmem>> -> memref<1x16x128xf32, #tpu.memory_space<vmem>>
    %dma_wait3A_1420 = tpu.memref_squeeze %dma_wait3A_1419 : memref<1x16x128xf32, #tpu.memory_space<vmem>> -> memref<16x128xf32, #tpu.memory_space<vmem>>
    %dma_wait3A_1421 = arith.constant 0 : i32
    %dma_wait3A_1422 = arith.constant 0 : i32
    %dma_wait3A_1423 = tpu.memref_slice %arg4[%dma_wait3A_1421, %dma_wait3A_1422] : memref<262144x128xf32, #tpu.memory_space<hbm>> -> memref<262144x128xf32, #tpu.memory_space<hbm>>
    tpu.wait_indirect_dma semaphore(%arg27 : memref<!tpu.dma_semaphore, #tpu.memory_space<semaphore_mem>>) src(%dma_wait3A_1423 : memref<262144x128xf32, #tpu.memory_space<hbm>>) dst(%dma_wait3A_1420 : memref<16x128xf32, #tpu.memory_space<vmem>>)
    %dma_wait3A_1424 = arith.constant 7 : i32
    %dma_wait3A_1425 = arith.constant 16 : i32
    %dma_wait3A_1426 = arith.constant 0 : i32
    %dma_wait3A_1427 = tpu.memref_slice %arg25[%dma_wait3A_1424, %dma_wait3A_1425, %dma_wait3A_1426] : memref<13x32x128xf32, #tpu.memory_space<vmem>> -> memref<1x16x128xf32, #tpu.memory_space<vmem>>
    %dma_wait3A_1428 = tpu.memref_squeeze %dma_wait3A_1427 : memref<1x16x128xf32, #tpu.memory_space<vmem>> -> memref<16x128xf32, #tpu.memory_space<vmem>>
    %dma_wait3A_1429 = arith.constant 0 : i32
    %dma_wait3A_1430 = arith.constant 0 : i32
    %dma_wait3A_1431 = tpu.memref_slice %arg4[%dma_wait3A_1429, %dma_wait3A_1430] : memref<262144x128xf32, #tpu.memory_space<hbm>> -> memref<262144x128xf32, #tpu.memory_space<hbm>>
    tpu.wait_indirect_dma semaphore(%arg27 : memref<!tpu.dma_semaphore, #tpu.memory_space<semaphore_mem>>) src(%dma_wait3A_1431 : memref<262144x128xf32, #tpu.memory_space<hbm>>) dst(%dma_wait3A_1428 : memref<16x128xf32, #tpu.memory_space<vmem>>)
    %dma_wait3A_1432 = arith.constant 8 : i32
    %dma_wait3A_1433 = arith.constant 16 : i32
    %dma_wait3A_1434 = arith.constant 0 : i32
    %dma_wait3A_1435 = tpu.memref_slice %arg25[%dma_wait3A_1432, %dma_wait3A_1433, %dma_wait3A_1434] : memref<13x32x128xf32, #tpu.memory_space<vmem>> -> memref<1x16x128xf32, #tpu.memory_space<vmem>>
    %dma_wait3A_1436 = tpu.memref_squeeze %dma_wait3A_1435 : memref<1x16x128xf32, #tpu.memory_space<vmem>> -> memref<16x128xf32, #tpu.memory_space<vmem>>
    %dma_wait3A_1437 = arith.constant 0 : i32
    %dma_wait3A_1438 = arith.constant 0 : i32
    %dma_wait3A_1439 = tpu.memref_slice %arg4[%dma_wait3A_1437, %dma_wait3A_1438] : memref<262144x128xf32, #tpu.memory_space<hbm>> -> memref<262144x128xf32, #tpu.memory_space<hbm>>
    tpu.wait_indirect_dma semaphore(%arg27 : memref<!tpu.dma_semaphore, #tpu.memory_space<semaphore_mem>>) src(%dma_wait3A_1439 : memref<262144x128xf32, #tpu.memory_space<hbm>>) dst(%dma_wait3A_1436 : memref<16x128xf32, #tpu.memory_space<vmem>>)
    %dma_wait3A_1440 = arith.constant 9 : i32
    %dma_wait3A_1441 = arith.constant 16 : i32
    %dma_wait3A_1442 = arith.constant 0 : i32
    %dma_wait3A_1443 = tpu.memref_slice %arg25[%dma_wait3A_1440, %dma_wait3A_1441, %dma_wait3A_1442] : memref<13x32x128xf32, #tpu.memory_space<vmem>> -> memref<1x16x128xf32, #tpu.memory_space<vmem>>
    %dma_wait3A_1444 = tpu.memref_squeeze %dma_wait3A_1443 : memref<1x16x128xf32, #tpu.memory_space<vmem>> -> memref<16x128xf32, #tpu.memory_space<vmem>>
    %dma_wait3A_1445 = arith.constant 0 : i32
    %dma_wait3A_1446 = arith.constant 0 : i32
    %dma_wait3A_1447 = tpu.memref_slice %arg4[%dma_wait3A_1445, %dma_wait3A_1446] : memref<262144x128xf32, #tpu.memory_space<hbm>> -> memref<262144x128xf32, #tpu.memory_space<hbm>>
    tpu.wait_indirect_dma semaphore(%arg27 : memref<!tpu.dma_semaphore, #tpu.memory_space<semaphore_mem>>) src(%dma_wait3A_1447 : memref<262144x128xf32, #tpu.memory_space<hbm>>) dst(%dma_wait3A_1444 : memref<16x128xf32, #tpu.memory_space<vmem>>)
    %dma_wait3A_1448 = arith.constant 10 : i32
    %dma_wait3A_1449 = arith.constant 16 : i32
    %dma_wait3A_1450 = arith.constant 0 : i32
    %dma_wait3A_1451 = tpu.memref_slice %arg25[%dma_wait3A_1448, %dma_wait3A_1449, %dma_wait3A_1450] : memref<13x32x128xf32, #tpu.memory_space<vmem>> -> memref<1x16x128xf32, #tpu.memory_space<vmem>>
    %dma_wait3A_1452 = tpu.memref_squeeze %dma_wait3A_1451 : memref<1x16x128xf32, #tpu.memory_space<vmem>> -> memref<16x128xf32, #tpu.memory_space<vmem>>
    %dma_wait3A_1453 = arith.constant 0 : i32
    %dma_wait3A_1454 = arith.constant 0 : i32
    %dma_wait3A_1455 = tpu.memref_slice %arg4[%dma_wait3A_1453, %dma_wait3A_1454] : memref<262144x128xf32, #tpu.memory_space<hbm>> -> memref<262144x128xf32, #tpu.memory_space<hbm>>
    tpu.wait_indirect_dma semaphore(%arg27 : memref<!tpu.dma_semaphore, #tpu.memory_space<semaphore_mem>>) src(%dma_wait3A_1455 : memref<262144x128xf32, #tpu.memory_space<hbm>>) dst(%dma_wait3A_1452 : memref<16x128xf32, #tpu.memory_space<vmem>>)
    %dma_wait3A_1456 = arith.constant 11 : i32
    %dma_wait3A_1457 = arith.constant 16 : i32
    %dma_wait3A_1458 = arith.constant 0 : i32
    %dma_wait3A_1459 = tpu.memref_slice %arg25[%dma_wait3A_1456, %dma_wait3A_1457, %dma_wait3A_1458] : memref<13x32x128xf32, #tpu.memory_space<vmem>> -> memref<1x16x128xf32, #tpu.memory_space<vmem>>
    %dma_wait3A_1460 = tpu.memref_squeeze %dma_wait3A_1459 : memref<1x16x128xf32, #tpu.memory_space<vmem>> -> memref<16x128xf32, #tpu.memory_space<vmem>>
    %dma_wait3A_1461 = arith.constant 0 : i32
    %dma_wait3A_1462 = arith.constant 0 : i32
    %dma_wait3A_1463 = tpu.memref_slice %arg4[%dma_wait3A_1461, %dma_wait3A_1462] : memref<262144x128xf32, #tpu.memory_space<hbm>> -> memref<262144x128xf32, #tpu.memory_space<hbm>>
    tpu.wait_indirect_dma semaphore(%arg27 : memref<!tpu.dma_semaphore, #tpu.memory_space<semaphore_mem>>) src(%dma_wait3A_1463 : memref<262144x128xf32, #tpu.memory_space<hbm>>) dst(%dma_wait3A_1460 : memref<16x128xf32, #tpu.memory_space<vmem>>)
    %dma_wait3A_1464 = arith.constant 12 : i32
    %dma_wait3A_1465 = arith.constant 16 : i32
    %dma_wait3A_1466 = arith.constant 0 : i32
    %dma_wait3A_1467 = tpu.memref_slice %arg25[%dma_wait3A_1464, %dma_wait3A_1465, %dma_wait3A_1466] : memref<13x32x128xf32, #tpu.memory_space<vmem>> -> memref<1x16x128xf32, #tpu.memory_space<vmem>>
    %dma_wait3A_1468 = tpu.memref_squeeze %dma_wait3A_1467 : memref<1x16x128xf32, #tpu.memory_space<vmem>> -> memref<16x128xf32, #tpu.memory_space<vmem>>
    %dma_wait3A_1469 = arith.constant 0 : i32
    %dma_wait3A_1470 = arith.constant 0 : i32
    %dma_wait3A_1471 = tpu.memref_slice %arg4[%dma_wait3A_1469, %dma_wait3A_1470] : memref<262144x128xf32, #tpu.memory_space<hbm>> -> memref<262144x128xf32, #tpu.memory_space<hbm>>
    tpu.wait_indirect_dma semaphore(%arg27 : memref<!tpu.dma_semaphore, #tpu.memory_space<semaphore_mem>>) src(%dma_wait3A_1471 : memref<262144x128xf32, #tpu.memory_space<hbm>>) dst(%dma_wait3A_1468 : memref<16x128xf32, #tpu.memory_space<vmem>>)
    "tpu.region"() ({
      %run_scoped3A = tpu.sem_alloc : memref<!tpu.dma_semaphore, #tpu.memory_space<semaphore_mem>>
      %dma_start3A_1472 = arith.constant 0 : i32
      %dma_start3A_1473 = tpu.memref_slice %arg8[%mul3A_2, %dma_start3A_1472] : memref<1024x128xf32, #tpu.memory_space<hbm>> -> memref<32x128xf32, #tpu.memory_space<hbm>>
      %dma_start3A_1474 = arith.constant 0 : i32
      %dma_start3A_1475 = tpu.memref_slice %arg8[%mul3A_2, %dma_start3A_1474] : memref<1024x128xf32, #tpu.memory_space<hbm>> -> memref<32x128xf32, #tpu.memory_space<hbm>>
      tpu.enqueue_dma source(%arg24 : memref<32x128xf32, #tpu.memory_space<vmem>>) target(%dma_start3A_1475 : memref<32x128xf32, #tpu.memory_space<hbm>>) target_semaphore(%run_scoped3A : memref<!tpu.dma_semaphore, #tpu.memory_space<semaphore_mem>>)
      %dma_wait3A_1476 = arith.constant 0 : i32
      %dma_wait3A_1477 = tpu.memref_slice %arg8[%mul3A_2, %dma_wait3A_1476] : memref<1024x128xf32, #tpu.memory_space<hbm>> -> memref<32x128xf32, #tpu.memory_space<hbm>>
      %dma_wait3A_1478 = arith.constant 0 : i32
      %dma_wait3A_1479 = tpu.memref_slice %arg8[%mul3A_2, %dma_wait3A_1478] : memref<1024x128xf32, #tpu.memory_space<hbm>> -> memref<32x128xf32, #tpu.memory_space<hbm>>
      tpu.wait_dma2 semaphore(%run_scoped3A : memref<!tpu.dma_semaphore, #tpu.memory_space<semaphore_mem>>) src(%arg24 : memref<32x128xf32, #tpu.memory_space<vmem>>) dst(%dma_wait3A_1479 : memref<32x128xf32, #tpu.memory_space<hbm>>)
      tpu.yield
    }) : () -> ()
    "tpu.region"() ({
      %run_scoped3A = tpu.sem_alloc : memref<!tpu.dma_semaphore, #tpu.memory_space<semaphore_mem>>
      %dma_start3A_1472 = arith.constant 0 : i32
      %dma_start3A_1473 = arith.constant 0 : i32
      %dma_start3A_1474 = tpu.memref_slice %arg9[%dma_start3A_1472, %mul3A_2, %dma_start3A_1473] : memref<13x1024x128xf32, #tpu.memory_space<hbm>> -> memref<13x32x128xf32, #tpu.memory_space<hbm>>
      %dma_start3A_1475 = arith.constant 0 : i32
      %dma_start3A_1476 = arith.constant 0 : i32
      %dma_start3A_1477 = tpu.memref_slice %arg9[%dma_start3A_1475, %mul3A_2, %dma_start3A_1476] : memref<13x1024x128xf32, #tpu.memory_space<hbm>> -> memref<13x32x128xf32, #tpu.memory_space<hbm>>
      tpu.enqueue_dma source(%arg25 : memref<13x32x128xf32, #tpu.memory_space<vmem>>) target(%dma_start3A_1477 : memref<13x32x128xf32, #tpu.memory_space<hbm>>) target_semaphore(%run_scoped3A : memref<!tpu.dma_semaphore, #tpu.memory_space<semaphore_mem>>)
      %dma_wait3A_1478 = arith.constant 0 : i32
      %dma_wait3A_1479 = arith.constant 0 : i32
      %dma_wait3A_1480 = tpu.memref_slice %arg9[%dma_wait3A_1478, %mul3A_2, %dma_wait3A_1479] : memref<13x1024x128xf32, #tpu.memory_space<hbm>> -> memref<13x32x128xf32, #tpu.memory_space<hbm>>
      %dma_wait3A_1481 = arith.constant 0 : i32
      %dma_wait3A_1482 = arith.constant 0 : i32
      %dma_wait3A_1483 = tpu.memref_slice %arg9[%dma_wait3A_1481, %mul3A_2, %dma_wait3A_1482] : memref<13x1024x128xf32, #tpu.memory_space<hbm>> -> memref<13x32x128xf32, #tpu.memory_space<hbm>>
      tpu.wait_dma2 semaphore(%run_scoped3A : memref<!tpu.dma_semaphore, #tpu.memory_space<semaphore_mem>>) src(%arg25 : memref<13x32x128xf32, #tpu.memory_space<vmem>>) dst(%dma_wait3A_1483 : memref<13x32x128xf32, #tpu.memory_space<hbm>>)
      tpu.yield
    }) : () -> ()
    return
  }
}

module attributes {stable_mosaic.version = 14 : i64} {
  func.func @_colmax_kernel(%arg0: memref<480x480xf32, #tpu.memory_space<vmem>>, %arg1: memref<480x480xf32, #tpu.memory_space<vmem>>, %arg2: memref<4x30x480xf32, #tpu.memory_space<vmem>>) attributes {dimension_semantics = [], scalar_prefetch = 0 : i64, scratch_operands = 0 : i64, tpu.core_type = #tpu.core_type<tc>} {
    %iota3A = tpu.iota {dimensions = array<i32: 1>} : vector<30x16x480xi32>
    %get3A = arith.constant 0 : index
    %get3A_0 = arith.constant 0 : index
    %get3A_1 = vector.load %arg0[%get3A, %get3A_0] : memref<480x480xf32, #tpu.memory_space<vmem>>, vector<480x480xf32>
    %reshape3A = vector.shape_cast %get3A_1 : vector<480x480xf32> to vector<30x16x480xf32>
    %reduce_max3A = arith.constant dense<0xFF800000> : vector<30x480xf32>
    %reduce_max3A_2 = vector.multi_reduction <maximumf>, %reshape3A, %reduce_max3A [1] : vector<30x16x480xf32> to vector<30x480xf32>
    %broadcast_in_dim3A = vector.shape_cast %reduce_max3A_2 : vector<30x480xf32> to vector<30x1x480xf32>
    %ge3A = vector.broadcast %broadcast_in_dim3A : vector<30x1x480xf32> to vector<30x16x480xf32>
    %ge3A_3 = arith.cmpf oge, %reshape3A, %ge3A : vector<30x16x480xf32>
    %jit3A = arith.constant 16 : i32
    %broadcast_in_dim3A_4 = vector.broadcast %jit3A : i32 to vector<30x16x480xi32>
    %select_n3A = arith.select %ge3A_3, %iota3A, %broadcast_in_dim3A_4 : vector<30x16x480xi1>, vector<30x16x480xi32>
    %reduce_min3A = arith.constant dense<2147483647> : vector<30x480xi32>
    %reduce_min3A_5 = vector.multi_reduction <minsi>, %select_n3A, %reduce_min3A [1] : vector<30x16x480xi32> to vector<30x480xi32>
    %bitcast_convert_type3A = tpu.bitcast %reduce_min3A_5 : vector<30x480xi32> -> vector<30x480xf32>
    %get3A_6 = arith.constant 0 : index
    %get3A_7 = arith.constant 0 : index
    %get3A_8 = vector.load %arg1[%get3A_6, %get3A_7] : memref<480x480xf32, #tpu.memory_space<vmem>>, vector<480x480xf32>
    %reshape3A_9 = vector.shape_cast %get3A_8 : vector<480x480xf32> to vector<30x16x480xf32>
    %reduce_max3A_10 = arith.constant dense<0xFF800000> : vector<30x480xf32>
    %reduce_max3A_11 = vector.multi_reduction <maximumf>, %reshape3A_9, %reduce_max3A_10 [1] : vector<30x16x480xf32> to vector<30x480xf32>
    %broadcast_in_dim3A_12 = vector.shape_cast %reduce_max3A_11 : vector<30x480xf32> to vector<30x1x480xf32>
    %ge3A_13 = vector.broadcast %broadcast_in_dim3A_12 : vector<30x1x480xf32> to vector<30x16x480xf32>
    %ge3A_14 = arith.cmpf oge, %reshape3A_9, %ge3A_13 : vector<30x16x480xf32>
    %jit3A_15 = arith.constant 16 : i32
    %broadcast_in_dim3A_16 = vector.broadcast %jit3A_15 : i32 to vector<30x16x480xi32>
    %select_n3A_17 = arith.select %ge3A_14, %iota3A, %broadcast_in_dim3A_16 : vector<30x16x480xi1>, vector<30x16x480xi32>
    %reduce_min3A_18 = arith.constant dense<2147483647> : vector<30x480xi32>
    %reduce_min3A_19 = vector.multi_reduction <minsi>, %select_n3A_17, %reduce_min3A_18 [1] : vector<30x16x480xi32> to vector<30x480xi32>
    %bitcast_convert_type3A_20 = tpu.bitcast %reduce_min3A_19 : vector<30x480xi32> -> vector<30x480xf32>
    %stack3A = vector.shape_cast %reduce_max3A_2 : vector<30x480xf32> to vector<1x30x480xf32>
    %stack3A_21 = vector.shape_cast %bitcast_convert_type3A : vector<30x480xf32> to vector<1x30x480xf32>
    %stack3A_22 = vector.shape_cast %reduce_max3A_11 : vector<30x480xf32> to vector<1x30x480xf32>
    %stack3A_23 = vector.shape_cast %bitcast_convert_type3A_20 : vector<30x480xf32> to vector<1x30x480xf32>
    %stack3A_24 = tpu.concatenate %stack3A, %stack3A_21, %stack3A_22, %stack3A_23 in 0 : vector<1x30x480xf32>, vector<1x30x480xf32>, vector<1x30x480xf32>, vector<1x30x480xf32> -> vector<4x30x480xf32>
    %swap3A = arith.constant 0 : index
    %swap3A_25 = arith.constant 0 : index
    %swap3A_26 = arith.constant 0 : index
    %swap3A_27 = vector.load %arg2[%swap3A, %swap3A_25, %swap3A_26] : memref<4x30x480xf32, #tpu.memory_space<vmem>>, vector<4x30x480xf32>
    tpu.vector_store %arg2[%swap3A, %swap3A_25, %swap3A_26], %stack3A_24 {strides = array<i32>} : memref<4x30x480xf32, #tpu.memory_space<vmem>>, vector<4x30x480xf32>,
    return
  }
}

module attributes {stable_mosaic.version = 14 : i64} {
  func.func @_argmax_kernel(%arg0: memref<16x1024xf32, #tpu.memory_space<vmem>>, %arg1: memref<16x1024xi32, #tpu.memory_space<vmem>>, %arg2: memref<16x1024xf32, #tpu.memory_space<vmem>>, %arg3: memref<16x1024xi32, #tpu.memory_space<vmem>>, %arg4: memref<1x1024xi32, #tpu.memory_space<vmem>>, %arg5: memref<1x1024xi32, #tpu.memory_space<vmem>>, %arg6: memref<1x1024xi32, #tpu.memory_space<vmem>>, %arg7: memref<1x1024xi32, #tpu.memory_space<vmem>>, %arg8: memref<1x1024xi32, #tpu.memory_space<vmem>>) attributes {dimension_semantics = [], scalar_prefetch = 0 : i64, scratch_operands = 0 : i64, tpu.core_type = #tpu.core_type<tc>} {
    %iota3A = tpu.iota {dimensions = array<i32: 1>} : vector<1x1024xi32>
    %jit3A = arith.constant 30 : i32
    %div3A = vector.broadcast %jit3A : i32 to vector<1x1024xi32>
    %div3A_0 = arith.divsi %iota3A, %div3A : vector<1x1024xi32>
    %sign3A = arith.constant 0 : i32
    %sign3A_1 = vector.broadcast %sign3A : i32 to vector<1x1024xi32>
    %sign3A_2 = arith.cmpi sgt, %iota3A, %sign3A_1 : vector<1x1024xi32>
    %sign3A_3 = arith.extui %sign3A_2 : vector<1x1024xi1> to vector<1x1024xi32>
    %sign3A_4 = arith.constant 0 : i32
    %sign3A_5 = vector.broadcast %sign3A_4 : i32 to vector<1x1024xi32>
    %sign3A_6 = arith.cmpi slt, %iota3A, %sign3A_5 : vector<1x1024xi32>
    %sign3A_7 = arith.extui %sign3A_6 : vector<1x1024xi1> to vector<1x1024xi32>
    %sign3A_8 = arith.subi %sign3A_3, %sign3A_7 : vector<1x1024xi32>
    %sign3A_9 = arith.constant 0 : i32
    %sign3A_10 = arith.cmpi sgt, %jit3A, %sign3A_9 : i32
    %sign3A_11 = arith.extui %sign3A_10 : i1 to i32
    %sign3A_12 = arith.constant 0 : i32
    %sign3A_13 = arith.cmpi slt, %jit3A, %sign3A_12 : i32
    %sign3A_14 = arith.extui %sign3A_13 : i1 to i32
    %sign3A_15 = arith.subi %sign3A_11, %sign3A_14 : i32
    %ne3A = vector.broadcast %sign3A_15 : i32 to vector<1x1024xi32>
    %ne3A_16 = arith.cmpi ne, %sign3A_8, %ne3A : vector<1x1024xi32>
    %rem3A = vector.broadcast %jit3A : i32 to vector<1x1024xi32>
    %rem3A_17 = arith.remsi %iota3A, %rem3A : vector<1x1024xi32>
    %ne3A_18 = arith.constant 0 : i32
    %ne3A_19 = vector.broadcast %ne3A_18 : i32 to vector<1x1024xi32>
    %ne3A_20 = arith.cmpi ne, %rem3A_17, %ne3A_19 : vector<1x1024xi32>
    %and3A = arith.andi %ne3A_16, %ne3A_20 : vector<1x1024xi1>
    %sub3A = arith.constant 1 : i32
    %sub3A_21 = vector.broadcast %sub3A : i32 to vector<1x1024xi32>
    %sub3A_22 = arith.subi %div3A_0, %sub3A_21 : vector<1x1024xi32>
    %select_n3A = arith.select %and3A, %sub3A_22, %div3A_0 : vector<1x1024xi1>, vector<1x1024xi32>
    %jit3A_23 = arith.constant 30 : i32
    %eq3A = arith.constant 0 : i32
    %eq3A_24 = arith.cmpi eq, %jit3A_23, %eq3A : i32
    %jit3A_25 = arith.constant 1 : i32
    %select_n3A_26 = arith.select %eq3A_24, %jit3A_25, %jit3A_23 : i32
    %rem3A_27 = vector.broadcast %select_n3A_26 : i32 to vector<1x1024xi32>
    %rem3A_28 = arith.remsi %iota3A, %rem3A_27 : vector<1x1024xi32>
    %ne3A_29 = arith.constant 0 : i32
    %ne3A_30 = vector.broadcast %ne3A_29 : i32 to vector<1x1024xi32>
    %ne3A_31 = arith.cmpi ne, %rem3A_28, %ne3A_30 : vector<1x1024xi32>
    %lt3A = arith.constant 0 : i32
    %lt3A_32 = vector.broadcast %lt3A : i32 to vector<1x1024xi32>
    %lt3A_33 = arith.cmpi slt, %rem3A_28, %lt3A_32 : vector<1x1024xi32>
    %lt3A_34 = arith.constant 0 : i32
    %lt3A_35 = arith.cmpi slt, %select_n3A_26, %lt3A_34 : i32
    %ne3A_36 = vector.broadcast %lt3A_35 : i1 to vector<1x1024xi1>
    %ne3A_37 = vector.broadcast %ne3A_36 : vector<1x1024xi1> to vector<1x1024xi1>
    %ne3A_38 = arith.xori %lt3A_33, %ne3A_37 : vector<1x1024xi1>
    %and3A_39 = arith.andi %ne3A_38, %ne3A_31 : vector<1x1024xi1>
    %add3A = vector.broadcast %select_n3A_26 : i32 to vector<1x1024xi32>
    %add3A_40 = arith.addi %rem3A_28, %add3A : vector<1x1024xi32>
    %select_n3A_41 = arith.select %and3A_39, %add3A_40, %rem3A_28 : vector<1x1024xi1>, vector<1x1024xi32>
    %iota3A_42 = tpu.iota {dimensions = array<i32: 0>} : vector<16x1024xi32>
    %get3A = arith.constant 0 : index
    %get3A_43 = arith.constant 0 : index
    %get3A_44 = vector.load %arg0[%get3A, %get3A_43] : memref<16x1024xf32, #tpu.memory_space<vmem>>, vector<16x1024xf32>
    %reduce_max3A = arith.constant dense<0xFF800000> : vector<1024xf32>
    %reduce_max3A_45 = vector.multi_reduction <maximumf>, %get3A_44, %reduce_max3A [0] : vector<16x1024xf32> to vector<1024xf32>
    %broadcast_in_dim3A = vector.shape_cast %reduce_max3A_45 : vector<1024xf32> to vector<1x1024xf32>
    %get3A_46 = arith.constant 0 : index
    %get3A_47 = arith.constant 0 : index
    %get3A_48 = vector.load %arg1[%get3A_46, %get3A_47] : memref<16x1024xi32, #tpu.memory_space<vmem>>, vector<16x1024xi32>
    %mul3A = arith.constant 16 : i32
    %mul3A_49 = vector.broadcast %mul3A : i32 to vector<16x1024xi32>
    %mul3A_50 = arith.muli %get3A_48, %mul3A_49 : vector<16x1024xi32>
    %add3A_51 = arith.addi %mul3A_50, %iota3A_42 : vector<16x1024xi32>
    %ge3A = vector.broadcast %broadcast_in_dim3A : vector<1x1024xf32> to vector<16x1024xf32>
    %ge3A_52 = arith.cmpf oge, %get3A_44, %ge3A : vector<16x1024xf32>
    %jit3A_53 = arith.constant 512 : i32
    %broadcast_in_dim3A_54 = vector.broadcast %jit3A_53 : i32 to vector<16x1024xi32>
    %select_n3A_55 = arith.select %ge3A_52, %add3A_51, %broadcast_in_dim3A_54 : vector<16x1024xi1>, vector<16x1024xi32>
    %reduce_min3A = arith.constant dense<2147483647> : vector<1024xi32>
    %reduce_min3A_56 = vector.multi_reduction <minsi>, %select_n3A_55, %reduce_min3A [0] : vector<16x1024xi32> to vector<1024xi32>
    %broadcast_in_dim3A_57 = vector.shape_cast %reduce_min3A_56 : vector<1024xi32> to vector<1x1024xi32>
    %get3A_58 = arith.constant 0 : index
    %get3A_59 = arith.constant 0 : index
    %get3A_60 = vector.load %arg2[%get3A_58, %get3A_59] : memref<16x1024xf32, #tpu.memory_space<vmem>>, vector<16x1024xf32>
    %reduce_max3A_61 = arith.constant dense<0xFF800000> : vector<1024xf32>
    %reduce_max3A_62 = vector.multi_reduction <maximumf>, %get3A_60, %reduce_max3A_61 [0] : vector<16x1024xf32> to vector<1024xf32>
    %broadcast_in_dim3A_63 = vector.shape_cast %reduce_max3A_62 : vector<1024xf32> to vector<1x1024xf32>
    %get3A_64 = arith.constant 0 : index
    %get3A_65 = arith.constant 0 : index
    %get3A_66 = vector.load %arg3[%get3A_64, %get3A_65] : memref<16x1024xi32, #tpu.memory_space<vmem>>, vector<16x1024xi32>
    %mul3A_67 = arith.constant 16 : i32
    %mul3A_68 = vector.broadcast %mul3A_67 : i32 to vector<16x1024xi32>
    %mul3A_69 = arith.muli %get3A_66, %mul3A_68 : vector<16x1024xi32>
    %add3A_70 = arith.addi %mul3A_69, %iota3A_42 : vector<16x1024xi32>
    %ge3A_71 = vector.broadcast %broadcast_in_dim3A_63 : vector<1x1024xf32> to vector<16x1024xf32>
    %ge3A_72 = arith.cmpf oge, %get3A_60, %ge3A_71 : vector<16x1024xf32>
    %jit3A_73 = arith.constant 512 : i32
    %broadcast_in_dim3A_74 = vector.broadcast %jit3A_73 : i32 to vector<16x1024xi32>
    %select_n3A_75 = arith.select %ge3A_72, %add3A_70, %broadcast_in_dim3A_74 : vector<16x1024xi1>, vector<16x1024xi32>
    %reduce_min3A_76 = arith.constant dense<2147483647> : vector<1024xi32>
    %reduce_min3A_77 = vector.multi_reduction <minsi>, %select_n3A_75, %reduce_min3A_76 [0] : vector<16x1024xi32> to vector<1024xi32>
    %broadcast_in_dim3A_78 = vector.shape_cast %reduce_min3A_77 : vector<1024xi32> to vector<1x1024xi32>
    %jit3A_79 = arith.constant 16 : i32
    %div3A_80 = vector.broadcast %jit3A_79 : i32 to vector<1x1024xi32>
    %div3A_81 = arith.divsi %broadcast_in_dim3A_57, %div3A_80 : vector<1x1024xi32>
    %sign3A_82 = arith.constant 0 : i32
    %sign3A_83 = vector.broadcast %sign3A_82 : i32 to vector<1x1024xi32>
    %sign3A_84 = arith.cmpi sgt, %broadcast_in_dim3A_57, %sign3A_83 : vector<1x1024xi32>
    %sign3A_85 = arith.extui %sign3A_84 : vector<1x1024xi1> to vector<1x1024xi32>
    %sign3A_86 = arith.constant 0 : i32
    %sign3A_87 = vector.broadcast %sign3A_86 : i32 to vector<1x1024xi32>
    %sign3A_88 = arith.cmpi slt, %broadcast_in_dim3A_57, %sign3A_87 : vector<1x1024xi32>
    %sign3A_89 = arith.extui %sign3A_88 : vector<1x1024xi1> to vector<1x1024xi32>
    %sign3A_90 = arith.subi %sign3A_85, %sign3A_89 : vector<1x1024xi32>
    %sign3A_91 = arith.constant 0 : i32
    %sign3A_92 = arith.cmpi sgt, %jit3A_79, %sign3A_91 : i32
    %sign3A_93 = arith.extui %sign3A_92 : i1 to i32
    %sign3A_94 = arith.constant 0 : i32
    %sign3A_95 = arith.cmpi slt, %jit3A_79, %sign3A_94 : i32
    %sign3A_96 = arith.extui %sign3A_95 : i1 to i32
    %sign3A_97 = arith.subi %sign3A_93, %sign3A_96 : i32
    %ne3A_98 = vector.broadcast %sign3A_97 : i32 to vector<1x1024xi32>
    %ne3A_99 = arith.cmpi ne, %sign3A_90, %ne3A_98 : vector<1x1024xi32>
    %rem3A_100 = vector.broadcast %jit3A_79 : i32 to vector<1x1024xi32>
    %rem3A_101 = arith.remsi %broadcast_in_dim3A_57, %rem3A_100 : vector<1x1024xi32>
    %ne3A_102 = arith.constant 0 : i32
    %ne3A_103 = vector.broadcast %ne3A_102 : i32 to vector<1x1024xi32>
    %ne3A_104 = arith.cmpi ne, %rem3A_101, %ne3A_103 : vector<1x1024xi32>
    %and3A_105 = arith.andi %ne3A_99, %ne3A_104 : vector<1x1024xi1>
    %sub3A_106 = arith.constant 1 : i32
    %sub3A_107 = vector.broadcast %sub3A_106 : i32 to vector<1x1024xi32>
    %sub3A_108 = arith.subi %div3A_81, %sub3A_107 : vector<1x1024xi32>
    %select_n3A_109 = arith.select %and3A_105, %sub3A_108, %div3A_81 : vector<1x1024xi1>, vector<1x1024xi32>
    %jit3A_110 = arith.constant 16 : i32
    %eq3A_111 = arith.constant 0 : i32
    %eq3A_112 = arith.cmpi eq, %jit3A_110, %eq3A_111 : i32
    %jit3A_113 = arith.constant 1 : i32
    %select_n3A_114 = arith.select %eq3A_112, %jit3A_113, %jit3A_110 : i32
    %rem3A_115 = vector.broadcast %select_n3A_114 : i32 to vector<1x1024xi32>
    %rem3A_116 = arith.remsi %broadcast_in_dim3A_57, %rem3A_115 : vector<1x1024xi32>
    %ne3A_117 = arith.constant 0 : i32
    %ne3A_118 = vector.broadcast %ne3A_117 : i32 to vector<1x1024xi32>
    %ne3A_119 = arith.cmpi ne, %rem3A_116, %ne3A_118 : vector<1x1024xi32>
    %lt3A_120 = arith.constant 0 : i32
    %lt3A_121 = vector.broadcast %lt3A_120 : i32 to vector<1x1024xi32>
    %lt3A_122 = arith.cmpi slt, %rem3A_116, %lt3A_121 : vector<1x1024xi32>
    %lt3A_123 = arith.constant 0 : i32
    %lt3A_124 = arith.cmpi slt, %select_n3A_114, %lt3A_123 : i32
    %ne3A_125 = vector.broadcast %lt3A_124 : i1 to vector<1x1024xi1>
    %ne3A_126 = vector.broadcast %ne3A_125 : vector<1x1024xi1> to vector<1x1024xi1>
    %ne3A_127 = arith.xori %lt3A_122, %ne3A_126 : vector<1x1024xi1>
    %and3A_128 = arith.andi %ne3A_127, %ne3A_119 : vector<1x1024xi1>
    %add3A_129 = vector.broadcast %select_n3A_114 : i32 to vector<1x1024xi32>
    %add3A_130 = arith.addi %rem3A_116, %add3A_129 : vector<1x1024xi32>
    %select_n3A_131 = arith.select %and3A_128, %add3A_130, %rem3A_116 : vector<1x1024xi1>, vector<1x1024xi32>
    %mul3A_132 = arith.constant 16 : i32
    %mul3A_133 = vector.broadcast %mul3A_132 : i32 to vector<1x1024xi32>
    %mul3A_134 = arith.muli %select_n3A_41, %mul3A_133 : vector<1x1024xi32>
    %add3A_135 = arith.constant 16 : i32
    %add3A_136 = vector.broadcast %add3A_135 : i32 to vector<1x1024xi32>
    %add3A_137 = arith.addi %add3A_136, %mul3A_134 : vector<1x1024xi32>
    %add3A_138 = arith.addi %add3A_137, %select_n3A_131 : vector<1x1024xi32>
    %jit3A_139 = arith.constant 0 : i32
    %jit3A_140 = arith.constant 511 : i32
    %max3A = vector.broadcast %jit3A_139 : i32 to vector<1x1024xi32>
    %max3A_141 = arith.maxsi %max3A, %add3A_138 : vector<1x1024xi32>
    %min3A = vector.broadcast %jit3A_140 : i32 to vector<1x1024xi32>
    %min3A_142 = arith.minsi %min3A, %max3A_141 : vector<1x1024xi32>
    %mul3A_143 = arith.constant 16 : i32
    %mul3A_144 = vector.broadcast %mul3A_143 : i32 to vector<1x1024xi32>
    %mul3A_145 = arith.muli %select_n3A, %mul3A_144 : vector<1x1024xi32>
    %add3A_146 = arith.constant 16 : i32
    %add3A_147 = vector.broadcast %add3A_146 : i32 to vector<1x1024xi32>
    %add3A_148 = arith.addi %add3A_147, %mul3A_145 : vector<1x1024xi32>
    %add3A_149 = arith.addi %add3A_148, %select_n3A_109 : vector<1x1024xi32>
    %jit3A_150 = arith.constant 0 : i32
    %jit3A_151 = arith.constant 511 : i32
    %max3A_152 = vector.broadcast %jit3A_150 : i32 to vector<1x1024xi32>
    %max3A_153 = arith.maxsi %max3A_152, %add3A_149 : vector<1x1024xi32>
    %min3A_154 = vector.broadcast %jit3A_151 : i32 to vector<1x1024xi32>
    %min3A_155 = arith.minsi %min3A_154, %max3A_153 : vector<1x1024xi32>
    %jit3A_156 = arith.constant 16 : i32
    %div3A_157 = vector.broadcast %jit3A_156 : i32 to vector<1x1024xi32>
    %div3A_158 = arith.divsi %broadcast_in_dim3A_78, %div3A_157 : vector<1x1024xi32>
    %sign3A_159 = arith.constant 0 : i32
    %sign3A_160 = vector.broadcast %sign3A_159 : i32 to vector<1x1024xi32>
    %sign3A_161 = arith.cmpi sgt, %broadcast_in_dim3A_78, %sign3A_160 : vector<1x1024xi32>
    %sign3A_162 = arith.extui %sign3A_161 : vector<1x1024xi1> to vector<1x1024xi32>
    %sign3A_163 = arith.constant 0 : i32
    %sign3A_164 = vector.broadcast %sign3A_163 : i32 to vector<1x1024xi32>
    %sign3A_165 = arith.cmpi slt, %broadcast_in_dim3A_78, %sign3A_164 : vector<1x1024xi32>
    %sign3A_166 = arith.extui %sign3A_165 : vector<1x1024xi1> to vector<1x1024xi32>
    %sign3A_167 = arith.subi %sign3A_162, %sign3A_166 : vector<1x1024xi32>
    %sign3A_168 = arith.constant 0 : i32
    %sign3A_169 = arith.cmpi sgt, %jit3A_156, %sign3A_168 : i32
    %sign3A_170 = arith.extui %sign3A_169 : i1 to i32
    %sign3A_171 = arith.constant 0 : i32
    %sign3A_172 = arith.cmpi slt, %jit3A_156, %sign3A_171 : i32
    %sign3A_173 = arith.extui %sign3A_172 : i1 to i32
    %sign3A_174 = arith.subi %sign3A_170, %sign3A_173 : i32
    %ne3A_175 = vector.broadcast %sign3A_174 : i32 to vector<1x1024xi32>
    %ne3A_176 = arith.cmpi ne, %sign3A_167, %ne3A_175 : vector<1x1024xi32>
    %rem3A_177 = vector.broadcast %jit3A_156 : i32 to vector<1x1024xi32>
    %rem3A_178 = arith.remsi %broadcast_in_dim3A_78, %rem3A_177 : vector<1x1024xi32>
    %ne3A_179 = arith.constant 0 : i32
    %ne3A_180 = vector.broadcast %ne3A_179 : i32 to vector<1x1024xi32>
    %ne3A_181 = arith.cmpi ne, %rem3A_178, %ne3A_180 : vector<1x1024xi32>
    %and3A_182 = arith.andi %ne3A_176, %ne3A_181 : vector<1x1024xi1>
    %sub3A_183 = arith.constant 1 : i32
    %sub3A_184 = vector.broadcast %sub3A_183 : i32 to vector<1x1024xi32>
    %sub3A_185 = arith.subi %div3A_158, %sub3A_184 : vector<1x1024xi32>
    %select_n3A_186 = arith.select %and3A_182, %sub3A_185, %div3A_158 : vector<1x1024xi1>, vector<1x1024xi32>
    %jit3A_187 = arith.constant 16 : i32
    %eq3A_188 = arith.constant 0 : i32
    %eq3A_189 = arith.cmpi eq, %jit3A_187, %eq3A_188 : i32
    %jit3A_190 = arith.constant 1 : i32
    %select_n3A_191 = arith.select %eq3A_189, %jit3A_190, %jit3A_187 : i32
    %rem3A_192 = vector.broadcast %select_n3A_191 : i32 to vector<1x1024xi32>
    %rem3A_193 = arith.remsi %broadcast_in_dim3A_78, %rem3A_192 : vector<1x1024xi32>
    %ne3A_194 = arith.constant 0 : i32
    %ne3A_195 = vector.broadcast %ne3A_194 : i32 to vector<1x1024xi32>
    %ne3A_196 = arith.cmpi ne, %rem3A_193, %ne3A_195 : vector<1x1024xi32>
    %lt3A_197 = arith.constant 0 : i32
    %lt3A_198 = vector.broadcast %lt3A_197 : i32 to vector<1x1024xi32>
    %lt3A_199 = arith.cmpi slt, %rem3A_193, %lt3A_198 : vector<1x1024xi32>
    %lt3A_200 = arith.constant 0 : i32
    %lt3A_201 = arith.cmpi slt, %select_n3A_191, %lt3A_200 : i32
    %ne3A_202 = vector.broadcast %lt3A_201 : i1 to vector<1x1024xi1>
    %ne3A_203 = vector.broadcast %ne3A_202 : vector<1x1024xi1> to vector<1x1024xi1>
    %ne3A_204 = arith.xori %lt3A_199, %ne3A_203 : vector<1x1024xi1>
    %and3A_205 = arith.andi %ne3A_204, %ne3A_196 : vector<1x1024xi1>
    %add3A_206 = vector.broadcast %select_n3A_191 : i32 to vector<1x1024xi32>
    %add3A_207 = arith.addi %rem3A_193, %add3A_206 : vector<1x1024xi32>
    %select_n3A_208 = arith.select %and3A_205, %add3A_207, %rem3A_193 : vector<1x1024xi1>, vector<1x1024xi32>
    %mul3A_209 = arith.constant 16 : i32
    %mul3A_210 = vector.broadcast %mul3A_209 : i32 to vector<1x1024xi32>
    %mul3A_211 = arith.muli %select_n3A_41, %mul3A_210 : vector<1x1024xi32>
    %add3A_212 = arith.constant 16 : i32
    %add3A_213 = vector.broadcast %add3A_212 : i32 to vector<1x1024xi32>
    %add3A_214 = arith.addi %add3A_213, %mul3A_211 : vector<1x1024xi32>
    %add3A_215 = arith.addi %add3A_214, %select_n3A_208 : vector<1x1024xi32>
    %jit3A_216 = arith.constant 0 : i32
    %jit3A_217 = arith.constant 511 : i32
    %max3A_218 = vector.broadcast %jit3A_216 : i32 to vector<1x1024xi32>
    %max3A_219 = arith.maxsi %max3A_218, %add3A_215 : vector<1x1024xi32>
    %min3A_220 = vector.broadcast %jit3A_217 : i32 to vector<1x1024xi32>
    %min3A_221 = arith.minsi %min3A_220, %max3A_219 : vector<1x1024xi32>
    %mul3A_222 = arith.constant 16 : i32
    %mul3A_223 = vector.broadcast %mul3A_222 : i32 to vector<1x1024xi32>
    %mul3A_224 = arith.muli %select_n3A, %mul3A_223 : vector<1x1024xi32>
    %add3A_225 = arith.constant 16 : i32
    %add3A_226 = vector.broadcast %add3A_225 : i32 to vector<1x1024xi32>
    %add3A_227 = arith.addi %add3A_226, %mul3A_224 : vector<1x1024xi32>
    %add3A_228 = arith.addi %add3A_227, %select_n3A_186 : vector<1x1024xi32>
    %jit3A_229 = arith.constant 0 : i32
    %jit3A_230 = arith.constant 511 : i32
    %max3A_231 = vector.broadcast %jit3A_229 : i32 to vector<1x1024xi32>
    %max3A_232 = arith.maxsi %max3A_231, %add3A_228 : vector<1x1024xi32>
    %min3A_233 = vector.broadcast %jit3A_230 : i32 to vector<1x1024xi32>
    %min3A_234 = arith.minsi %min3A_233, %max3A_232 : vector<1x1024xi32>
    %mul3A_235 = arith.constant 512 : i32
    %mul3A_236 = vector.broadcast %mul3A_235 : i32 to vector<1x1024xi32>
    %mul3A_237 = arith.muli %min3A_142, %mul3A_236 : vector<1x1024xi32>
    %add3A_238 = arith.addi %mul3A_237, %min3A_155 : vector<1x1024xi32>
    %swap3A = arith.constant 0 : index
    %swap3A_239 = arith.constant 0 : index
    %swap3A_240 = vector.load %arg4[%swap3A, %swap3A_239] : memref<1x1024xi32, #tpu.memory_space<vmem>>, vector<1x1024xi32>
    tpu.vector_store %arg4[%swap3A, %swap3A_239], %add3A_238 {strides = array<i32>} : memref<1x1024xi32, #tpu.memory_space<vmem>>, vector<1x1024xi32>,
    %mul3A_241 = arith.constant 512 : i32
    %mul3A_242 = vector.broadcast %mul3A_241 : i32 to vector<1x1024xi32>
    %mul3A_243 = arith.muli %min3A_221, %mul3A_242 : vector<1x1024xi32>
    %add3A_244 = arith.addi %mul3A_243, %min3A_234 : vector<1x1024xi32>
    %swap3A_245 = arith.constant 0 : index
    %swap3A_246 = arith.constant 0 : index
    %swap3A_247 = vector.load %arg5[%swap3A_245, %swap3A_246] : memref<1x1024xi32, #tpu.memory_space<vmem>>, vector<1x1024xi32>
    tpu.vector_store %arg5[%swap3A_245, %swap3A_246], %add3A_244 {strides = array<i32>} : memref<1x1024xi32, #tpu.memory_space<vmem>>, vector<1x1024xi32>,
    %swap3A_248 = arith.constant 0 : index
    %swap3A_249 = arith.constant 0 : index
    %swap3A_250 = vector.load %arg6[%swap3A_248, %swap3A_249] : memref<1x1024xi32, #tpu.memory_space<vmem>>, vector<1x1024xi32>
    tpu.vector_store %arg6[%swap3A_248, %swap3A_249], %min3A_234 {strides = array<i32>} : memref<1x1024xi32, #tpu.memory_space<vmem>>, vector<1x1024xi32>,
    %swap3A_251 = arith.constant 0 : index
    %swap3A_252 = arith.constant 0 : index
    %swap3A_253 = vector.load %arg7[%swap3A_251, %swap3A_252] : memref<1x1024xi32, #tpu.memory_space<vmem>>, vector<1x1024xi32>
    tpu.vector_store %arg7[%swap3A_251, %swap3A_252], %min3A_221 {strides = array<i32>} : memref<1x1024xi32, #tpu.memory_space<vmem>>, vector<1x1024xi32>,
    %sub3A_254 = arith.constant 16 : i32
    %sub3A_255 = vector.broadcast %sub3A_254 : i32 to vector<1x1024xi32>
    %sub3A_256 = arith.subi %min3A_142, %sub3A_255 : vector<1x1024xi32>
    %jit3A_257 = arith.constant 16 : i32
    %eq3A_258 = arith.constant 0 : i32
    %eq3A_259 = arith.cmpi eq, %jit3A_257, %eq3A_258 : i32
    %jit3A_260 = arith.constant 1 : i32
    %select_n3A_261 = arith.select %eq3A_259, %jit3A_260, %jit3A_257 : i32
    %rem3A_262 = vector.broadcast %select_n3A_261 : i32 to vector<1x1024xi32>
    %rem3A_263 = arith.remsi %sub3A_256, %rem3A_262 : vector<1x1024xi32>
    %ne3A_264 = arith.constant 0 : i32
    %ne3A_265 = vector.broadcast %ne3A_264 : i32 to vector<1x1024xi32>
    %ne3A_266 = arith.cmpi ne, %rem3A_263, %ne3A_265 : vector<1x1024xi32>
    %lt3A_267 = arith.constant 0 : i32
    %lt3A_268 = vector.broadcast %lt3A_267 : i32 to vector<1x1024xi32>
    %lt3A_269 = arith.cmpi slt, %rem3A_263, %lt3A_268 : vector<1x1024xi32>
    %lt3A_270 = arith.constant 0 : i32
    %lt3A_271 = arith.cmpi slt, %select_n3A_261, %lt3A_270 : i32
    %ne3A_272 = vector.broadcast %lt3A_271 : i1 to vector<1x1024xi1>
    %ne3A_273 = vector.broadcast %ne3A_272 : vector<1x1024xi1> to vector<1x1024xi1>
    %ne3A_274 = arith.xori %lt3A_269, %ne3A_273 : vector<1x1024xi1>
    %and3A_275 = arith.andi %ne3A_274, %ne3A_266 : vector<1x1024xi1>
    %add3A_276 = vector.broadcast %select_n3A_261 : i32 to vector<1x1024xi32>
    %add3A_277 = arith.addi %rem3A_263, %add3A_276 : vector<1x1024xi32>
    %select_n3A_278 = arith.select %and3A_275, %add3A_277, %rem3A_263 : vector<1x1024xi1>, vector<1x1024xi32>
    %mul3A_279 = arith.constant 512 : i32
    %mul3A_280 = vector.broadcast %mul3A_279 : i32 to vector<1x1024xi32>
    %mul3A_281 = arith.muli %select_n3A_278, %mul3A_280 : vector<1x1024xi32>
    %add3A_282 = arith.addi %mul3A_281, %min3A_155 : vector<1x1024xi32>
    %swap3A_283 = arith.constant 0 : index
    %swap3A_284 = arith.constant 0 : index
    %swap3A_285 = vector.load %arg8[%swap3A_283, %swap3A_284] : memref<1x1024xi32, #tpu.memory_space<vmem>>, vector<1x1024xi32>
    tpu.vector_store %arg8[%swap3A_283, %swap3A_284], %add3A_282 {strides = array<i32>} : memref<1x1024xi32, #tpu.memory_space<vmem>>, vector<1x1024xi32>,
    return
  }
}

module attributes {stable_mosaic.version = 14 : i64} {
  func.func @_gather1_kernel(%arg0: i32, %arg1: memref<128x16x512xf32, #tpu.memory_space<vmem>>, %arg2: memref<1x1x32xi32, #tpu.memory_space<vmem>>, %arg3: memref<1x32x128xf32, #tpu.memory_space<vmem>>) attributes {dimension_semantics = [#tpu.dimension_semantics<arbitrary>], iteration_bounds = array<i64: 30>, scalar_prefetch = 0 : i64, scratch_operands = 0 : i64, tpu.core_type = #tpu.core_type<tc>, window_params = [{transform_indices = @transform_0, window_bounds = array<i64: 128, 16, 512>}, {transform_indices = @transform_1, window_bounds = array<i64: 1, 1, 32>}, {transform_indices = @transform_2, window_bounds = array<i64: 1, 32, 128>}]} {
    %get3A = arith.constant 0 : index
    %get3A_0 = arith.constant 0 : index
    %get3A_1 = arith.constant 0 : index
    %get3A_2 = vector.load %arg1[%get3A, %get3A_0, %get3A_1] : memref<128x16x512xf32, #tpu.memory_space<vmem>>, vector<128x16x512xf32>
    %reshape3A = vector.shape_cast %get3A_2 : vector<128x16x512xf32> to vector<128x8192xf32>
    %get3A_3 = arith.constant 0 : index
    %get3A_4 = arith.constant 0 : index
    %get3A_5 = arith.constant 0 : index
    %get3A_6 = vector.load %arg2[%get3A_3, %get3A_4, %get3A_5] : memref<1x1x32xi32, #tpu.memory_space<vmem>>, vector<1x1x32xi32>
    %reshape3A_7 = vector.shape_cast %get3A_6 : vector<1x1x32xi32> to vector<32x1xi32>
    %iota3A = tpu.iota {dimensions = array<i32: 1>} : vector<32x8192xi32>
    %eq3A = vector.broadcast %reshape3A_7 : vector<32x1xi32> to vector<32x8192xi32>
    %eq3A_8 = arith.cmpi eq, %iota3A, %eq3A : vector<32x8192xi32>
    %convert_element_type3A = arith.extui %eq3A_8 : vector<32x8192xi1> to vector<32x8192xi32>
    %convert_element_type3A_9 = arith.sitofp %convert_element_type3A : vector<32x8192xi32> to vector<32x8192xf32>
    %convert_element_type3A_10 = arith.truncf %convert_element_type3A_9 : vector<32x8192xf32> to vector<32x8192xbf16>
    %bitcast_convert_type3A = tpu.bitcast %reshape3A : vector<128x8192xf32> -> vector<128x8192xi32>
    %and3A = arith.constant -65536 : i32
    %and3A_11 = vector.broadcast %and3A : i32 to vector<128x8192xi32>
    %and3A_12 = arith.andi %bitcast_convert_type3A, %and3A_11 : vector<128x8192xi32>
    %bitcast_convert_type3A_13 = tpu.bitcast %and3A_12 : vector<128x8192xi32> -> vector<128x8192xf32>
    %sub3A = arith.subf %reshape3A, %bitcast_convert_type3A_13 : vector<128x8192xf32>
    %bitcast_convert_type3A_14 = tpu.bitcast %sub3A : vector<128x8192xf32> -> vector<128x8192xi32>
    %and3A_15 = arith.constant -65536 : i32
    %and3A_16 = vector.broadcast %and3A_15 : i32 to vector<128x8192xi32>
    %and3A_17 = arith.andi %bitcast_convert_type3A_14, %and3A_16 : vector<128x8192xi32>
    %bitcast_convert_type3A_18 = tpu.bitcast %and3A_17 : vector<128x8192xi32> -> vector<128x8192xf32>
    %sub3A_19 = arith.subf %sub3A, %bitcast_convert_type3A_18 : vector<128x8192xf32>
    %convert_element_type3A_20 = arith.truncf %bitcast_convert_type3A_13 : vector<128x8192xf32> to vector<128x8192xbf16>
    %dot_general3A = arith.constant dense<0.000000e+00> : vector<32x128xf32>
    %dot_general3A_21 = tpu.matmul %convert_element_type3A_10, %convert_element_type3A_20, %dot_general3A {dimension_numbers = #tpu.dot_dimension_numbers<[1], [1], [0], [0], [0, 0, 1, 0], [], []>, transpose_lhs_hint = false} : vector<32x8192xbf16>, vector<128x8192xbf16>, vector<32x128xf32> -> vector<32x128xf32>
    %convert_element_type3A_22 = arith.truncf %bitcast_convert_type3A_18 : vector<128x8192xf32> to vector<128x8192xbf16>
    %dot_general3A_23 = arith.constant dense<0.000000e+00> : vector<32x128xf32>
    %dot_general3A_24 = tpu.matmul %convert_element_type3A_10, %convert_element_type3A_22, %dot_general3A_23 {dimension_numbers = #tpu.dot_dimension_numbers<[1], [1], [0], [0], [0, 0, 1, 0], [], []>, transpose_lhs_hint = false} : vector<32x8192xbf16>, vector<128x8192xbf16>, vector<32x128xf32> -> vector<32x128xf32>
    %add3A = arith.addf %dot_general3A_21, %dot_general3A_24 : vector<32x128xf32>
    %convert_element_type3A_25 = arith.truncf %sub3A_19 : vector<128x8192xf32> to vector<128x8192xbf16>
    %dot_general3A_26 = arith.constant dense<0.000000e+00> : vector<32x128xf32>
    %dot_general3A_27 = tpu.matmul %convert_element_type3A_10, %convert_element_type3A_25, %dot_general3A_26 {dimension_numbers = #tpu.dot_dimension_numbers<[1], [1], [0], [0], [0, 0, 1, 0], [], []>, transpose_lhs_hint = false} : vector<32x8192xbf16>, vector<128x8192xbf16>, vector<32x128xf32> -> vector<32x128xf32>
    %add3A_28 = arith.addf %add3A, %dot_general3A_27 : vector<32x128xf32>
    %broadcast_in_dim3A = vector.shape_cast %add3A_28 : vector<32x128xf32> to vector<1x32x128xf32>
    %swap3A = arith.constant 0 : index
    %swap3A_29 = arith.constant 0 : index
    %swap3A_30 = arith.constant 0 : index
    %swap3A_31 = vector.load %arg3[%swap3A, %swap3A_29, %swap3A_30] : memref<1x32x128xf32, #tpu.memory_space<vmem>>, vector<1x32x128xf32>
    tpu.vector_store %arg3[%swap3A, %swap3A_29, %swap3A_30], %broadcast_in_dim3A {strides = array<i32>} : memref<1x32x128xf32, #tpu.memory_space<vmem>>, vector<1x32x128xf32>,
    return
  }
  func.func @transform_0(%arg0: i32) -> (i32, i32, i32) {
    %add3A = arith.constant 1 : i32
    %add3A_0 = arith.addi %arg0, %add3A : i32
    %c0_i32 = arith.constant 0 : i32
    %c0_i32_1 = arith.constant 0 : i32
    %c0_i32_2 = arith.constant 0 : i32
    return %c0_i32, %add3A_0, %c0_i32_1 : i32, i32, i32
  }
  func.func @transform_1(%arg0: i32) -> (i32, i32, i32) {
    %c0_i32 = arith.constant 0 : i32
    %c0_i32_0 = arith.constant 0 : i32
    %c0_i32_1 = arith.constant 0 : i32
    return %arg0, %c0_i32, %c0_i32_0 : i32, i32, i32
  }
  func.func @transform_2(%arg0: i32) -> (i32, i32, i32) {
    %c0_i32 = arith.constant 0 : i32
    %c0_i32_0 = arith.constant 0 : i32
    %c0_i32_1 = arith.constant 0 : i32
    return %arg0, %c0_i32, %c0_i32_0 : i32, i32, i32
  }
}

module attributes {stable_mosaic.version = 14 : i64} {
  func.func @_score_kernel(%arg0: memref<1024x128xf32, #tpu.memory_space<vmem>>, %arg1: memref<13x1024x128xf32, #tpu.memory_space<vmem>>, %arg2: memref<1024x128xf32, #tpu.memory_space<vmem>>, %arg3: memref<32x16x32xf32, #tpu.memory_space<vmem>>, %arg4: memref<1x1024xf32, #tpu.memory_space<vmem>>, %arg5: memref<1x1024xi32, #tpu.memory_space<vmem>>, %arg6: memref<1x1024xi32, #tpu.memory_space<vmem>>, %arg7: memref<1x1024xi32, #tpu.memory_space<vmem>>, %arg8: memref<1x1024xi32, #tpu.memory_space<vmem>>, %arg9: memref<900x901xf32, #tpu.memory_space<vmem>>, %arg10: memref<900x1xf32, #tpu.memory_space<vmem>>) attributes {dimension_semantics = [], scalar_prefetch = 0 : i64, scratch_operands = 0 : i64, tpu.core_type = #tpu.core_type<tc>} {
    %get3A = arith.constant 0 : index
    %get3A_0 = arith.constant 0 : index
    %get3A_1 = vector.load %arg0[%get3A, %get3A_0] : memref<1024x128xf32, #tpu.memory_space<vmem>>, vector<1024x128xf32>
    %get3A_2 = arith.constant 0 : index
    %get3A_3 = arith.constant 0 : index
    %get3A_4 = arith.constant 0 : index
    %get3A_5 = vector.load %arg3[%get3A_2, %get3A_3, %get3A_4] : memref<32x16x32xf32, #tpu.memory_space<vmem>>, vector<32x16x32xf32>
    %transpose3A = tpu.transpose %get3A_5, [0, 2, 1] : vector<32x16x32xf32> -> vector<32x32x16xf32>
    %reshape3A = vector.shape_cast %transpose3A : vector<32x32x16xf32> to vector<1024x16xf32>
    %get3A_6 = arith.constant 0 : index
    %get3A_7 = arith.constant 0 : index
    %get3A_8 = vector.load %arg5[%get3A_6, %get3A_7] : memref<1x1024xi32, #tpu.memory_space<vmem>>, vector<1x1024xi32>
    %transpose3A_9 = tpu.transpose %get3A_8, [1, 0] : vector<1x1024xi32> -> vector<1024x1xi32>
    %get3A_10 = arith.constant 0 : index
    %get3A_11 = arith.constant 0 : index
    %get3A_12 = vector.load %arg6[%get3A_10, %get3A_11] : memref<1x1024xi32, #tpu.memory_space<vmem>>, vector<1x1024xi32>
    %transpose3A_13 = tpu.transpose %get3A_12, [1, 0] : vector<1x1024xi32> -> vector<1024x1xi32>
    %get3A_14 = arith.constant 0 : index
    %get3A_15 = arith.constant 0 : index
    %get3A_16 = vector.load %arg4[%get3A_14, %get3A_15] : memref<1x1024xf32, #tpu.memory_space<vmem>>, vector<1x1024xf32>
    %transpose3A_17 = tpu.transpose %get3A_16, [1, 0] : vector<1x1024xf32> -> vector<1024x1xf32>
    %broadcast_in_dim3A = arith.constant 0xFF800000 : f32
    %broadcast_in_dim3A_18 = vector.broadcast %broadcast_in_dim3A : f32 to vector<1024x1xf32>
    %broadcast_in_dim3A_19 = arith.constant 0.000000e+00 : f32
    %broadcast_in_dim3A_20 = vector.broadcast %broadcast_in_dim3A_19 : f32 to vector<1024x1xf32>
    %get3A_21 = arith.constant 0 : index
    %get3A_22 = arith.constant 0 : index
    %get3A_23 = arith.constant 0 : index
    %get3A_24 = vector.load %arg1[%get3A_21, %get3A_22, %get3A_23] : memref<13x1024x128xf32, #tpu.memory_space<vmem>>, vector<1x1024x128xf32>
    %get3A_25 = vector.shape_cast %get3A_24 : vector<1x1024x128xf32> to vector<1024x128xf32>
    %mul3A = arith.mulf %get3A_1, %get3A_25 : vector<1024x128xf32>
    %reduce_sum3A = arith.constant dense<0.000000e+00> : vector<1024xf32>
    %reduce_sum3A_26 = vector.multi_reduction <add>, %mul3A, %reduce_sum3A [1] : vector<1024x128xf32> to vector<1024xf32>
    %broadcast_in_dim3A_27 = vector.shape_cast %reduce_sum3A_26 : vector<1024xf32> to vector<1024x1xf32>
    %gt3A = arith.cmpf ogt, %broadcast_in_dim3A_27, %broadcast_in_dim3A_18 : vector<1024x1xf32>
    %select_n3A = arith.select %gt3A, %broadcast_in_dim3A_27, %broadcast_in_dim3A_18 : vector<1024x1xi1>, vector<1024x1xf32>
    %slice3A = vector.extract_strided_slice %reshape3A {offsets = [0, 0], sizes = [1024, 1], strides = [1, 1]} : vector<1024x16xf32> to vector<1024x1xf32>
    %select_n3A_28 = arith.select %gt3A, %slice3A, %broadcast_in_dim3A_20 : vector<1024x1xi1>, vector<1024x1xf32>
    %get3A_29 = arith.constant 1 : index
    %get3A_30 = arith.constant 0 : index
    %get3A_31 = arith.constant 0 : index
    %get3A_32 = vector.load %arg1[%get3A_29, %get3A_30, %get3A_31] : memref<13x1024x128xf32, #tpu.memory_space<vmem>>, vector<1x1024x128xf32>
    %get3A_33 = vector.shape_cast %get3A_32 : vector<1x1024x128xf32> to vector<1024x128xf32>
    %mul3A_34 = arith.mulf %get3A_1, %get3A_33 : vector<1024x128xf32>
    %reduce_sum3A_35 = arith.constant dense<0.000000e+00> : vector<1024xf32>
    %reduce_sum3A_36 = vector.multi_reduction <add>, %mul3A_34, %reduce_sum3A_35 [1] : vector<1024x128xf32> to vector<1024xf32>
    %broadcast_in_dim3A_37 = vector.shape_cast %reduce_sum3A_36 : vector<1024xf32> to vector<1024x1xf32>
    %gt3A_38 = arith.cmpf ogt, %broadcast_in_dim3A_37, %select_n3A : vector<1024x1xf32>
    %select_n3A_39 = arith.select %gt3A_38, %broadcast_in_dim3A_37, %select_n3A : vector<1024x1xi1>, vector<1024x1xf32>
    %slice3A_40 = vector.extract_strided_slice %reshape3A {offsets = [0, 1], sizes = [1024, 1], strides = [1, 1]} : vector<1024x16xf32> to vector<1024x1xf32>
    %select_n3A_41 = arith.select %gt3A_38, %slice3A_40, %select_n3A_28 : vector<1024x1xi1>, vector<1024x1xf32>
    %get3A_42 = arith.constant 2 : index
    %get3A_43 = arith.constant 0 : index
    %get3A_44 = arith.constant 0 : index
    %get3A_45 = vector.load %arg1[%get3A_42, %get3A_43, %get3A_44] : memref<13x1024x128xf32, #tpu.memory_space<vmem>>, vector<1x1024x128xf32>
    %get3A_46 = vector.shape_cast %get3A_45 : vector<1x1024x128xf32> to vector<1024x128xf32>
    %mul3A_47 = arith.mulf %get3A_1, %get3A_46 : vector<1024x128xf32>
    %reduce_sum3A_48 = arith.constant dense<0.000000e+00> : vector<1024xf32>
    %reduce_sum3A_49 = vector.multi_reduction <add>, %mul3A_47, %reduce_sum3A_48 [1] : vector<1024x128xf32> to vector<1024xf32>
    %broadcast_in_dim3A_50 = vector.shape_cast %reduce_sum3A_49 : vector<1024xf32> to vector<1024x1xf32>
    %gt3A_51 = arith.cmpf ogt, %broadcast_in_dim3A_50, %select_n3A_39 : vector<1024x1xf32>
    %select_n3A_52 = arith.select %gt3A_51, %broadcast_in_dim3A_50, %select_n3A_39 : vector<1024x1xi1>, vector<1024x1xf32>
    %slice3A_53 = vector.extract_strided_slice %reshape3A {offsets = [0, 2], sizes = [1024, 1], strides = [1, 1]} : vector<1024x16xf32> to vector<1024x1xf32>
    %select_n3A_54 = arith.select %gt3A_51, %slice3A_53, %select_n3A_41 : vector<1024x1xi1>, vector<1024x1xf32>
    %get3A_55 = arith.constant 3 : index
    %get3A_56 = arith.constant 0 : index
    %get3A_57 = arith.constant 0 : index
    %get3A_58 = vector.load %arg1[%get3A_55, %get3A_56, %get3A_57] : memref<13x1024x128xf32, #tpu.memory_space<vmem>>, vector<1x1024x128xf32>
    %get3A_59 = vector.shape_cast %get3A_58 : vector<1x1024x128xf32> to vector<1024x128xf32>
    %mul3A_60 = arith.mulf %get3A_1, %get3A_59 : vector<1024x128xf32>
    %reduce_sum3A_61 = arith.constant dense<0.000000e+00> : vector<1024xf32>
    %reduce_sum3A_62 = vector.multi_reduction <add>, %mul3A_60, %reduce_sum3A_61 [1] : vector<1024x128xf32> to vector<1024xf32>
    %broadcast_in_dim3A_63 = vector.shape_cast %reduce_sum3A_62 : vector<1024xf32> to vector<1024x1xf32>
    %gt3A_64 = arith.cmpf ogt, %broadcast_in_dim3A_63, %select_n3A_52 : vector<1024x1xf32>
    %select_n3A_65 = arith.select %gt3A_64, %broadcast_in_dim3A_63, %select_n3A_52 : vector<1024x1xi1>, vector<1024x1xf32>
    %slice3A_66 = vector.extract_strided_slice %reshape3A {offsets = [0, 3], sizes = [1024, 1], strides = [1, 1]} : vector<1024x16xf32> to vector<1024x1xf32>
    %select_n3A_67 = arith.select %gt3A_64, %slice3A_66, %select_n3A_54 : vector<1024x1xi1>, vector<1024x1xf32>
    %get3A_68 = arith.constant 4 : index
    %get3A_69 = arith.constant 0 : index
    %get3A_70 = arith.constant 0 : index
    %get3A_71 = vector.load %arg1[%get3A_68, %get3A_69, %get3A_70] : memref<13x1024x128xf32, #tpu.memory_space<vmem>>, vector<1x1024x128xf32>
    %get3A_72 = vector.shape_cast %get3A_71 : vector<1x1024x128xf32> to vector<1024x128xf32>
    %mul3A_73 = arith.mulf %get3A_1, %get3A_72 : vector<1024x128xf32>
    %reduce_sum3A_74 = arith.constant dense<0.000000e+00> : vector<1024xf32>
    %reduce_sum3A_75 = vector.multi_reduction <add>, %mul3A_73, %reduce_sum3A_74 [1] : vector<1024x128xf32> to vector<1024xf32>
    %broadcast_in_dim3A_76 = vector.shape_cast %reduce_sum3A_75 : vector<1024xf32> to vector<1024x1xf32>
    %gt3A_77 = arith.cmpf ogt, %broadcast_in_dim3A_76, %select_n3A_65 : vector<1024x1xf32>
    %select_n3A_78 = arith.select %gt3A_77, %broadcast_in_dim3A_76, %select_n3A_65 : vector<1024x1xi1>, vector<1024x1xf32>
    %slice3A_79 = vector.extract_strided_slice %reshape3A {offsets = [0, 4], sizes = [1024, 1], strides = [1, 1]} : vector<1024x16xf32> to vector<1024x1xf32>
    %select_n3A_80 = arith.select %gt3A_77, %slice3A_79, %select_n3A_67 : vector<1024x1xi1>, vector<1024x1xf32>
    %get3A_81 = arith.constant 5 : index
    %get3A_82 = arith.constant 0 : index
    %get3A_83 = arith.constant 0 : index
    %get3A_84 = vector.load %arg1[%get3A_81, %get3A_82, %get3A_83] : memref<13x1024x128xf32, #tpu.memory_space<vmem>>, vector<1x1024x128xf32>
    %get3A_85 = vector.shape_cast %get3A_84 : vector<1x1024x128xf32> to vector<1024x128xf32>
    %mul3A_86 = arith.mulf %get3A_1, %get3A_85 : vector<1024x128xf32>
    %reduce_sum3A_87 = arith.constant dense<0.000000e+00> : vector<1024xf32>
    %reduce_sum3A_88 = vector.multi_reduction <add>, %mul3A_86, %reduce_sum3A_87 [1] : vector<1024x128xf32> to vector<1024xf32>
    %broadcast_in_dim3A_89 = vector.shape_cast %reduce_sum3A_88 : vector<1024xf32> to vector<1024x1xf32>
    %gt3A_90 = arith.cmpf ogt, %broadcast_in_dim3A_89, %select_n3A_78 : vector<1024x1xf32>
    %select_n3A_91 = arith.select %gt3A_90, %broadcast_in_dim3A_89, %select_n3A_78 : vector<1024x1xi1>, vector<1024x1xf32>
    %slice3A_92 = vector.extract_strided_slice %reshape3A {offsets = [0, 5], sizes = [1024, 1], strides = [1, 1]} : vector<1024x16xf32> to vector<1024x1xf32>
    %select_n3A_93 = arith.select %gt3A_90, %slice3A_92, %select_n3A_80 : vector<1024x1xi1>, vector<1024x1xf32>
    %get3A_94 = arith.constant 6 : index
    %get3A_95 = arith.constant 0 : index
    %get3A_96 = arith.constant 0 : index
    %get3A_97 = vector.load %arg1[%get3A_94, %get3A_95, %get3A_96] : memref<13x1024x128xf32, #tpu.memory_space<vmem>>, vector<1x1024x128xf32>
    %get3A_98 = vector.shape_cast %get3A_97 : vector<1x1024x128xf32> to vector<1024x128xf32>
    %mul3A_99 = arith.mulf %get3A_1, %get3A_98 : vector<1024x128xf32>
    %reduce_sum3A_100 = arith.constant dense<0.000000e+00> : vector<1024xf32>
    %reduce_sum3A_101 = vector.multi_reduction <add>, %mul3A_99, %reduce_sum3A_100 [1] : vector<1024x128xf32> to vector<1024xf32>
    %broadcast_in_dim3A_102 = vector.shape_cast %reduce_sum3A_101 : vector<1024xf32> to vector<1024x1xf32>
    %gt3A_103 = arith.cmpf ogt, %broadcast_in_dim3A_102, %select_n3A_91 : vector<1024x1xf32>
    %select_n3A_104 = arith.select %gt3A_103, %broadcast_in_dim3A_102, %select_n3A_91 : vector<1024x1xi1>, vector<1024x1xf32>
    %slice3A_105 = vector.extract_strided_slice %reshape3A {offsets = [0, 6], sizes = [1024, 1], strides = [1, 1]} : vector<1024x16xf32> to vector<1024x1xf32>
    %select_n3A_106 = arith.select %gt3A_103, %slice3A_105, %select_n3A_93 : vector<1024x1xi1>, vector<1024x1xf32>
    %get3A_107 = arith.constant 7 : index
    %get3A_108 = arith.constant 0 : index
    %get3A_109 = arith.constant 0 : index
    %get3A_110 = vector.load %arg1[%get3A_107, %get3A_108, %get3A_109] : memref<13x1024x128xf32, #tpu.memory_space<vmem>>, vector<1x1024x128xf32>
    %get3A_111 = vector.shape_cast %get3A_110 : vector<1x1024x128xf32> to vector<1024x128xf32>
    %mul3A_112 = arith.mulf %get3A_1, %get3A_111 : vector<1024x128xf32>
    %reduce_sum3A_113 = arith.constant dense<0.000000e+00> : vector<1024xf32>
    %reduce_sum3A_114 = vector.multi_reduction <add>, %mul3A_112, %reduce_sum3A_113 [1] : vector<1024x128xf32> to vector<1024xf32>
    %broadcast_in_dim3A_115 = vector.shape_cast %reduce_sum3A_114 : vector<1024xf32> to vector<1024x1xf32>
    %gt3A_116 = arith.cmpf ogt, %broadcast_in_dim3A_115, %select_n3A_104 : vector<1024x1xf32>
    %select_n3A_117 = arith.select %gt3A_116, %broadcast_in_dim3A_115, %select_n3A_104 : vector<1024x1xi1>, vector<1024x1xf32>
    %slice3A_118 = vector.extract_strided_slice %reshape3A {offsets = [0, 7], sizes = [1024, 1], strides = [1, 1]} : vector<1024x16xf32> to vector<1024x1xf32>
    %select_n3A_119 = arith.select %gt3A_116, %slice3A_118, %select_n3A_106 : vector<1024x1xi1>, vector<1024x1xf32>
    %get3A_120 = arith.constant 8 : index
    %get3A_121 = arith.constant 0 : index
    %get3A_122 = arith.constant 0 : index
    %get3A_123 = vector.load %arg1[%get3A_120, %get3A_121, %get3A_122] : memref<13x1024x128xf32, #tpu.memory_space<vmem>>, vector<1x1024x128xf32>
    %get3A_124 = vector.shape_cast %get3A_123 : vector<1x1024x128xf32> to vector<1024x128xf32>
    %mul3A_125 = arith.mulf %get3A_1, %get3A_124 : vector<1024x128xf32>
    %reduce_sum3A_126 = arith.constant dense<0.000000e+00> : vector<1024xf32>
    %reduce_sum3A_127 = vector.multi_reduction <add>, %mul3A_125, %reduce_sum3A_126 [1] : vector<1024x128xf32> to vector<1024xf32>
    %broadcast_in_dim3A_128 = vector.shape_cast %reduce_sum3A_127 : vector<1024xf32> to vector<1024x1xf32>
    %gt3A_129 = arith.cmpf ogt, %broadcast_in_dim3A_128, %select_n3A_117 : vector<1024x1xf32>
    %select_n3A_130 = arith.select %gt3A_129, %broadcast_in_dim3A_128, %select_n3A_117 : vector<1024x1xi1>, vector<1024x1xf32>
    %slice3A_131 = vector.extract_strided_slice %reshape3A {offsets = [0, 8], sizes = [1024, 1], strides = [1, 1]} : vector<1024x16xf32> to vector<1024x1xf32>
    %select_n3A_132 = arith.select %gt3A_129, %slice3A_131, %select_n3A_119 : vector<1024x1xi1>, vector<1024x1xf32>
    %get3A_133 = arith.constant 9 : index
    %get3A_134 = arith.constant 0 : index
    %get3A_135 = arith.constant 0 : index
    %get3A_136 = vector.load %arg1[%get3A_133, %get3A_134, %get3A_135] : memref<13x1024x128xf32, #tpu.memory_space<vmem>>, vector<1x1024x128xf32>
    %get3A_137 = vector.shape_cast %get3A_136 : vector<1x1024x128xf32> to vector<1024x128xf32>
    %mul3A_138 = arith.mulf %get3A_1, %get3A_137 : vector<1024x128xf32>
    %reduce_sum3A_139 = arith.constant dense<0.000000e+00> : vector<1024xf32>
    %reduce_sum3A_140 = vector.multi_reduction <add>, %mul3A_138, %reduce_sum3A_139 [1] : vector<1024x128xf32> to vector<1024xf32>
    %broadcast_in_dim3A_141 = vector.shape_cast %reduce_sum3A_140 : vector<1024xf32> to vector<1024x1xf32>
    %gt3A_142 = arith.cmpf ogt, %broadcast_in_dim3A_141, %select_n3A_130 : vector<1024x1xf32>
    %select_n3A_143 = arith.select %gt3A_142, %broadcast_in_dim3A_141, %select_n3A_130 : vector<1024x1xi1>, vector<1024x1xf32>
    %slice3A_144 = vector.extract_strided_slice %reshape3A {offsets = [0, 9], sizes = [1024, 1], strides = [1, 1]} : vector<1024x16xf32> to vector<1024x1xf32>
    %select_n3A_145 = arith.select %gt3A_142, %slice3A_144, %select_n3A_132 : vector<1024x1xi1>, vector<1024x1xf32>
    %get3A_146 = arith.constant 10 : index
    %get3A_147 = arith.constant 0 : index
    %get3A_148 = arith.constant 0 : index
    %get3A_149 = vector.load %arg1[%get3A_146, %get3A_147, %get3A_148] : memref<13x1024x128xf32, #tpu.memory_space<vmem>>, vector<1x1024x128xf32>
    %get3A_150 = vector.shape_cast %get3A_149 : vector<1x1024x128xf32> to vector<1024x128xf32>
    %mul3A_151 = arith.mulf %get3A_1, %get3A_150 : vector<1024x128xf32>
    %reduce_sum3A_152 = arith.constant dense<0.000000e+00> : vector<1024xf32>
    %reduce_sum3A_153 = vector.multi_reduction <add>, %mul3A_151, %reduce_sum3A_152 [1] : vector<1024x128xf32> to vector<1024xf32>
    %broadcast_in_dim3A_154 = vector.shape_cast %reduce_sum3A_153 : vector<1024xf32> to vector<1024x1xf32>
    %gt3A_155 = arith.cmpf ogt, %broadcast_in_dim3A_154, %select_n3A_143 : vector<1024x1xf32>
    %select_n3A_156 = arith.select %gt3A_155, %broadcast_in_dim3A_154, %select_n3A_143 : vector<1024x1xi1>, vector<1024x1xf32>
    %slice3A_157 = vector.extract_strided_slice %reshape3A {offsets = [0, 10], sizes = [1024, 1], strides = [1, 1]} : vector<1024x16xf32> to vector<1024x1xf32>
    %select_n3A_158 = arith.select %gt3A_155, %slice3A_157, %select_n3A_145 : vector<1024x1xi1>, vector<1024x1xf32>
    %get3A_159 = arith.constant 11 : index
    %get3A_160 = arith.constant 0 : index
    %get3A_161 = arith.constant 0 : index
    %get3A_162 = vector.load %arg1[%get3A_159, %get3A_160, %get3A_161] : memref<13x1024x128xf32, #tpu.memory_space<vmem>>, vector<1x1024x128xf32>
    %get3A_163 = vector.shape_cast %get3A_162 : vector<1x1024x128xf32> to vector<1024x128xf32>
    %mul3A_164 = arith.mulf %get3A_1, %get3A_163 : vector<1024x128xf32>
    %reduce_sum3A_165 = arith.constant dense<0.000000e+00> : vector<1024xf32>
    %reduce_sum3A_166 = vector.multi_reduction <add>, %mul3A_164, %reduce_sum3A_165 [1] : vector<1024x128xf32> to vector<1024xf32>
    %broadcast_in_dim3A_167 = vector.shape_cast %reduce_sum3A_166 : vector<1024xf32> to vector<1024x1xf32>
    %gt3A_168 = arith.cmpf ogt, %broadcast_in_dim3A_167, %select_n3A_156 : vector<1024x1xf32>
    %select_n3A_169 = arith.select %gt3A_168, %broadcast_in_dim3A_167, %select_n3A_156 : vector<1024x1xi1>, vector<1024x1xf32>
    %slice3A_170 = vector.extract_strided_slice %reshape3A {offsets = [0, 11], sizes = [1024, 1], strides = [1, 1]} : vector<1024x16xf32> to vector<1024x1xf32>
    %select_n3A_171 = arith.select %gt3A_168, %slice3A_170, %select_n3A_158 : vector<1024x1xi1>, vector<1024x1xf32>
    %get3A_172 = arith.constant 12 : index
    %get3A_173 = arith.constant 0 : index
    %get3A_174 = arith.constant 0 : index
    %get3A_175 = vector.load %arg1[%get3A_172, %get3A_173, %get3A_174] : memref<13x1024x128xf32, #tpu.memory_space<vmem>>, vector<1x1024x128xf32>
    %get3A_176 = vector.shape_cast %get3A_175 : vector<1x1024x128xf32> to vector<1024x128xf32>
    %mul3A_177 = arith.mulf %get3A_1, %get3A_176 : vector<1024x128xf32>
    %reduce_sum3A_178 = arith.constant dense<0.000000e+00> : vector<1024xf32>
    %reduce_sum3A_179 = vector.multi_reduction <add>, %mul3A_177, %reduce_sum3A_178 [1] : vector<1024x128xf32> to vector<1024xf32>
    %broadcast_in_dim3A_180 = vector.shape_cast %reduce_sum3A_179 : vector<1024xf32> to vector<1024x1xf32>
    %gt3A_181 = arith.cmpf ogt, %broadcast_in_dim3A_180, %select_n3A_169 : vector<1024x1xf32>
    %select_n3A_182 = arith.select %gt3A_181, %broadcast_in_dim3A_180, %select_n3A_169 : vector<1024x1xi1>, vector<1024x1xf32>
    %slice3A_183 = vector.extract_strided_slice %reshape3A {offsets = [0, 12], sizes = [1024, 1], strides = [1, 1]} : vector<1024x16xf32> to vector<1024x1xf32>
    %select_n3A_184 = arith.select %gt3A_181, %slice3A_183, %select_n3A_171 : vector<1024x1xi1>, vector<1024x1xf32>
    %add3A = arith.addf %transpose3A_17, %select_n3A_184 : vector<1024x1xf32>
    %mul3A_185 = arith.constant 5.000000e-01 : f32
    %mul3A_186 = vector.broadcast %mul3A_185 : f32 to vector<1024x1xf32>
    %mul3A_187 = arith.mulf %add3A, %mul3A_186 : vector<1024x1xf32>
    %slice3A_188 = vector.extract_strided_slice %mul3A_187 {offsets = [0, 0], sizes = [900, 1], strides = [1, 1]} : vector<1024x1xf32> to vector<900x1xf32>
    %swap3A = arith.constant 0 : index
    %swap3A_189 = arith.constant 0 : index
    %swap3A_190 = vector.load %arg10[%swap3A, %swap3A_189] : memref<900x1xf32, #tpu.memory_space<vmem>>, vector<900x1xf32>
    tpu.vector_store %arg10[%swap3A, %swap3A_189], %slice3A_188 {strides = array<i32>} : memref<900x1xf32, #tpu.memory_space<vmem>>, vector<900x1xf32>,
    %get3A_191 = arith.constant 0 : index
    %get3A_192 = arith.constant 0 : index
    %get3A_193 = vector.load %arg2[%get3A_191, %get3A_192] : memref<1024x128xf32, #tpu.memory_space<vmem>>, vector<1024x128xf32>
    %dot_general3A = arith.constant dense<0.000000e+00> : vector<1024x1024xf32>
    %dot_general3A_194 = tpu.matmul %get3A_1, %get3A_193, %dot_general3A {dimension_numbers = #tpu.dot_dimension_numbers<[1], [1], [0], [0], [0, 0, 1, 0], [], []>, transpose_lhs_hint = false} : vector<1024x128xf32>, vector<1024x128xf32>, vector<1024x1024xf32> -> vector<1024x1024xf32>
    %get3A_195 = arith.constant 0 : index
    %get3A_196 = arith.constant 0 : index
    %get3A_197 = vector.load %arg7[%get3A_195, %get3A_196] : memref<1x1024xi32, #tpu.memory_space<vmem>>, vector<1x1024xi32>
    %sub3A = vector.broadcast %get3A_197 : vector<1x1024xi32> to vector<1024x1024xi32>
    %sub3A_198 = vector.broadcast %transpose3A_9 : vector<1024x1xi32> to vector<1024x1024xi32>
    %sub3A_199 = arith.subi %sub3A, %sub3A_198 : vector<1024x1024xi32>
    %get3A_200 = arith.constant 0 : index
    %get3A_201 = arith.constant 0 : index
    %get3A_202 = vector.load %arg8[%get3A_200, %get3A_201] : memref<1x1024xi32, #tpu.memory_space<vmem>>, vector<1x1024xi32>
    %sub3A_203 = vector.broadcast %get3A_202 : vector<1x1024xi32> to vector<1024x1024xi32>
    %sub3A_204 = vector.broadcast %transpose3A_13 : vector<1024x1xi32> to vector<1024x1024xi32>
    %sub3A_205 = arith.subi %sub3A_203, %sub3A_204 : vector<1024x1024xi32>
    %mul3A_206 = arith.muli %sub3A_199, %sub3A_199 : vector<1024x1024xi32>
    %mul3A_207 = arith.muli %sub3A_205, %sub3A_205 : vector<1024x1024xi32>
    %add3A_208 = arith.addi %mul3A_206, %mul3A_207 : vector<1024x1024xi32>
    %lt3A = arith.constant 4 : i32
    %lt3A_209 = vector.broadcast %lt3A : i32 to vector<1024x1024xi32>
    %lt3A_210 = arith.cmpi slt, %add3A_208, %lt3A_209 : vector<1024x1024xi32>
    %jit3A = arith.constant 0.000000e+00 : f32
    %broadcast_in_dim3A_211 = vector.broadcast %jit3A : f32 to vector<1024x1024xf32>
    %select_n3A_212 = arith.select %lt3A_210, %broadcast_in_dim3A_211, %dot_general3A_194 : vector<1024x1024xi1>, vector<1024x1024xf32>
    %slice3A_213 = vector.extract_strided_slice %select_n3A_182 {offsets = [0, 0], sizes = [900, 1], strides = [1, 1]} : vector<1024x1xf32> to vector<900x1xf32>
    %swap3A_214 = arith.constant 0 : index
    %swap3A_215 = arith.constant 0 : index
    %swap3A_216 = vector.load %arg9[%swap3A_214, %swap3A_215] : memref<900x901xf32, #tpu.memory_space<vmem>>, vector<900x1xf32>
    tpu.vector_store %arg9[%swap3A_214, %swap3A_215], %slice3A_213 {strides = array<i32>} : memref<900x901xf32, #tpu.memory_space<vmem>>, vector<900x1xf32>,
    %slice3A_217 = vector.extract_strided_slice %select_n3A_212 {offsets = [0, 0], sizes = [900, 900], strides = [1, 1]} : vector<1024x1024xf32> to vector<900x900xf32>
    %swap3A_218 = arith.constant 0 : index
    %swap3A_219 = arith.constant 1 : index
    %swap3A_220 = vector.load %arg9[%swap3A_218, %swap3A_219] : memref<900x901xf32, #tpu.memory_space<vmem>>, vector<900x900xf32>
    tpu.vector_store %arg9[%swap3A_218, %swap3A_219], %slice3A_217 {strides = array<i32>} : memref<900x901xf32, #tpu.memory_space<vmem>>, vector<900x900xf32>,
    return
  }
}

</mosaic_0001>

<sc_bundles>
// kernel: kernel.7.cloned.1.call-start
scs
__scs_entry_jumppad:
0x0: {  	(pc) =	sbr.rel $0x88, $3  }
0x1: {  	(tag) =	ssettag $0x0;
	lr =	simm.s32 $0x1  }
0x2: {  	[smem:$0x3F9A] =	sst lr;
	_ =	strace $0xD0000000  }
0x3: {  	_ = 	snop  }
0x4: {  	_ = 	snop  }
0x5: {  	_ = 	snop  }
0x6: {  	_ = 	snop  }
0x7: {  	_ = 	snop  }
__scs_overlays_trampoline_lowered:
0x8: {  	[smem:$0x3FA9] =	sst s0  }
0x9: {  	[smem:$0x3FAA] =	sst s1  }
0xa: {  	[smem:$0x3FAB] =	sst s2  }
0xb: {  	[smem:$0x3FAC] =	sst s3  }
0xc: {  	[smem:$0x3FAD] =	sst s4  }
0xd: {  	[smem:$0x3FAE] =	sst s5  }
0xe: {  	[smem:$0x3FAF] =	sst s6  }
0xf: {  	[smem:$0x3FB0] =	sst s7  }
0x10: {  	[smem:$0x3FB1] =	sst s8  }
0x11: {  	[smem:$0x3FB2] =	sst s9;
	s0 =	simm.s32 @!p0 $0x0  }
0x12: {  	s1 =	sld [smem:$0x3F98];
	s0 =	simm.s32 @p0 $0x1  }
0x13: {  	[smem:$0x3FB3] =	sst s0;
	s0 =	simm.s32 @!p1 $0x0  }
0x14: {  	s2 =	sld [smem:$0x3F97];
	s0 =	simm.s32 @p1 $0x1  }
0x15: {  	[smem:$0x3FB4] =	sst s0;
	s0 =	simm.s32 @!p2 $0x0  }
0x16: {  	s3 =	sld [smem:$0x3FDB];
	s0 =	simm.s32 @p2 $0x1  }
0x17: {  	s4 =	simm.s32 $0x1BF5;
	[smem:$0x3FB6] =	sst s0  }
0x18: {  	s0 =	sld [smem:$0x3F99];
	_ =	swait.ge [sflag:s4], $0x0  }
0x19: {  	s7 =	sld [smem:$0x3F9A]  }
0x1a: {  	s8 =	sadd.s32 $0xFFFFE003, lr  }
0x1b: {  	s9 =	sadd.s32 $0xFFFFFEF7, lr;
	s5 =	simm.s32 $0xFFFFFFFF;
	p2 =	slt.u32 s8, $0xFFFFF086  }
0x1c: {  	p1 =	slt.u32 s9, $0xF7A;
	s5 =	simm.s32 @!p2 $0x0  }
0x1d: {  	s5 =	simm.s32 @p1 $0x1;
	p0 =	seq.s32 s7, s2  }
0x1e: {  	s7 =	smul.u32 @!p0 $0xF7A, s2;
	p2 =	seq.s32 @!p0 s5, $0x0  }
0x1f: {  	s9 =	smul.u32 $0xF7A, s1;
	s8 =	simm.s32 @!p0 $0x1BF5;
	p2 =	por !p2, p0  }
0x20: {  	[sflag:s8] =	ssyncset.s32 @!p0 $0xFFFFF086;
	s6 =	sadd.s32 @!p0 s3, s7;
	s7 =	simm.s32 @!p0 $0x108  }
0x21: {  	s3 =	sadd.s32 s3, s9;
	s6 =	sadd.s32 @!p0 $0x88, s6;
	s7 =	simm.s32 @p2 $0x1082  }
0x22: {  	[simem:s7], [sflag:s8] =	dma.local @!p0 [hbm:s6], $0xF7A  }
0x23: {  	s9 =	sor.u32 $0xD0000000, s2;
	s6 =	simm.s32 $0x108;
	_ =	swait.ge @!p0 [sflag:s8], $0x0  }
0x24: {  	s3 =	sadd.s32 $0x88, s3;
	s6 =	simm.s32 @!p1 $0x1082;
	[sflag:s4] =	ssyncset.s32 $0xFFFFF086  }
0x25: {  	[simem:s6], [sflag:s4] =	dma.local [hbm:s3], $0xF7A  }
0x26: {  	[smem:$0x3F9A] =	sst s1;
	(tag) =	ssettag s2;
	_ =	strace s9  }
0x27: {  	s1 =	sld [smem:$0x3FAA]  }
0x28: {  	s2 =	sld [smem:$0x3FAB]  }
0x29: {  	s4 =	sld [smem:$0x3FAD]  }
0x2a: {  	p0 =	seq.s32 s5, $0x0;
	s5 =	sld [smem:$0x3FAE]  }
0x2b: {  	s6 =	sld [smem:$0x3FAF]  }
0x2c: {  	s7 =	sld [smem:$0x3FB0]  }
0x2d: {  	s3 =	simm.s32 $0x108;
	s8 =	sld [smem:$0x3FB1]  }
0x2e: {  	s3 =	simm.s32 @!p0 $0x1082;
	s9 =	sld [smem:$0x3FB2]  }
0x2f: {  	lr =	sadd.s32 s0, s3;
	s0 =	sld [smem:$0x3FA9]  }
0x30: {  	s3 =	sld [smem:$0x3FAC]  }
0x31: {  	[smem:$0x3FB5] =	sst s10  }
0x32: {  	s10 =	sld [smem:$0x3FB3];
	_ =	sdelay $0x3  }
0x33: {  	p0 =	seq.s32 s10, $0x1;
	s10 =	sld [smem:$0x3FB5];
	_ =	sdelay $0x3  }
0x34: {  	[smem:$0x3FB5] =	sst s10  }
0x35: {  	s10 =	sld [smem:$0x3FB4];
	_ =	sdelay $0x3  }
0x36: {  	p1 =	seq.s32 s10, $0x1;
	s10 =	sld [smem:$0x3FB5];
	_ =	sdelay $0x3  }
0x37: {  	[smem:$0x3FB5] =	sst s10  }
0x38: {  	s10 =	sld [smem:$0x3FB6]  }
0x39: {  	_ = 	snop;
	(pc) =	sbr.ind lr, $3  }
0x3a: {  	_ = 	snop  }
0x3b: {  	_ = 	snop  }
0x3c: {  	p2 =	seq.s32 s10, $0x1;
	s10 =	sld [smem:$0x3FB5]  }
0x3d: {  	_ =	shalt  }
0x3e: {  	_ =	shalt  }
0x3f: {  	_ =	shalt  }
0x40: {  	_ =	shalt  }
0x41: {  	_ =	shalt  }
0x42: {  	_ =	shalt  }
0x43: {  	_ =	shalt  }
0x44: {  	_ =	shalt  }
0x45: {  	_ =	shalt  }
0x46: {  	_ =	shalt  }
0x47: {  	_ =	shalt  }
0x48: {  	_ =	shalt  }
0x49: {  	_ =	shalt  }
0x4a: {  	_ =	shalt  }
0x4b: {  	_ =	shalt  }
0x4c: {  	_ =	shalt  }
0x4d: {  	_ =	shalt  }
0x4e: {  	_ =	shalt  }
0x4f: {  	_ =	shalt  }
0x50: {  	_ =	shalt  }
0x51: {  	_ =	shalt  }
0x52: {  	_ =	shalt  }
0x53: {  	_ =	shalt  }
0x54: {  	_ =	shalt  }
0x55: {  	_ =	shalt  }
0x56: {  	_ =	shalt  }
0x57: {  	_ =	shalt  }
0x58: {  	_ =	shalt  }
0x59: {  	_ =	shalt  }
0x5a: {  	_ =	shalt  }
0x5b: {  	_ =	shalt  }
0x5c: {  	_ =	shalt  }
0x5d: {  	_ =	shalt  }
0x5e: {  	_ =	shalt  }
0x5f: {  	_ =	shalt  }
0x60: {  	_ =	shalt  }
0x61: {  	_ =	shalt  }
0x62: {  	_ =	shalt  }
0x63: {  	_ =	shalt  }
0x64: {  	_ =	shalt  }
0x65: {  	_ =	shalt  }
0x66: {  	_ =	shalt  }
0x67: {  	_ =	shalt  }
0x68: {  	_ =	shalt  }
0x69: {  	_ =	shalt  }
0x6a: {  	_ =	shalt  }
0x6b: {  	_ =	shalt  }
0x6c: {  	_ =	shalt  }
0x6d: {  	_ =	shalt  }
0x6e: {  	_ =	shalt  }
0x6f: {  	_ =	shalt  }
0x70: {  	_ =	shalt  }
0x71: {  	_ =	shalt  }
0x72: {  	_ =	shalt  }
0x73: {  	_ =	shalt  }
0x74: {  	_ =	shalt  }
0x75: {  	_ =	shalt  }
0x76: {  	_ =	shalt  }
0x77: {  	_ =	shalt  }
0x78: {  	_ =	shalt  }
0x79: {  	_ =	shalt  }
0x7a: {  	_ =	shalt  }
0x7b: {  	_ =	shalt  }
0x7c: {  	_ =	shalt  }
0x7d: {  	_ =	shalt  }
0x7e: {  	_ =	shalt  }
0x7f: {  	_ =	shalt  }
0x80: {  	_ =	shalt  }
0x81: {  	_ =	shalt  }
0x82: {  	_ =	shalt  }
0x83: {  	_ =	shalt  }
0x84: {  	_ =	shalt  }
0x85: {  	_ =	shalt  }
0x86: {  	_ =	shalt  }
0x87: {  	_ =	shalt  }
.Lfunc_end0:
.L_simem_size_0:
called_computation_lowered:
.L_overlay_start_0:
0x88: {  	s2 =	sld [smem:$0x3FD9]  }
0x89: {  	s3 =	sld [smem:$0x3FFE];
	_ =	sdelay $0x1  }
0x8a: {  	s1 =	srdreg.scid  }
0x8b: {  	s0 =	sand.u32 $0x1, s1  }
0x8c: {  	s14 =	sshll.u32 s0, $0xA;
	s2 =	sadd.s32 s3, s2  }
0x8d: {  	s2 =	sadd.s32 s2, s14  }
0x8e: {  	[smem:$0x3FC1] =	sst s2  }
0x8f: {  	_ = 	snop  }
0x90: {  	s2 =	sld [smem:$0x3FD0];
	_ =	sdelay $0x2  }
0x91: {  	s15 =	simm.s32 $0xA;
	s4 =	simm.s32 $0x10  }
0x92: {  	[smem:s4], [sflag:s15] =	dma.local [hbm:s2], $0x1  }
0x93: {  	_ =	swait.eq [sflag:s15], $0x1  }
0x94: {  	s16 =	sld [smem:$0x10]  }
0x95: {  	s17 =	sld [smem:$0x11];
	[sflag:s15] =	ssyncset.done $0x0  }
0x96: {  	s5 =	sld [smem:$0x12];
	[sflag:s15] =	ssyncadd.s32 $0xFFFFFFFF  }
0x97: {  	s18 =	sld [smem:$0x13];
	(tm) =	ssettm $0x1  }
0x98: {  	s6 =	sld [smem:$0x3FFB];
	_ =	sdelay $0x3  }
0x99: {  	_ =	strace s6  }
0x9a: {  	s6 =	sld [smem:$0x3FFC];
	_ =	sdelay $0x3  }
0x9b: {  	_ =	strace s6  }
0x9c: {  	s6 =	sld [smem:$0x3FFD];
	_ =	sdelay $0x3  }
0x9d: {  	_ =	strace s6  }
0x9e: {  	_ =	strace $0x8FFFFFFF  }
0x9f: {  	s19 =	sld [smem:$0x3FDB];
	_ =	sdelay $0x1  }
0xa0: {  	s7 =	simm.s32 $_scs_section_size  }
0xa1: {  	s8 =	simm.s32 $_size__tile_overlayer_lowered;
	s9 =	simm.s32 $_tile_overlayer_lowered  }
0xa2: {  	s22 =	simm.s32 $0x1BFF;
	s21 =	sshll.u32 s9, $0x1;
	s6 =	sadd.s32 s7, s19  }
0xa3: {  	s10 =	simm.s32 $0x0;
	s20 =	sshll.u32 s8, $0x1;
	s8 =	sadd.s32 s21, s6  }
0xa4: {  	[timem:s10], [sflag:s22] =	dma.local [hbm:s8], s20  }
0xa5: {  	_ =	swait.ge [sflag:s22], s20  }
0xa6: {  	s7 =	ssub.s32 $0x0, s20;
	[sflag:s22] =	ssyncset.done $0x0  }
0xa7: {  	[sflag:s22] =	ssyncadd.s32 s7;
	_ =	sdelay $0x1  }
0xa8: {  	s23 =	simm.s32 $0x1B8B  }
0xa9: {  	_ =	swait.ge [sflag:s23], $0x1  }
0xaa: {  	[sflag:s23] =	ssyncset.done $0x0  }
0xab: {  	s25 =	simm.s32 $0x1B8E;
	s24 =	sld [smem:$0x3FFE];
	[sflag:s23] =	ssyncadd.s32 $0xFFFFFFFF  }
0xac: {  	s26 =	simm.s32 $execute0_lowered;
	[smem:$0x3FD2] =	sst s25  }
0xad: {  	s8 =	sshll.u32 s26, $0x1;
	_ =	strace $0x80000046;
	[dreg:$0x1] =	wrdreg $0xFFFFFFFF  }
0xae: {  	s28 =	simm.s32 $_size_execute0_lowered;
	s6 =	sadd.s32 s6, s8;
	[dreg:$0x0] =	wrdreg $0x0  }
0xaf: {  	s8 =	sshll.u32 s28, $0x1;
	[dreg:$0x2] =	wrdreg s6  }
0xb0: {  	[dreg:$0x3] =	wrdreg s8  }
0xb1: {  	[dreg:$0x4] =	wrdreg $0xC0  }
0xb2: {  	_ =	task [dreg:s10], $0x5FFFF  }
0xb3: {  	[dreg:$0x1] =	wrdreg $0xFFFFFFFF  }
0xb4: {  	[dreg:$0x0] =	wrdreg $0x60  }
0xb5: {  	[dreg:$0x2] =	wrdreg s18  }
0xb6: {  	[dreg:$0x3] =	wrdreg s5  }
0xb7: {  	[dreg:$0x4] =	wrdreg s24  }
0xb8: {  	[dreg:$0x5] =	wrdreg s16  }
0xb9: {  	[dreg:$0x6] =	wrdreg s17  }
0xba: {  	[dreg:$0x7] =	wrdreg $0x9  }
0xbb: {  	_ =	task.clear_ibuf [dreg:s10], $0x8FFFF;
	_ =	strace $0x90000046  }
0xbc: {  	s29 =	simm.s32 $0x9;
	_ =	strace $0x80000048  }
0xbd: {  	_ =	swait.ge [sflag:s29], $0x1  }
0xbe: {  	[sflag:s29] =	ssyncadd.s32 $0xFFFFFFFF  }
0xbf: {  	_ =	strace $0x90000048  }
0xc0: {  	_ =	sfence  }
0xc1: {  	s30 =	sld [smem:$0x0];
	_ =	sdelay $0x2  }
0xc2: {  	s31 =	sshll.u32 s1, $0xD;
	s1 =	sshrl.u32 s1, $0x2  }
0xc3: {  	s3 =	sand.u32 $0x4000, s31;
	s1 =	sadd.s32 s1, s30  }
0xc4: {  	s0 =	sor.u32 s3, s0;
	s1 =	sshll.u32 s1, $0x11  }
0xc5: {  	s0 =	sor.u32 s1, s0  }
0xc6: {  	s0 =	sadd.s32 $0x8F2B, s0  }
0xc7: {  	[sflag:s0] =	ssyncadd.remote.s32 $0x1  }
0xc8: {  	_ =	sfence.sel $0xFFFF  }
0xc9: {  	[dreg:$0x0] =	wrdreg $0xFFFFFFFF;
	(pc) =	sbr.abs _section_cstart, $3  }
0xca: {  	[dreg:$0x1] =	wrdreg $0xFFFFFFFF  }
0xcb: {  	_ =	task.clear_ibuf [dreg:s10], $0x2FFFF;
	_ =	strace $0x9FFFFFFF  }
0xcc: {  	(tm) =	ssettm $0x7FFFFFFF  }
0xcd: {  	_ =	shalt  }
tec
execute0_lowered:
.L_overlay_start_1:
0x0: {  	(tag) =	ssettag $0x1  }
0x1: {  	s4 =	rddreg [dreg:$0x0]  }
0x2: {  	s5 =	rddreg [dreg:$0x1]  }
0x3: {  	s1 =	rddreg [dreg:$0x2]  }
0x4: {  	s2 =	rddreg [dreg:$0x3];
	s3 =	srdreg.scid  }
0x5: {  	s6 =	rddreg [dreg:$0x4];
	s7 =	sand.u32 $0x1, s3;
	s3 =	simm.s32 $0x0  }
0x6: {  	s0 =	stileid.u32;
	s25 =	simm.s32 $0x80;
	[smem:$0x7FF] =	sst s3  }
0x7: {  	s26 =	simm.s32 $0x100;
	_ =	strace $0x80000047;
	[dreg:$0xf] =	wrdreg s25  }
0x8: {  	s8 =	sshll.u32 s0, $0x1;
	s0 =	simm.s32 $0x180;
	[dreg:$0x10] =	wrdreg s26  }
0x9: {  	s11 =	simm.s32 $0x2C00;
	[dreg:$0x11] =	wrdreg s0  }
0xa: {  	s12 =	simm.s32 $0x500;
	[dreg:$0x17] =	wrdreg s11  }
0xb: {  	s13 =	simm.s32 $0x3C00;
	[dreg:$0x18] =	wrdreg s12  }
0xc: {  	s14 =	simm.s32 $0x580;
	[dreg:$0x19] =	wrdreg s13  }
0xd: {  	[dreg:$0x1a] =	wrdreg s14;
	s25 =	simm.s32 $0x9C00  }
0xe: {  	s26 =	simm.s32 $0x880;
	[smem:$0x7E7] =	sst s25  }
0xf: {  	s0 =	simm.s32 $0xAC00;
	[smem:$0x7E8] =	sst s26  }
0x10: {  	s11 =	simm.s32 $0xDC00;
	[smem:$0x7E9] =	sst s0  }
0x11: {  	s12 =	simm.s32 $0x410;
	[smem:$0x7EF] =	sst s11  }
0x12: {  	s8 =	sor.u32 s7, s8;
	s13 =	simm.s32 $0x2400;
	[smem:$0x7F0] =	sst s12  }
0x13: {  	s9 =	sshll.u32 s8, $0x2;
	s14 =	simm.s32 $0x490;
	[smem:$0x7F1] =	sst s13  }
0x14: {  	s18 =	sshll.u32 s8, $0x8;
	s4 =	sadd.s32 s4, s9;
	[smem:$0x7F2] =	sst s14  }
0x15: {  	s8 =	sshll.u32 s8, $0x9;
	s15 =	sadd.s32 s5, s9;
	[dreg:$0x6] =	wrdreg s4  }
0x16: {  	s23 =	sadd.s32 s6, s8;
	[dreg:$0x7] =	wrdreg s15  }
0x17: {  	s6 =	simm.s32 $0x110;
	[dreg:$0xd] =	wrdreg s23  }
0x18: {  	s22 =	sadd.s32 s8, s1;
	s8 =	simm.s32 $0x190;
	[dreg:$0x13] =	wrdreg s6  }
0x19: {  	s10 =	sadd.s32 s9, s1;
	s9 =	simm.s32 $0x210;
	[dreg:$0x14] =	wrdreg s8  }
0x1a: {  	s5 =	sadd.s32 s18, s1;
	s18 =	simm.s32 $0x680;
	[dreg:$0x15] =	wrdreg s9  }
0x1b: {  	s25 =	simm.s32 $0x710;
	[dreg:$0x1e] =	wrdreg s18  }
0x1c: {  	s26 =	simm.s32 $0x8400;
	[smem:$0x7FC] =	sst s25  }
0x1d: {  	s16 =	sadd.s32 $0x449000, s10;
	[smem:$0x7FD] =	sst s26  }
0x1e: {  	s17 =	sadd.s32 $0x449200, s10;
	[dreg:$0x8] =	wrdreg s16  }
0x1f: {  	s19 =	sadd.s32 $0x449400, s10;
	[dreg:$0x9] =	wrdreg s17  }
0x20: {  	s20 =	sadd.s32 $0x412E00, s10;
	[dreg:$0xa] =	wrdreg s19  }
0x21: {  	s21 =	sadd.s32 $0x447000, s5;
	[dreg:$0xb] =	wrdreg s20  }
0x22: {  	s24 =	sadd.s32 $0x413000, s22;
	[dreg:$0xc] =	wrdreg s21  }
0x23: {  	s5 =	simm.s32 $0x1400;
	[dreg:$0xe] =	wrdreg s24  }
0x24: {  	s10 =	simm.s32 $0x480;
	[dreg:$0x12] =	wrdreg s5  }
0x25: {  	s15 =	simm.s32 $0x4C00;
	[dreg:$0x16] =	wrdreg s10  }
0x26: {  	s28 =	simm.s32 $0x300;
	s22 =	simm.s32 $0x780;
	[dreg:$0x1b] =	wrdreg s15  }
0x27: {  	s29 =	simm.s32 $0x380;
	s23 =	simm.s32 $0x8C00;
	[smem:$0x7E4] =	sst s22  }
0x28: {  	s30 =	simm.s32 $0x2;
	s6 =	simm.s32 $0xBC00;
	[smem:$0x7E5] =	sst s23  }
0x29: {  	s31 =	simm.s32 $0x1000;
	s8 =	simm.s32 $0x980;
	[smem:$0x7EB] =	sst s6  }
0x2a: {  	s7 =	ssub.s32 $0x2, s7;
	s9 =	simm.s32 $0xCC00;
	[smem:$0x7EC] =	sst s8  }
0x2b: {  	s11 =	simm.s32 $0x1;
	s18 =	simm.s32 $0x590;
	[smem:$0x7ED] =	sst s9  }
0x2c: {  	s12 =	simm.s32 $0x400;
	s16 =	simm.s32 $0x600;
	[smem:$0x7F6] =	sst s18  }
0x2d: {  	s13 =	simm.s32 $0x1C00;
	s17 =	simm.s32 $0x5C00;
	[dreg:$0x1c] =	wrdreg s16  }
0x2e: {  	s4 =	sadd.s32 $0x2A00, s1;
	s19 =	simm.s32 $0x6C00;
	[dreg:$0x1d] =	wrdreg s17  }
0x2f: {  	s25 =	simm.s32 $0xE400;
	s20 =	simm.s32 $0x700;
	[dreg:$0x1f] =	wrdreg s19  }
0x30: {  	s26 =	simm.s32 $0x280;
	s21 =	simm.s32 $0x7C00;
	[smem:$0x7E2] =	sst s20  }
0x31: {  	s24 =	simm.s32 $0x800;
	s5 =	simm.s32 $0x900;
	[smem:$0x7E3] =	sst s21  }
0x32: {  	s10 =	simm.s32 $0xA00;
	s15 =	simm.s32 $0x3400;
	[smem:$0x7E6] =	sst s24  }
0x33: {  	s6 =	sadd.s32 $0x40AE00, s1;
	s22 =	simm.s32 $0x6400;
	[smem:$0x7EA] =	sst s5  }
0x34: {  	s8 =	simm.s32 $0x3;
	s23 =	simm.s32 $0x690;
	[smem:$0x7EE] =	sst s10  }
0x35: {  	s9 =	simm.s32 $0xC00;
	s18 =	simm.s32 $0x890;
	[smem:$0x7F3] =	sst s15  }
0x36: {  	s5 =	sadd.s32 $0x402E00, s1;
	s16 =	simm.s32 $0x510;
	[smem:$0x7F9] =	sst s22  }
0x37: {  	s17 =	simm.s32 $0x4400;
	s19 =	sshrl.u32 s7, $0x1;
	[smem:$0x7FA] =	sst s23  }
0x38: {  	s20 =	simm.s32 $0x5400;
	s21 =	simm.s32 $0x610;
	[smem:$0x7F4] =	sst s16  }
0x39: {  	s24 =	simm.s32 $0x7400;
	s10 =	simm.s32 $0x200;
	[smem:$0x7F5] =	sst s17  }
0x3a: {  	s15 =	simm.s32 $0x9400;
	s22 =	simm.s32 $0x990;
	[smem:$0x7F7] =	sst s20  }
0x3b: {  	s23 =	simm.s32 $0xD400;
	s1 =	simm.s32 $0x20000;
	[smem:$0x7F8] =	sst s21  }
0x3c: {  	s7 =	ssub.s32 s7, s19;
	[smem:$0x7FB] =	sst s24;
	s16 =	simm.s32 $0x810  }
0x3d: {  	s17 =	simm.s32 $0xA400;
	s19 =	simm.s32 $0xB400;
	s20 =	simm.s32 $0x910  }
0x3e: {  	vm0 =	vmmov $0xffff;
	v0 =	vimm.s32 $0x0;
	s21 =	simm.s32 $0xC400;
	s24 =	simm.s32 $0xA10;
	s7 =	smax.u32 s7, $0x1  }
.LBB2_1:
0x3f: {  	s0 =	rddreg [dreg:$0x6]  }
0x40: {  	[tilespmem:s3], [sflag:$0x3] =	stream.linear.gather [hbm4b:s0+s3], $0x20, $0x38;
	[tilespmem:$0xEC00] =	vst v63  }
0x41: {  	_ =	swait.ge [sflag:s8], $0x20  }
0x42: {  	s0 =	rddreg [dreg:$0x7];
	[sflag:s8] =	ssyncset.done $0x0  }
0x43: {  	s14 =	rddreg [dreg:$0xf];
	[sflag:s8] =	ssyncadd.s32 $0xFFFFFFE0  }
0x44: {  	[tilespmem:s14], [sflag:$0x3] =	stream.linear.gather [hbm4b:s0+s3], $0x20, $0x38;
	[tilespmem:$0xEC00] =	vst v63  }
0x45: {  	_ =	swait.ge [sflag:s8], $0x20  }
0x46: {  	[sflag:s8] =	ssyncset.done $0x0  }
0x47: {  	[sflag:s8] =	ssyncadd.s32 $0xFFFFFFE0  }
0x48: {  	v1 =	vld [tilespmem:$0x80];
	_ =	sdelay $0x1  }
0x49: {  	v2 =	vld [tilespmem:$0x0];
	_ =	sdelay $0x4  }
0x4a: {  	v3 =	vadd.s32 $0x40000, v2  }
0x4b: {  	[tilespmem:s9], [sflag:$0x2] =	stream.indirect_vreg.gather [hbm4b:s4+s3], $0x80, v1, vm0, $0xb8;
	[tilespmem:$0xEC00] =	vst v63  }
0x4c: {  	s0 =	rddreg [dreg:$0x10]  }
0x4d: {  	[tilespmem:s0], [sflag:$0x1] =	stream.indirect_vreg.gather [hbm4b:s2+s3], $0x1, v2, vm0, $0xb8;
	[tilespmem:$0xEC00] =	vst v63  }
0x4e: {  	s14 =	rddreg [dreg:$0x11]  }
0x4f: {  	[tilespmem:s14], [sflag:$0x1] =	stream.indirect_vreg.gather [hbm4b:s2+s3], $0x1, v3, vm0, $0xb8;
	[tilespmem:$0xEC00] =	vst v63  }
0x50: {  	_ = 	snop  }
0x51: {  	[tilespmem:s10], [sflag:$0x1] =	stream.indirect_vreg.gather [hbm4b:s5+s3], $0x1, v2, vm0, $0xb8;
	[tilespmem:$0xEC00] =	vst v63  }
0x52: {  	v1 =	vld [tilespmem:$0x90];
	_ =	sdelay $0x1  }
0x53: {  	v2 =	vld [tilespmem:$0x10];
	_ =	sdelay $0x4  }
0x54: {  	s0 =	rddreg [dreg:$0x12];
	v3 =	vadd.s32 $0x40000, v2  }
0x55: {  	[tilespmem:s0], [sflag:$0x2] =	stream.indirect_vreg.gather [hbm4b:s4+s3], $0x80, v1, vm0, $0xb8;
	[tilespmem:$0xEC00] =	vst v63  }
0x56: {  	s14 =	rddreg [dreg:$0x13]  }
0x57: {  	[tilespmem:s14], [sflag:$0x1] =	stream.indirect_vreg.gather [hbm4b:s2+s3], $0x1, v2, vm0, $0xb8;
	[tilespmem:$0xEC00] =	vst v63  }
0x58: {  	s0 =	rddreg [dreg:$0x14]  }
0x59: {  	[tilespmem:s0], [sflag:$0x1] =	stream.indirect_vreg.gather [hbm4b:s2+s3], $0x1, v3, vm0, $0xb8;
	[tilespmem:$0xEC00] =	vst v63  }
0x5a: {  	s14 =	rddreg [dreg:$0x15]  }
0x5b: {  	[tilespmem:s14], [sflag:$0x1] =	stream.indirect_vreg.gather [hbm4b:s5+s3], $0x1, v2, vm0, $0xb8;
	[tilespmem:$0xEC00] =	vst v63  }
0x5c: {  	_ =	swait.ge [sflag:s11], $0x10  }
0x5d: {  	[sflag:s11] =	ssyncset.done $0x0  }
0x5e: {  	[sflag:s11] =	ssyncadd.s32 $0xFFFFFFF0  }
0x5f: {  	_ =	swait.ge [sflag:s11], $0x10  }
0x60: {  	[sflag:s11] =	ssyncset.done $0x0  }
0x61: {  	[sflag:s11] =	ssyncadd.s32 $0xFFFFFFF0  }
0x62: {  	_ =	swait.ge [sflag:s11], $0x10  }
0x63: {  	[sflag:s11] =	ssyncset.done $0x0  }
0x64: {  	[sflag:s11] =	ssyncadd.s32 $0xFFFFFFF0  }
0x65: {  	_ =	swait.ge [sflag:s11], $0x10  }
0x66: {  	[sflag:s11] =	ssyncset.done $0x0  }
0x67: {  	[sflag:s11] =	ssyncadd.s32 $0xFFFFFFF0  }
0x68: {  	_ =	swait.ge [sflag:s11], $0x10  }
0x69: {  	[sflag:s11] =	ssyncset.done $0x0  }
0x6a: {  	[sflag:s11] =	ssyncadd.s32 $0xFFFFFFF0  }
0x6b: {  	_ =	swait.ge [sflag:s11], $0x10  }
0x6c: {  	[sflag:s11] =	ssyncset.done $0x0  }
0x6d: {  	[sflag:s11] =	ssyncadd.s32 $0xFFFFFFF0  }
0x6e: {  	v1 =	vld [tilespmem:$0x100]  }
0x6f: {  	v2 =	vld [tilespmem:$0x180];
	_ =	sdelay $0x4  }
0x70: {  	v1 =	vadd.f32 $5.000000000e-01, v1;
	v2 =	vadd.f32 $5.000000000e-01, v2;
	_ =	sdelay $0x1  }
0x71: {  	v1 =	vtrunc.f32 v1;
	v2 =	vtrunc.f32 v2  }
0x72: {  	v1 =	vcvt.f32.s32 v1;
	v2 =	vcvt.f32.s32 v2;
	_ =	sdelay $0x1  }
0x73: {  	v3 =	vadd.s32 $0xFFFFFFFE, v1;
	vm1 =	vgt.s32 v2, $0x0  }
0x74: {  	v4 =	vnsel vm1, $0x0, v2;
	vm1 =	vgt.s32 v3, $0x0  }
0x75: {  	v3 =	vnsel vm1, $0x0, v3;
	v4 =	vmin.u32 v4, $0x1FF  }
0x76: {  	v5 =	vadd.s32 $0xFFFFFFFF, v2;
	v3 =	vmin.u32 v3, $0x1FF;
	v4 =	vshll.u32 v4, $0x9  }
0x77: {  	v6 =	vadd.s32 $0xFFFFFFFF, v1;
	vm1 =	vgt.s32 v5, $0x0;
	v3 =	vor.u32 v3, v4  }
0x78: {  	v7 =	vor.u32 v1, v2;
	v5 =	vnsel vm1, $0x0, v5;
	vm1 =	vgt.s32 v6, $0x0  }
0x79: {  	[tilespmem:$0x280] =	vst v1;
	v6 =	vnsel vm1, $0x0, v6;
	vm1 =	vlt.u32 v7, $0x200;
	v5 =	vmin.u32 v5, $0x1FF  }
0x7a: {  	[tilespmem:$0x300] =	vst v2;
	v7 =	vsel vm1, $0x1, v0;
	v6 =	vmin.u32 v6, $0x1FF;
	v5 =	vshll.u32 v5, $0x9  }
0x7b: {  	[tilespmem:$0x380] =	vst v7;
	v42 =	vor.u32 v6, v5  }
0x7c: {  	[tilespmem:s12], [sflag:$0x1] =	stream.indirect_vreg.gather [hbm4b:s6+s3], $0x1, v3, vm0, $0xb8;
	[tilespmem:$0xEC00] =	vst v63  }
0x7d: {  	s0 =	rddreg [dreg:$0x16]  }
0x7e: {  	[tilespmem:s13], [sflag:$0x2] =	stream.indirect_vreg.gather [hbm4b:s4+s3], $0x80, v3, vm0, $0xb8;
	v3 =	vadd.s32 $0x1, v2;
	[tilespmem:$0xEC00] =	vst v63  }
0x7f: {  	s14 =	rddreg [dreg:$0x17];
	v8 =	vor.u32 v6, v4;
	vm1 =	vgt.s32 v3, $0x0  }
0x80: {  	[tilespmem:s0], [sflag:$0x1] =	stream.indirect_vreg.gather [hbm4b:s6+s3], $0x1, v42, vm0, $0xb8;
	v3 =	vnsel vm1, $0x0, v3;
	[tilespmem:$0xEC00] =	vst v63  }
0x81: {  	s0 =	rddreg [dreg:$0x18];
	v3 =	vmin.u32 v3, $0x1FF  }
0x82: {  	v43 =	vadd.s32 $0xFFFFFFFE, v2;
	[tilespmem:s14], [sflag:$0x2] =	stream.indirect_vreg.gather [hbm4b:s4+s3], $0x80, v42, vm0, $0xb8;
	v3 =	vshll.u32 v3, $0x9;
	[tilespmem:$0xEC00] =	vst v63  }
0x83: {  	vm1 =	vgt.s32 v43, $0x0;
	s14 =	rddreg [dreg:$0x19];
	v6 =	vor.u32 v6, v3  }
0x84: {  	v7 =	vnsel vm1, $0x0, v43;
	vm1 =	vgt.s32 v1, $0x0;
	[tilespmem:s0], [sflag:$0x1] =	stream.indirect_vreg.gather [hbm4b:s6+s3], $0x1, v8, vm0, $0xb8;
	[tilespmem:$0xEC00] =	vst v63  }
0x85: {  	v9 =	vnsel vm1, $0x0, v1;
	v7 =	vmin.u32 v7, $0x1FF;
	s0 =	rddreg [dreg:$0x1a]  }
0x86: {  	v44 =	vmin.u32 v9, $0x1FF;
	v7 =	vshll.u32 v7, $0x9;
	[tilespmem:s14], [sflag:$0x2] =	stream.indirect_vreg.gather [hbm4b:s4+s3], $0x80, v8, vm0, $0xb8;
	[tilespmem:$0xEC00] =	vst v63  }
0x87: {  	v7 =	vor.u32 v44, v7;
	s14 =	rddreg [dreg:$0x1b]  }
0x88: {  	[tilespmem:s0], [sflag:$0x1] =	stream.indirect_vreg.gather [hbm4b:s6+s3], $0x1, v6, vm0, $0xb8;
	[tilespmem:$0xEC00] =	vst v63  }
0x89: {  	s0 =	rddreg [dreg:$0x1c]  }
0x8a: {  	[tilespmem:s14], [sflag:$0x2] =	stream.indirect_vreg.gather [hbm4b:s4+s3], $0x80, v6, vm0, $0xb8;
	[tilespmem:$0xEC00] =	vst v63  }
0x8b: {  	v45 =	vor.u32 v44, v5;
	s14 =	rddreg [dreg:$0x1d]  }
0x8c: {  	[tilespmem:s0], [sflag:$0x1] =	stream.indirect_vreg.gather [hbm4b:s6+s3], $0x1, v7, vm0, $0xb8;
	[tilespmem:$0xEC00] =	vst v63  }
0x8d: {  	s0 =	rddreg [dreg:$0x1e]  }
0x8e: {  	[tilespmem:s14], [sflag:$0x2] =	stream.indirect_vreg.gather [hbm4b:s4+s3], $0x80, v7, vm0, $0xb8;
	[tilespmem:$0xEC00] =	vst v63  }
0x8f: {  	v46 =	vor.u32 v44, v4;
	s14 =	rddreg [dreg:$0x1f]  }
0x90: {  	[tilespmem:s0], [sflag:$0x1] =	stream.indirect_vreg.gather [hbm4b:s6+s3], $0x1, v45, vm0, $0xb8;
	[tilespmem:$0xEC00] =	vst v63  }
0x91: {  	s0 =	sld [smem:$0x7E2]  }
0x92: {  	v2 =	vadd.s32 $0x2, v2;
	[tilespmem:s14], [sflag:$0x2] =	stream.indirect_vreg.gather [hbm4b:s4+s3], $0x80, v45, vm0, $0xb8;
	[tilespmem:$0xEC00] =	vst v63  }
0x93: {  	vm1 =	vgt.s32 v2, $0x0;
	v47 =	vor.u32 v44, v3;
	s14 =	sld [smem:$0x7E3]  }
0x94: {  	v2 =	vnsel vm1, $0x0, v2;
	[tilespmem:s0], [sflag:$0x1] =	stream.indirect_vreg.gather [hbm4b:s6+s3], $0x1, v46, vm0, $0xb8;
	[tilespmem:$0xEC00] =	vst v63  }
0x95: {  	v2 =	vmin.u32 v2, $0x1FF;
	s0 =	sld [smem:$0x7E4]  }
0x96: {  	v2 =	vshll.u32 v2, $0x9;
	[tilespmem:s14], [sflag:$0x2] =	stream.indirect_vreg.gather [hbm4b:s4+s3], $0x80, v46, vm0, $0xb8;
	[tilespmem:$0xEC00] =	vst v63  }
0x97: {  	v48 =	vadd.s32 $0x1, v1;
	v2 =	vor.u32 v44, v2;
	s14 =	sld [smem:$0x7E5]  }
0x98: {  	vm1 =	vgt.s32 v48, $0x0;
	[tilespmem:s0], [sflag:$0x1] =	stream.indirect_vreg.gather [hbm4b:s6+s3], $0x1, v47, vm0, $0xb8;
	[tilespmem:$0xEC00] =	vst v63  }
0x99: {  	v7 =	vnsel vm1, $0x0, v48;
	s0 =	sld [smem:$0x7E6]  }
0x9a: {  	v49 =	vmin.u32 v7, $0x1FF;
	[tilespmem:s14], [sflag:$0x2] =	stream.indirect_vreg.gather [hbm4b:s4+s3], $0x80, v47, vm0, $0xb8;
	[tilespmem:$0xEC00] =	vst v63  }
0x9b: {  	v5 =	vor.u32 v49, v5;
	s14 =	sld [smem:$0x7E7]  }
0x9c: {  	[tilespmem:s0], [sflag:$0x1] =	stream.indirect_vreg.gather [hbm4b:s6+s3], $0x1, v2, vm0, $0xb8;
	[tilespmem:$0xEC00] =	vst v63  }
0x9d: {  	s0 =	sld [smem:$0x7E8]  }
0x9e: {  	[tilespmem:s14], [sflag:$0x2] =	stream.indirect_vreg.gather [hbm4b:s4+s3], $0x80, v2, vm0, $0xb8;
	[tilespmem:$0xEC00] =	vst v63  }
0x9f: {  	s14 =	sld [smem:$0x7E9];
	v2 =	vor.u32 v49, v4  }
0xa0: {  	[tilespmem:s0], [sflag:$0x1] =	stream.indirect_vreg.gather [hbm4b:s6+s3], $0x1, v5, vm0, $0xb8;
	[tilespmem:$0xEC00] =	vst v63  }
0xa1: {  	s0 =	sld [smem:$0x7EA]  }
0xa2: {  	[tilespmem:s14], [sflag:$0x2] =	stream.indirect_vreg.gather [hbm4b:s4+s3], $0x80, v5, vm0, $0xb8;
	[tilespmem:$0xEC00] =	vst v63  }
0xa3: {  	v1 =	vadd.s32 $0x2, v1;
	v3 =	vor.u32 v49, v3;
	s14 =	sld [smem:$0x7EB]  }
0xa4: {  	vm1 =	vgt.s32 v1, $0x0;
	[tilespmem:s0], [sflag:$0x1] =	stream.indirect_vreg.gather [hbm4b:s6+s3], $0x1, v2, vm0, $0xb8;
	[tilespmem:$0xEC00] =	vst v63  }
0xa5: {  	v1 =	vnsel vm1, $0x0, v1;
	s0 =	sld [smem:$0x7EC]  }
0xa6: {  	v1 =	vmin.u32 v1, $0x1FF;
	[tilespmem:s14], [sflag:$0x2] =	stream.indirect_vreg.gather [hbm4b:s4+s3], $0x80, v2, vm0, $0xb8;
	[tilespmem:$0xEC00] =	vst v63  }
0xa7: {  	v1 =	vor.u32 v1, v4;
	s14 =	sld [smem:$0x7ED]  }
0xa8: {  	[tilespmem:s0], [sflag:$0x1] =	stream.indirect_vreg.gather [hbm4b:s6+s3], $0x1, v3, vm0, $0xb8;
	[tilespmem:$0xEC00] =	vst v63  }
0xa9: {  	s0 =	sld [smem:$0x7EE]  }
0xaa: {  	[tilespmem:s14], [sflag:$0x2] =	stream.indirect_vreg.gather [hbm4b:s4+s3], $0x80, v3, vm0, $0xb8;
	[tilespmem:$0xEC00] =	vst v63  }
0xab: {  	s14 =	sld [smem:$0x7EF]  }
0xac: {  	[tilespmem:s0], [sflag:$0x1] =	stream.indirect_vreg.gather [hbm4b:s6+s3], $0x1, v1, vm0, $0xb8;
	[tilespmem:$0xEC00] =	vst v63  }
0xad: {  	_ = 	snop  }
0xae: {  	[tilespmem:s14], [sflag:$0x2] =	stream.indirect_vreg.gather [hbm4b:s4+s3], $0x80, v1, vm0, $0xb8;
	[tilespmem:$0xEC00] =	vst v63  }
0xaf: {  	v1 =	vld [tilespmem:$0x110]  }
0xb0: {  	v2 =	vld [tilespmem:$0x190];
	_ =	sdelay $0x4  }
0xb1: {  	v1 =	vadd.f32 $5.000000000e-01, v1;
	v2 =	vadd.f32 $5.000000000e-01, v2;
	_ =	sdelay $0x1  }
0xb2: {  	v1 =	vtrunc.f32 v1;
	v2 =	vtrunc.f32 v2  }
0xb3: {  	v1 =	vcvt.f32.s32 v1;
	v2 =	vcvt.f32.s32 v2;
	_ =	sdelay $0x1  }
0xb4: {  	v3 =	vadd.s32 $0xFFFFFFFE, v1;
	vm1 =	vgt.s32 v2, $0x0  }
0xb5: {  	v50 =	vnsel vm1, $0x0, v2;
	vm1 =	vgt.s32 v3, $0x0  }
0xb6: {  	v3 =	vnsel vm1, $0x0, v3;
	v4 =	vmin.u32 v50, $0x1FF  }
0xb7: {  	v51 =	vadd.s32 $0xFFFFFFFF, v2;
	v3 =	vmin.u32 v3, $0x1FF;
	v4 =	vshll.u32 v4, $0x9  }
0xb8: {  	v52 =	vadd.s32 $0xFFFFFFFF, v1;
	vm1 =	vgt.s32 v51, $0x0;
	v3 =	vor.u32 v3, v4  }
0xb9: {  	v53 =	vor.u32 v1, v2;
	v5 =	vnsel vm1, $0x0, v51;
	vm1 =	vgt.s32 v52, $0x0  }
0xba: {  	s0 =	sld [smem:$0x7F0];
	[tilespmem:$0x290] =	vst v1;
	v6 =	vnsel vm1, $0x0, v52;
	vm1 =	vlt.u32 v53, $0x200;
	v5 =	vmin.u32 v5, $0x1FF  }
0xbb: {  	[tilespmem:$0x310] =	vst v2;
	v7 =	vsel vm1, $0x1, v0;
	v6 =	vmin.u32 v6, $0x1FF;
	v5 =	vshll.u32 v5, $0x9  }
0xbc: {  	s14 =	sld [smem:$0x7F1];
	[tilespmem:$0x390] =	vst v7;
	v54 =	vor.u32 v6, v5  }
0xbd: {  	[tilespmem:s0], [sflag:$0x1] =	stream.indirect_vreg.gather [hbm4b:s6+s3], $0x1, v3, vm0, $0xb8;
	[tilespmem:$0xEC00] =	vst v63  }
0xbe: {  	s0 =	sld [smem:$0x7F2]  }
0xbf: {  	[tilespmem:s14], [sflag:$0x2] =	stream.indirect_vreg.gather [hbm4b:s4+s3], $0x80, v3, vm0, $0xb8;
	v3 =	vadd.s32 $0x1, v2;
	[tilespmem:$0xEC00] =	vst v63  }
0xc0: {  	v55 =	vor.u32 v6, v4;
	s14 =	sld [smem:$0x7F3];
	vm1 =	vgt.s32 v3, $0x0  }
0xc1: {  	[tilespmem:s0], [sflag:$0x1] =	stream.indirect_vreg.gather [hbm4b:s6+s3], $0x1, v54, vm0, $0xb8;
	v3 =	vnsel vm1, $0x0, v3;
	[tilespmem:$0xEC00] =	vst v63  }
0xc2: {  	s0 =	sld [smem:$0x7F4];
	v3 =	vmin.u32 v3, $0x1FF  }
0xc3: {  	v56 =	vadd.s32 $0xFFFFFFFE, v2;
	[tilespmem:s14], [sflag:$0x2] =	stream.indirect_vreg.gather [hbm4b:s4+s3], $0x80, v54, vm0, $0xb8;
	v3 =	vshll.u32 v3, $0x9;
	[tilespmem:$0xEC00] =	vst v63  }
0xc4: {  	vm1 =	vgt.s32 v56, $0x0;
	s14 =	sld [smem:$0x7F5];
	v6 =	vor.u32 v6, v3  }
0xc5: {  	v7 =	vnsel vm1, $0x0, v56;
	vm1 =	vgt.s32 v1, $0x0;
	[tilespmem:s0], [sflag:$0x1] =	stream.indirect_vreg.gather [hbm4b:s6+s3], $0x1, v55, vm0, $0xb8;
	[tilespmem:$0xEC00] =	vst v63  }
0xc6: {  	v57 =	vnsel vm1, $0x0, v1;
	v7 =	vmin.u32 v7, $0x1FF;
	s0 =	sld [smem:$0x7F6]  }
0xc7: {  	v58 =	vmin.u32 v57, $0x1FF;
	v7 =	vshll.u32 v7, $0x9;
	[tilespmem:s14], [sflag:$0x2] =	stream.indirect_vreg.gather [hbm4b:s4+s3], $0x80, v55, vm0, $0xb8;
	[tilespmem:$0xEC00] =	vst v63  }
0xc8: {  	v7 =	vor.u32 v58, v7;
	s14 =	sld [smem:$0x7F7]  }
0xc9: {  	[tilespmem:s0], [sflag:$0x1] =	stream.indirect_vreg.gather [hbm4b:s6+s3], $0x1, v6, vm0, $0xb8;
	[tilespmem:$0xEC00] =	vst v63  }
0xca: {  	s0 =	sld [smem:$0x7F8]  }
0xcb: {  	[tilespmem:s14], [sflag:$0x2] =	stream.indirect_vreg.gather [hbm4b:s4+s3], $0x80, v6, vm0, $0xb8;
	[tilespmem:$0xEC00] =	vst v63  }
0xcc: {  	v59 =	vor.u32 v58, v5;
	s14 =	sld [smem:$0x7F9]  }
0xcd: {  	[tilespmem:s0], [sflag:$0x1] =	stream.indirect_vreg.gather [hbm4b:s6+s3], $0x1, v7, vm0, $0xb8;
	[tilespmem:$0xEC00] =	vst v63  }
0xce: {  	s0 =	sld [smem:$0x7FA]  }
0xcf: {  	[tilespmem:s14], [sflag:$0x2] =	stream.indirect_vreg.gather [hbm4b:s4+s3], $0x80, v7, vm0, $0xb8;
	[tilespmem:$0xEC00] =	vst v63  }
0xd0: {  	v60 =	vor.u32 v58, v4;
	s14 =	sld [smem:$0x7FB]  }
0xd1: {  	[tilespmem:s0], [sflag:$0x1] =	stream.indirect_vreg.gather [hbm4b:s6+s3], $0x1, v59, vm0, $0xb8;
	[tilespmem:$0xEC00] =	vst v63  }
0xd2: {  	s0 =	sld [smem:$0x7FC]  }
0xd3: {  	v2 =	vadd.s32 $0x2, v2;
	[tilespmem:s14], [sflag:$0x2] =	stream.indirect_vreg.gather [hbm4b:s4+s3], $0x80, v59, vm0, $0xb8;
	[tilespmem:$0xEC00] =	vst v63  }
0xd4: {  	vm1 =	vgt.s32 v2, $0x0;
	v61 =	vor.u32 v58, v3;
	s14 =	sld [smem:$0x7FD]  }
0xd5: {  	v2 =	vnsel vm1, $0x0, v2;
	[tilespmem:s0], [sflag:$0x1] =	stream.indirect_vreg.gather [hbm4b:s6+s3], $0x1, v60, vm0, $0xb8;
	[tilespmem:$0xEC00] =	vst v63  }
0xd6: {  	v2 =	vmin.u32 v2, $0x1FF  }
0xd7: {  	v2 =	vshll.u32 v2, $0x9;
	[tilespmem:s14], [sflag:$0x2] =	stream.indirect_vreg.gather [hbm4b:s4+s3], $0x80, v60, vm0, $0xb8;
	[tilespmem:$0xEC00] =	vst v63  }
0xd8: {  	v62 =	vadd.s32 $0x1, v1;
	v2 =	vor.u32 v58, v2;
	s14 =	simm.s32 $0x790  }
0xd9: {  	vm1 =	vgt.s32 v62, $0x0;
	[tilespmem:s14], [sflag:$0x1] =	stream.indirect_vreg.gather [hbm4b:s6+s3], $0x1, v61, vm0, $0xb8;
	[tilespmem:$0xEC00] =	vst v63  }
0xda: {  	v7 =	vnsel vm1, $0x0, v62  }
0xdb: {  	v63 =	vmin.u32 v7, $0x1FF;
	[tilespmem:s15], [sflag:$0x2] =	stream.indirect_vreg.gather [hbm4b:s4+s3], $0x80, v61, vm0, $0xb8;
	[tilespmem:$0xEC00] =	vst v63  }
0xdc: {  	v5 =	vor.u32 v63, v5  }
0xdd: {  	[tilespmem:s16], [sflag:$0x1] =	stream.indirect_vreg.gather [hbm4b:s6+s3], $0x1, v2, vm0, $0xb8;
	[tilespmem:$0xEC00] =	vst v63  }
0xde: {  	_ = 	snop  }
0xdf: {  	[tilespmem:s17], [sflag:$0x2] =	stream.indirect_vreg.gather [hbm4b:s4+s3], $0x80, v2, vm0, $0xb8;
	[tilespmem:$0xEC00] =	vst v63  }
0xe0: {  	v2 =	vor.u32 v63, v4  }
0xe1: {  	[tilespmem:s18], [sflag:$0x1] =	stream.indirect_vreg.gather [hbm4b:s6+s3], $0x1, v5, vm0, $0xb8;
	[tilespmem:$0xEC00] =	vst v63  }
0xe2: {  	_ = 	snop  }
0xe3: {  	[tilespmem:s19], [sflag:$0x2] =	stream.indirect_vreg.gather [hbm4b:s4+s3], $0x80, v5, vm0, $0xb8;
	[tilespmem:$0xEC00] =	vst v63  }
0xe4: {  	v1 =	vadd.s32 $0x2, v1;
	v3 =	vor.u32 v63, v3  }
0xe5: {  	vm1 =	vgt.s32 v1, $0x0;
	[tilespmem:s20], [sflag:$0x1] =	stream.indirect_vreg.gather [hbm4b:s6+s3], $0x1, v2, vm0, $0xb8;
	[tilespmem:$0xEC00] =	vst v63  }
0xe6: {  	v1 =	vnsel vm1, $0x0, v1  }
0xe7: {  	v1 =	vmin.u32 v1, $0x1FF;
	[tilespmem:s21], [sflag:$0x2] =	stream.indirect_vreg.gather [hbm4b:s4+s3], $0x80, v2, vm0, $0xb8;
	[tilespmem:$0xEC00] =	vst v63  }
0xe8: {  	v1 =	vor.u32 v1, v4  }
0xe9: {  	[tilespmem:s22], [sflag:$0x1] =	stream.indirect_vreg.gather [hbm4b:s6+s3], $0x1, v3, vm0, $0xb8;
	[tilespmem:$0xEC00] =	vst v63  }
0xea: {  	_ = 	snop  }
0xeb: {  	[tilespmem:s23], [sflag:$0x2] =	stream.indirect_vreg.gather [hbm4b:s4+s3], $0x80, v3, vm0, $0xb8;
	[tilespmem:$0xEC00] =	vst v63  }
0xec: {  	_ = 	snop  }
0xed: {  	[tilespmem:s24], [sflag:$0x1] =	stream.indirect_vreg.gather [hbm4b:s6+s3], $0x1, v1, vm0, $0xb8;
	[tilespmem:$0xEC00] =	vst v63  }
0xee: {  	_ = 	snop  }
0xef: {  	[tilespmem:s25], [sflag:$0x2] =	stream.indirect_vreg.gather [hbm4b:s4+s3], $0x80, v1, vm0, $0xb8;
	[tilespmem:$0xEC00] =	vst v63  }
0xf0: {  	_ =	swait.ge [sflag:s11], $0x10  }
0xf1: {  	[sflag:s11] =	ssyncset.done $0x0  }
0xf2: {  	[sflag:s11] =	ssyncadd.s32 $0xFFFFFFF0  }
0xf3: {  	_ =	swait.ge [sflag:s11], $0x10  }
0xf4: {  	[sflag:s11] =	ssyncset.done $0x0  }
0xf5: {  	[sflag:s11] =	ssyncadd.s32 $0xFFFFFFF0  }
0xf6: {  	_ =	swait.ge [sflag:s11], $0x10  }
0xf7: {  	[sflag:s11] =	ssyncset.done $0x0  }
0xf8: {  	[sflag:s11] =	ssyncadd.s32 $0xFFFFFFF0  }
0xf9: {  	_ =	swait.ge [sflag:s11], $0x10  }
0xfa: {  	[sflag:s11] =	ssyncset.done $0x0  }
0xfb: {  	[sflag:s11] =	ssyncadd.s32 $0xFFFFFFF0  }
0xfc: {  	_ =	swait.ge [sflag:s11], $0x10  }
0xfd: {  	[sflag:s11] =	ssyncset.done $0x0  }
0xfe: {  	[sflag:s11] =	ssyncadd.s32 $0xFFFFFFF0  }
0xff: {  	_ =	swait.ge [sflag:s11], $0x10  }
0x100: {  	[sflag:s11] =	ssyncset.done $0x0  }
0x101: {  	[sflag:s11] =	ssyncadd.s32 $0xFFFFFFF0  }
0x102: {  	_ =	swait.ge [sflag:s11], $0x10  }
0x103: {  	[sflag:s11] =	ssyncset.done $0x0  }
0x104: {  	[sflag:s11] =	ssyncadd.s32 $0xFFFFFFF0  }
0x105: {  	_ =	swait.ge [sflag:s11], $0x10  }
0x106: {  	[sflag:s11] =	ssyncset.done $0x0  }
0x107: {  	[sflag:s11] =	ssyncadd.s32 $0xFFFFFFF0  }
0x108: {  	_ =	swait.ge [sflag:s11], $0x10  }
0x109: {  	[sflag:s11] =	ssyncset.done $0x0  }
0x10a: {  	[sflag:s11] =	ssyncadd.s32 $0xFFFFFFF0  }
0x10b: {  	_ =	swait.ge [sflag:s11], $0x10  }
0x10c: {  	[sflag:s11] =	ssyncset.done $0x0  }
0x10d: {  	[sflag:s11] =	ssyncadd.s32 $0xFFFFFFF0  }
0x10e: {  	_ =	swait.ge [sflag:s11], $0x10  }
0x10f: {  	[sflag:s11] =	ssyncset.done $0x0  }
0x110: {  	[sflag:s11] =	ssyncadd.s32 $0xFFFFFFF0  }
0x111: {  	_ =	swait.ge [sflag:s11], $0x10  }
0x112: {  	[sflag:s11] =	ssyncset.done $0x0  }
0x113: {  	[sflag:s11] =	ssyncadd.s32 $0xFFFFFFF0  }
0x114: {  	_ =	swait.ge [sflag:s11], $0x10  }
0x115: {  	[sflag:s11] =	ssyncset.done $0x0  }
0x116: {  	[sflag:s11] =	ssyncadd.s32 $0xFFFFFFF0  }
0x117: {  	_ =	swait.ge [sflag:s11], $0x10  }
0x118: {  	[sflag:s11] =	ssyncset.done $0x0  }
0x119: {  	[sflag:s11] =	ssyncadd.s32 $0xFFFFFFF0  }
0x11a: {  	_ =	swait.ge [sflag:s11], $0x10  }
0x11b: {  	[sflag:s11] =	ssyncset.done $0x0  }
0x11c: {  	[sflag:s11] =	ssyncadd.s32 $0xFFFFFFF0  }
0x11d: {  	_ =	swait.ge [sflag:s11], $0x10  }
0x11e: {  	[sflag:s11] =	ssyncset.done $0x0  }
0x11f: {  	[sflag:s11] =	ssyncadd.s32 $0xFFFFFFF0  }
0x120: {  	_ =	swait.ge [sflag:s11], $0x10  }
0x121: {  	[sflag:s11] =	ssyncset.done $0x0  }
0x122: {  	[sflag:s11] =	ssyncadd.s32 $0xFFFFFFF0  }
0x123: {  	_ =	swait.ge [sflag:s11], $0x10  }
0x124: {  	[sflag:s11] =	ssyncset.done $0x0  }
0x125: {  	[sflag:s11] =	ssyncadd.s32 $0xFFFFFFF0  }
0x126: {  	_ =	swait.ge [sflag:s11], $0x10  }
0x127: {  	[sflag:s11] =	ssyncset.done $0x0  }
0x128: {  	[sflag:s11] =	ssyncadd.s32 $0xFFFFFFF0  }
0x129: {  	_ =	swait.ge [sflag:s11], $0x10  }
0x12a: {  	[sflag:s11] =	ssyncset.done $0x0  }
0x12b: {  	[sflag:s11] =	ssyncadd.s32 $0xFFFFFFF0  }
0x12c: {  	_ =	swait.ge [sflag:s11], $0x10  }
0x12d: {  	[sflag:s11] =	ssyncset.done $0x0  }
0x12e: {  	[sflag:s11] =	ssyncadd.s32 $0xFFFFFFF0  }
0x12f: {  	_ =	swait.ge [sflag:s11], $0x10  }
0x130: {  	[sflag:s11] =	ssyncset.done $0x0  }
0x131: {  	[sflag:s11] =	ssyncadd.s32 $0xFFFFFFF0  }
0x132: {  	_ =	swait.ge [sflag:s11], $0x10  }
0x133: {  	[sflag:s11] =	ssyncset.done $0x0  }
0x134: {  	[sflag:s11] =	ssyncadd.s32 $0xFFFFFFF0  }
0x135: {  	_ =	swait.ge [sflag:s11], $0x10  }
0x136: {  	[sflag:s11] =	ssyncset.done $0x0  }
0x137: {  	[sflag:s11] =	ssyncadd.s32 $0xFFFFFFF0  }
0x138: {  	_ =	swait.ge [sflag:s11], $0x10  }
0x139: {  	[sflag:s11] =	ssyncset.done $0x0  }
0x13a: {  	[sflag:s11] =	ssyncadd.s32 $0xFFFFFFF0  }
0x13b: {  	_ =	swait.ge [sflag:s11], $0x10  }
0x13c: {  	[sflag:s11] =	ssyncset.done $0x0  }
0x13d: {  	s14 =	rddreg [dreg:$0x8];
	[sflag:s11] =	ssyncadd.s32 $0xFFFFFFF0  }
0x13e: {  	[hbm4b:s14+s3] =	stream.linear.scatter [tilespmem:s10], [sflag:$0x3], $0x20, $0x38;
	[tilespmem:$0xEC00] =	vst v63  }
0x13f: {  	_ =	swait.ge [sflag:s8], $0x20  }
0x140: {  	[sflag:s8] =	ssyncset.done $0x0  }
0x141: {  	s14 =	rddreg [dreg:$0x9];
	[sflag:s8] =	ssyncadd.s32 $0xFFFFFFE0  }
0x142: {  	[hbm4b:s14+s3] =	stream.linear.scatter [tilespmem:s26], [sflag:$0x3], $0x20, $0x38;
	[tilespmem:$0xEC00] =	vst v63  }
0x143: {  	_ =	swait.ge [sflag:s8], $0x20  }
0x144: {  	[sflag:s8] =	ssyncset.done $0x0  }
0x145: {  	s14 =	rddreg [dreg:$0xa];
	[sflag:s8] =	ssyncadd.s32 $0xFFFFFFE0  }
0x146: {  	[hbm4b:s14+s3] =	stream.linear.scatter [tilespmem:s28], [sflag:$0x3], $0x20, $0x38;
	[tilespmem:$0xEC00] =	vst v63  }
0x147: {  	_ =	swait.ge [sflag:s8], $0x20  }
0x148: {  	[sflag:s8] =	ssyncset.done $0x0  }
0x149: {  	s14 =	rddreg [dreg:$0xb];
	[sflag:s8] =	ssyncadd.s32 $0xFFFFFFE0  }
0x14a: {  	[hbm4b:s14+s3] =	stream.linear.scatter [tilespmem:s29], [sflag:$0x3], $0x20, $0x38;
	[tilespmem:$0xEC00] =	vst v63  }
0x14b: {  	_ =	swait.ge [sflag:s8], $0x20  }
0x14c: {  	[sflag:s8] =	ssyncset.done $0x0  }
0x14d: {  	s14 =	rddreg [dreg:$0xc];
	[sflag:s8] =	ssyncadd.s32 $0xFFFFFFE0  }
0x14e: {  	[hbm4b:s14+s3] =	stream.linear.scatter [tilespmem:s12], [sflag:$0x3], $0x800, $0x38;
	[tilespmem:$0xEC00] =	vst v63  }
0x14f: {  	_ =	swait.ge [sflag:s8], $0x800  }
0x150: {  	[sflag:s8] =	ssyncset.done $0x0  }
0x151: {  	[sflag:s8] =	ssyncadd.s32 $0xFFFFF800  }
0x152: {  	_ =	swait.ge [sflag:s30], $0x800  }
0x153: {  	[sflag:s30] =	ssyncset.done $0x0  }
0x154: {  	[sflag:s30] =	ssyncadd.s32 $0xFFFFF800  }
0x155: {  	_ =	swait.ge [sflag:s30], $0x800  }
0x156: {  	[sflag:s30] =	ssyncset.done $0x0  }
0x157: {  	[sflag:s30] =	ssyncadd.s32 $0xFFFFF800  }
0x158: {  	_ =	swait.ge [sflag:s30], $0x800  }
0x159: {  	[sflag:s30] =	ssyncset.done $0x0  }
0x15a: {  	[sflag:s30] =	ssyncadd.s32 $0xFFFFF800  }
0x15b: {  	_ =	swait.ge [sflag:s30], $0x800  }
0x15c: {  	[sflag:s30] =	ssyncset.done $0x0  }
0x15d: {  	[sflag:s30] =	ssyncadd.s32 $0xFFFFF800  }
0x15e: {  	_ =	swait.ge [sflag:s30], $0x800  }
0x15f: {  	[sflag:s30] =	ssyncset.done $0x0  }
0x160: {  	[sflag:s30] =	ssyncadd.s32 $0xFFFFF800  }
0x161: {  	_ =	swait.ge [sflag:s30], $0x800  }
0x162: {  	[sflag:s30] =	ssyncset.done $0x0  }
0x163: {  	[sflag:s30] =	ssyncadd.s32 $0xFFFFF800  }
0x164: {  	_ =	swait.ge [sflag:s30], $0x800  }
0x165: {  	[sflag:s30] =	ssyncset.done $0x0  }
0x166: {  	[sflag:s30] =	ssyncadd.s32 $0xFFFFF800  }
0x167: {  	_ =	swait.ge [sflag:s30], $0x800  }
0x168: {  	[sflag:s30] =	ssyncset.done $0x0  }
0x169: {  	[sflag:s30] =	ssyncadd.s32 $0xFFFFF800  }
0x16a: {  	_ =	swait.ge [sflag:s30], $0x800  }
0x16b: {  	[sflag:s30] =	ssyncset.done $0x0  }
0x16c: {  	[sflag:s30] =	ssyncadd.s32 $0xFFFFF800  }
0x16d: {  	_ =	swait.ge [sflag:s30], $0x800  }
0x16e: {  	[sflag:s30] =	ssyncset.done $0x0  }
0x16f: {  	[sflag:s30] =	ssyncadd.s32 $0xFFFFF800  }
0x170: {  	_ =	swait.ge [sflag:s30], $0x800  }
0x171: {  	[sflag:s30] =	ssyncset.done $0x0  }
0x172: {  	[sflag:s30] =	ssyncadd.s32 $0xFFFFF800  }
0x173: {  	_ =	swait.ge [sflag:s30], $0x800  }
0x174: {  	[sflag:s30] =	ssyncset.done $0x0  }
0x175: {  	[sflag:s30] =	ssyncadd.s32 $0xFFFFF800  }
0x176: {  	_ =	swait.ge [sflag:s30], $0x800  }
0x177: {  	[sflag:s30] =	ssyncset.done $0x0  }
0x178: {  	[sflag:s30] =	ssyncadd.s32 $0xFFFFF800  }
0x179: {  	_ =	swait.ge [sflag:s30], $0x800  }
0x17a: {  	[sflag:s30] =	ssyncset.done $0x0  }
0x17b: {  	[sflag:s30] =	ssyncadd.s32 $0xFFFFF800  }
0x17c: {  	_ =	swait.ge [sflag:s30], $0x800  }
0x17d: {  	[sflag:s30] =	ssyncset.done $0x0  }
0x17e: {  	[sflag:s30] =	ssyncadd.s32 $0xFFFFF800  }
0x17f: {  	_ =	swait.ge [sflag:s30], $0x800  }
0x180: {  	[sflag:s30] =	ssyncset.done $0x0  }
0x181: {  	[sflag:s30] =	ssyncadd.s32 $0xFFFFF800  }
0x182: {  	_ =	swait.ge [sflag:s30], $0x800  }
0x183: {  	[sflag:s30] =	ssyncset.done $0x0  }
0x184: {  	[sflag:s30] =	ssyncadd.s32 $0xFFFFF800  }
0x185: {  	_ =	swait.ge [sflag:s30], $0x800  }
0x186: {  	[sflag:s30] =	ssyncset.done $0x0  }
0x187: {  	[sflag:s30] =	ssyncadd.s32 $0xFFFFF800  }
0x188: {  	_ =	swait.ge [sflag:s30], $0x800  }
0x189: {  	[sflag:s30] =	ssyncset.done $0x0  }
0x18a: {  	[sflag:s30] =	ssyncadd.s32 $0xFFFFF800  }
0x18b: {  	_ =	swait.ge [sflag:s30], $0x800  }
0x18c: {  	[sflag:s30] =	ssyncset.done $0x0  }
0x18d: {  	[sflag:s30] =	ssyncadd.s32 $0xFFFFF800  }
0x18e: {  	_ =	swait.ge [sflag:s30], $0x800  }
0x18f: {  	[sflag:s30] =	ssyncset.done $0x0  }
0x190: {  	[sflag:s30] =	ssyncadd.s32 $0xFFFFF800  }
0x191: {  	_ =	swait.ge [sflag:s30], $0x800  }
0x192: {  	[sflag:s30] =	ssyncset.done $0x0  }
0x193: {  	[sflag:s30] =	ssyncadd.s32 $0xFFFFF800  }
0x194: {  	_ =	swait.ge [sflag:s30], $0x800  }
0x195: {  	[sflag:s30] =	ssyncset.done $0x0  }
0x196: {  	[sflag:s30] =	ssyncadd.s32 $0xFFFFF800  }
0x197: {  	_ =	swait.ge [sflag:s30], $0x800  }
0x198: {  	[sflag:s30] =	ssyncset.done $0x0  }
0x199: {  	[sflag:s30] =	ssyncadd.s32 $0xFFFFF800  }
0x19a: {  	_ =	swait.ge [sflag:s30], $0x800  }
0x19b: {  	[sflag:s30] =	ssyncset.done $0x0  }
0x19c: {  	[sflag:s30] =	ssyncadd.s32 $0xFFFFF800  }
0x19d: {  	_ =	swait.ge [sflag:s30], $0x800  }
0x19e: {  	[sflag:s30] =	ssyncset.done $0x0  }
0x19f: {  	[sflag:s30] =	ssyncadd.s32 $0xFFFFF800  }
0x1a0: {  	_ =	swait.ge [sflag:s30], $0x800  }
0x1a1: {  	[sflag:s30] =	ssyncset.done $0x0  }
0x1a2: {  	[sflag:s30] =	ssyncadd.s32 $0xFFFFF800  }
0x1a3: {  	_ =	swait.ge [sflag:s30], $0x800  }
0x1a4: {  	[sflag:s30] =	ssyncset.done $0x0  }
0x1a5: {  	s14 =	rddreg [dreg:$0xd];
	[sflag:s30] =	ssyncadd.s32 $0xFFFFF800  }
0x1a6: {  	[hbm4b:s14+s3] =	stream.linear.scatter [tilespmem:s9], [sflag:$0x3], $0x1000, $0x38;
	[tilespmem:$0xEC00] =	vst v63  }
0x1a7: {  	_ =	swait.ge [sflag:s8], $0x1000  }
0x1a8: {  	p0 =	sne.s32 s7, $0x1;
	[sflag:s8] =	ssyncset.done $0x0  }
.Ltmp0:
0x1a9: {  	s14 =	rddreg [dreg:$0xe];
	[sflag:s8] =	ssyncadd.s32 $0xFFFFF000;
	(pc) =	sbr.rel @p0 .LBB2_1-.Ltmp0, $4  }
0x1aa: {  	[hbm4b:s14+s31] =	stream.strided.scatter [tilespmem:s13], [sflag:$0x3], $0xD000, s1, s31, $0x38;
	[tilespmem:$0xEC00] =	vst v63  }
0x1ab: {  	_ =	swait.ge [sflag:s8], $0xD000  }
0x1ac: {  	[sflag:s8] =	ssyncset.done $0x0  }
0x1ad: {  	s7 =	sadd.s32 $0xFFFFFFFF, s7;
	[sflag:s8] =	ssyncadd.s32 $0xFFFF3000  }
0x1ae: {  	_ =	sfence.sel $0x180000  }
0x1af: {  	[bflag:$0x0] =	sbarrier.arrive $0xFFFF  }
0x1b0: {  	_ =	strace $0x90000047  }
0x1b1: {  	s0 =	stileid.u32;
	[bflag:$0x2] =	sbarrier.arrive $0xFFFF  }
0x1b2: {  	p0 =	sne.s32 s0, $0x0;
	s0 =	rddreg [dreg:$0x5]  }
0x1b3: {  	s0 =	sadd.s32 @!p0 $0x100000, s0  }
0x1b4: {  	[sflag:s0] =	ssyncadd.tile.s32 @!p0 $0x1;
	_ =	shalt  }
.Lfunc_end2:
_tile_overlayer_lowered:
.L_overlay_start_2:
0x1b5: {  	(tag) =	ssettag $0x2  }
0x1b6: {  	s0 =	rddreg [dreg:$0x0];
	s2 =	stileid.u32  }
0x1b7: {  	s1 =	rddreg [dreg:$0x1];
	p0 =	sne.s32 s2, $0x0  }
0x1b8: {  	s3 =	rddreg [dreg:$0x2];
	[bflag:$0x3] =	sbarrier.arrive $0xFFFF;
	s2 =	simm.s32 @!p0 $0x1C03  }
0x1b9: {  	[timem:s3], [sflag:s2] =	dma.local @!p0 [hbm:s0], s1  }
0x1ba: {  	s0 =	simm.s32 @!p0 $0x3  }
0x1bb: {  	_ =	swait.ge @!p0 [sflag:s0], s1  }
0x1bc: {  	s1 =	ssub.s32 @!p0 $0x0, s1;
	[sflag:s0] =	ssyncset.done @!p0 $0x0  }
0x1bd: {  	[sflag:s0] =	ssyncadd.s32 @!p0 s1  }
0x1be: {  	[bflag:$0x3] =	sbarrier.arrive $0xFFFF  }
0x1bf: {  	_ =	shalt  }

</sc_bundles>
